<compile_context>
chip_gen: v7x
topology: tpu7x:2x2x1
jax: 0.10.2.dev20260603
libtpu: 0.0.44.dev20260713+nightly
codegen_flags: <defaults>
</compile_context>

<pallas_src>
import functools

import jax
import jax.numpy as jnp
from jax import lax
from jax.experimental import pallas as pl
from jax.experimental.pallas import tpu as pltpu
from jax.experimental.pallas import tpu_sc as plsc

N = 10000
E = 320000
D = 128
L = 3

NC = 2
NS = 16
NW = NC * NS

B = 5000
KQ = 128
SLOTS = 48
NQ = 4
CAPQ = NS * SLOTS * KQ

HS_ROWS = 5120
HSTRIPE = HS_ROWS // NS
AGG_ROWS = 5248
ASTRIPE = AGG_ROWS // NS
DUMMY = 5100

BLK = 1000
NB = N // BLK



def _agg_body(h_hbm, src_hbm, dst_hbm, zeros_hbm, out_hbm,
              src_t, dst_t, rows0, rows1, h_sh, agg_sh,
              hsem, isem, zsem, gsem0, gsem1, ssem0, ssem1):
    c = lax.axis_index("c")
    s = lax.axis_index("s")
    hoff = c * B + s * 312

    def _h_copy(rows):
        return pltpu.make_async_copy(h_hbm.at[pl.ds(hoff, rows)],
                                     h_sh.at[pl.ds(s * 312, rows)], hsem)

    @pl.when(s < NS - 1)
    def _():
        _h_copy(312).start()

    @pl.when(s == NS - 1)
    def _():
        _h_copy(320).start()

    bufs = (rows0, rows1)
    gsems = (gsem0, gsem1)
    ssems = (ssem0, ssem1)

    def start_gather(b, j):
        pltpu.async_copy(h_sh.at[src_t.at[j]], bufs[b], gsems[b])

    def wait_gather(b, j):
        pltpu.make_async_copy(h_sh.at[src_t.at[j]], bufs[b], gsems[b]).wait()

    def start_scatter(b, j):
        pltpu.async_copy(bufs[b], agg_sh.at[dst_t.at[j]], ssems[b], add=True)

    def wait_scatter(b, j):
        pltpu.make_async_copy(bufs[b], agg_sh.at[dst_t.at[j]],
                              ssems[b]).wait()

    def run_pass(p):
        q = c * 2 + p
        az = agg_sh.at[pl.ds(s * ASTRIPE, ASTRIPE)]
        zc = pltpu.make_async_copy(zeros_hbm, az, zsem)
        sc_ = pltpu.make_async_copy(src_hbm.at[q].at[s], src_t, isem)
        dc_ = pltpu.make_async_copy(dst_hbm.at[q].at[s], dst_t, isem)
        zc.start()
        sc_.start()
        dc_.start()
        zc.wait()
        sc_.wait()
        dc_.wait()
        plsc.subcore_barrier()

        start_gather(0, 0)

        def body(j, carry):
            def step(cur, oth):
                wait_gather(cur, j)
                start_scatter(cur, j)

                @pl.when(j >= 1)
                def _():
                    wait_scatter(oth, j - 1)

                @pl.when(j + 1 < SLOTS)
                def _():
                    start_gather(oth, j + 1)

            @pl.when(j % 2 == 0)
            def _():
                step(0, 1)

            @pl.when(j % 2 == 1)
            def _():
                step(1, 0)

            return carry

        lax.fori_loop(0, SLOTS, body, 0)
        wait_scatter((SLOTS - 1) % 2, SLOTS - 1)
        plsc.subcore_barrier()
        off = q * AGG_ROWS + s * ASTRIPE
        pltpu.sync_copy(agg_sh.at[pl.ds(s * ASTRIPE, ASTRIPE)],
                        out_hbm.at[pl.ds(off, ASTRIPE)])

    @pl.when(s < NS - 1)
    def _():
        _h_copy(312).wait()

    @pl.when(s == NS - 1)
    def _():
        _h_copy(320).wait()

    run_pass(0)
    run_pass(1)


@functools.cache
def _agg_kernel():
    return pl.kernel(
        _agg_body,
        out_type=jax.ShapeDtypeStruct((NC * 2 * AGG_ROWS, D), jnp.float32),
        mesh=plsc.VectorSubcoreMesh(core_axis_name="c", subcore_axis_name="s",
                                    num_cores=NC, num_subcores=NS),
        scratch_types=[
            pltpu.VMEM((SLOTS, KQ), jnp.int32),
            pltpu.VMEM((SLOTS, KQ), jnp.int32),
            pltpu.VMEM((KQ, D), jnp.float32),
            pltpu.VMEM((KQ, D), jnp.float32),
            pltpu.VMEM_SHARED((HS_ROWS, D), jnp.float32),
            pltpu.VMEM_SHARED((AGG_ROWS, D), jnp.float32),
            pltpu.SemaphoreType.DMA,
            pltpu.SemaphoreType.DMA,
            pltpu.SemaphoreType.DMA,
            pltpu.SemaphoreType.DMA,
            pltpu.SemaphoreType.DMA,
            pltpu.SemaphoreType.DMA,
            pltpu.SemaphoreType.DMA,
        ],
    )


def _agg(h, tbl_src, tbl_dst, zeros_a):
    return _agg_kernel()(h, tbl_src, tbl_dst, zeros_a)



def _lin_body(x_ref, w_ref, b_ref, o_ref):
    o_ref[...] = (
        jnp.dot(x_ref[...], w_ref[...], preferred_element_type=jnp.float32)
        + b_ref[...]
    )


def _linear(x, w, b):
    return pl.pallas_call(
        _lin_body,
        grid=(NB,),
        in_specs=[
            pl.BlockSpec((BLK, D), lambda i: (i, 0)),
            pl.BlockSpec((D, D), lambda i: (0, 0)),
            pl.BlockSpec((1, D), lambda i: (0, 0)),
        ],
        out_specs=pl.BlockSpec((BLK, D), lambda i: (i, 0)),
        out_shape=jax.ShapeDtypeStruct((N, D), jnp.float32),
    )(x, w, b)


def _mlp_body(h_ref, agg_ref, w1_ref, b1_ref, w2_ref, b2_ref,
              z_ref, stats_ref, acc_ref):
    i = pl.program_id(0)
    z = h_ref[...] + agg_ref[0, 0] + agg_ref[1, 0]
    z = jnp.maximum(
        jnp.dot(z, w1_ref[...], preferred_element_type=jnp.float32)
        + b1_ref[...], 0.0)
    z = jnp.maximum(
        jnp.dot(z, w2_ref[...], preferred_element_type=jnp.float32)
        + b2_ref[...], 0.0)
    z_ref[...] = z

    @pl.when(i == 0)
    def _():
        acc_ref[...] = jnp.zeros_like(acc_ref)

    acc_ref[0:1] += jnp.sum(z, axis=0, keepdims=True)
    acc_ref[1:2] += jnp.sum(z * z, axis=0, keepdims=True)
    stats_ref[...] = acc_ref[...]


def _mlp(h, parts, w1, b1, w2, b2):
    nblk = B // BLK
    return pl.pallas_call(
        _mlp_body,
        grid=(NB,),
        in_specs=[
            pl.BlockSpec((BLK, D), lambda i: (i, 0)),
            pl.BlockSpec((NC, 1, BLK, D),
                         lambda i: (0, i // nblk, i % nblk, 0)),
            pl.BlockSpec((D, D), lambda i: (0, 0)),
            pl.BlockSpec((1, D), lambda i: (0, 0)),
            pl.BlockSpec((D, D), lambda i: (0, 0)),
            pl.BlockSpec((1, D), lambda i: (0, 0)),
        ],
        out_specs=[
            pl.BlockSpec((BLK, D), lambda i: (i, 0)),
            pl.BlockSpec((2, D), lambda i: (0, 0)),
        ],
        out_shape=[
            jax.ShapeDtypeStruct((N, D), jnp.float32),
            jax.ShapeDtypeStruct((2, D), jnp.float32),
        ],
        scratch_shapes=[pltpu.VMEM((2, D), jnp.float32)],
    )(h, parts, w1, b1, w2, b2)


def _bn_body(z_ref, stats_ref, g_ref, be_ref, o_ref):
    inv_n = jnp.float32(1.0 / N)
    mean = stats_ref[0:1] * inv_n
    var = stats_ref[1:2] * inv_n - mean * mean
    scale = g_ref[...] * lax.rsqrt(var + 1e-5)
    o_ref[...] = jnp.tanh((z_ref[...] - mean) * scale + be_ref[...])


def _bn(z, stats, g, be):
    return pl.pallas_call(
        _bn_body,
        grid=(NB,),
        in_specs=[
            pl.BlockSpec((BLK, D), lambda i: (i, 0)),
            pl.BlockSpec((2, D), lambda i: (0, 0)),
            pl.BlockSpec((1, D), lambda i: (0, 0)),
            pl.BlockSpec((1, D), lambda i: (0, 0)),
        ],
        out_specs=pl.BlockSpec((BLK, D), lambda i: (i, 0)),
        out_shape=jax.ShapeDtypeStruct((N, D), jnp.float32),
    )(z, stats, g, be)



def _build_tables(edge_index):
    src = edge_index[0]
    dst = edge_index[1]
    qid = (src >= B).astype(jnp.int32) * 2 + (dst >= B).astype(jnp.int32)
    lsrc = src - (qid // 2) * B
    ldst = dst - (qid % 2) * B
    packed = jnp.sort((qid << 28) | (lsrc << 14) | ldst)
    ls = jnp.concatenate([(packed >> 14) & 0x3FFF, jnp.zeros((CAPQ,), jnp.int32)])
    ld = jnp.concatenate([packed & 0x3FFF, jnp.full((CAPQ,), DUMMY, jnp.int32)])
    nq = jnp.sum(qid[:, None] == jnp.arange(NQ, dtype=jnp.int32)[None, :],
                 axis=0, dtype=jnp.int32)
    cum = jnp.concatenate([jnp.zeros((1,), jnp.int32), jnp.cumsum(nq)[:-1]])
    pos = jnp.arange(CAPQ, dtype=jnp.int32)
    srcs, dsts = [], []
    for q in range(NQ):
        seg_s = lax.dynamic_slice(ls, (cum[q],), (CAPQ,))
        seg_d = lax.dynamic_slice(ld, (cum[q],), (CAPQ,))
        mask = pos < nq[q]
        srcs.append(jnp.where(mask, seg_s, 0))
        dsts.append(jnp.where(mask, seg_d, DUMMY))
    tbl_src = jnp.stack(srcs)
    tbl_dst = jnp.stack(dsts)
    return (tbl_src.reshape(NQ, NS, SLOTS, KQ),
            tbl_dst.reshape(NQ, NS, SLOTS, KQ))


def kernel(x, edge_index, W0, b0, W1, B1, W2, B2, G, Be):
    tbl_src, tbl_dst = _build_tables(edge_index)
    zeros_a = jnp.zeros((ASTRIPE, D), jnp.float32)

    h = _linear(x, W0, b0.reshape(1, D))
    outs = [x]
    for l in range(L):
        parts = _agg(h, tbl_src, tbl_dst,
                     zeros_a).reshape(NC, 2, AGG_ROWS, D)
        z, stats = _mlp(h, parts, W1[l], B1[l].reshape(1, D),
                        W2[l], B2[l].reshape(1, D))
        h = _bn(z, stats, G[l].reshape(1, D), Be[l].reshape(1, D))
        outs.append(h)
    return tuple(outs)

# --- scband reference (transcript-rebuilt; emitter-appended) ---
"""Pipeline reference for scband-my-gin-lin-16690242912994 (READ-ONLY COPY).

The authoritative reference and input builder live on the scoring server;
editing this copy changes nothing except your own understanding.
"""

import jax, jax.numpy as jnp
import numpy as np

N = 10000
E = 320000
D = 128
L = 3


def _xavier_uniform(key, fan_in, fan_out):
    limit = float(np.sqrt(6.0 / (fan_in + fan_out)))
    return jax.random.uniform(key, (fan_in, fan_out), jnp.float32, -limit, limit)


def _bias(key, fan_in, shape):
    bound = float(1.0 / np.sqrt(fan_in))
    return jax.random.uniform(key, shape, jnp.float32, -bound, bound)


def setup_inputs(seed: int = 0) -> dict:
    key = jax.random.key(seed)
    ks = jax.random.split(key, 16)
    x = jax.random.normal(ks[0], (N, D), jnp.float32)
    edge_index = jax.random.randint(ks[1], (2, E), 0, N, dtype=jnp.int32)
    # First linear layer (convs[0]): Linear(in_channels, hidden_channels)
    W0 = _xavier_uniform(ks[2], D, D)
    b0 = _bias(ks[3], D, (D,))
    # Per-GIN-layer MLP params, stacked over layers
    W1 = jnp.stack([_xavier_uniform(jax.random.fold_in(ks[4], l), D, D) for l in range(L)])
    B1 = jnp.stack([_bias(jax.random.fold_in(ks[5], l), D, (D,)) for l in range(L)])
    W2 = jnp.stack([_xavier_uniform(jax.random.fold_in(ks[6], l), D, D) for l in range(L)])
    B2 = jnp.stack([_bias(jax.random.fold_in(ks[7], l), D, (D,)) for l in range(L)])
    G = jnp.ones((L, D), jnp.float32)   # BatchNorm gamma
    Be = jnp.zeros((L, D), jnp.float32)  # BatchNorm beta
    return {"x": x, "edge_index": edge_index, "W0": W0, "b0": b0,
            "W1": W1, "B1": B1, "W2": W2, "B2": B2, "G": G, "Be": Be}


def _batchnorm(z, gamma, beta, eps=1e-5):
    mean = jnp.mean(z, axis=0)
    var = jnp.var(z, axis=0)  # biased variance, as torch BN uses for normalization
    return (z - mean) / jnp.sqrt(var + eps) * gamma + beta


def reference(x, edge_index, W0, b0, W1, B1, W2, B2, G, Be):
    src = edge_index[0]
    dst = edge_index[1]
    outs = [x]  # emb_list.append(x) before any conv
    h = x @ W0 + b0  # convs[0] plain Linear
    for l in range(L):
        # GINConv, train_eps=False (eps=0), aggr='add':
        # out = mlp((1+eps)*x_i + sum_{j in N(i)} x_j)
        agg = jnp.zeros_like(h).at[dst].add(h[src])
        z = h + agg
        z = jax.nn.relu(z @ W1[l] + B1[l])
        z = jax.nn.relu(z @ W2[l] + B2[l])
        z = _batchnorm(z, G[l], Be[l])
        h = jnp.tanh(z)
        outs.append(h)
    return tuple(outs)

if __name__ == "__main__":
    import jax
    _d = setup_inputs()
    print(jax.jit(kernel)(*tuple(_d.values())))

</pallas_src>

<mosaic_0001>
#map = affine_map<(d0, d1) -> (0, 0)>
#map1 = affine_map<(d0, d1) -> (0, 0, 0, 0)>
module attributes {stable_mosaic.version = 14 : i64} {
  func.func @_agg_body(%arg0: i32, %arg1: i32, %arg2: memref<10000x128xf32, #tpu.memory_space<hbm>>, %arg3: memref<4x16x48x128xi32, #tpu.memory_space<hbm>>, %arg4: memref<4x16x48x128xi32, #tpu.memory_space<hbm>>, %arg5: memref<328x128xf32, #tpu.memory_space<hbm>>, %arg6: memref<20992x128xf32, #tpu.memory_space<hbm>>, %arg7: memref<48x128xi32, #tpu.memory_space<vmem>>, %arg8: memref<48x128xi32, #tpu.memory_space<vmem>>, %arg9: memref<128x128xf32, #tpu.memory_space<vmem>>, %arg10: memref<128x128xf32, #tpu.memory_space<vmem>>, %arg11: memref<5120x128xf32, #tpu.memory_space<vmem_shared>>, %arg12: memref<5248x128xf32, #tpu.memory_space<vmem_shared>>, %arg13: memref<!tpu.dma_semaphore, #tpu.memory_space<semaphore_mem>>, %arg14: memref<!tpu.dma_semaphore, #tpu.memory_space<semaphore_mem>>, %arg15: memref<!tpu.dma_semaphore, #tpu.memory_space<semaphore_mem>>, %arg16: memref<!tpu.dma_semaphore, #tpu.memory_space<semaphore_mem>>, %arg17: memref<!tpu.dma_semaphore, #tpu.memory_space<semaphore_mem>>, %arg18: memref<!tpu.dma_semaphore, #tpu.memory_space<semaphore_mem>>, %arg19: memref<!tpu.dma_semaphore, #tpu.memory_space<semaphore_mem>>) attributes {dimension_semantics = [#tpu.dimension_semantics<core_parallel>, #tpu.dimension_semantics<subcore_parallel>], iteration_bounds = array<i64: 2, 16>, scalar_prefetch = 0 : i64, scratch_operands = 13 : i64, tpu.core_type = #tpu.core_type<sc_vector_subcore>, window_params = [{transform_indices = #map}, {transform_indices = #map1}, {transform_indices = #map1}, {transform_indices = #map}, {transform_indices = #map}]} {
    %mul3A = arith.constant 5000 : i32
    %mul3A_0 = arith.muli %arg0, %mul3A : i32
    %mul3A_1 = arith.constant 312 : i32
    %mul3A_2 = arith.muli %arg1, %mul3A_1 : i32
    %add3A = arith.addi %mul3A_0, %mul3A_2 : i32
    %lt3A = arith.constant 15 : i32
    %lt3A_3 = arith.cmpi slt, %arg1, %lt3A : i32
    %convert_element_type3A = arith.extui %lt3A_3 : i1 to i32
    %cond3A = arith.constant 0 : i32
    %cond3A_4 = arith.cmpi ne, %convert_element_type3A, %cond3A : i32
    scf.if %cond3A_4 {
      %mul3A_237 = arith.constant 312 : i32
      %mul3A_238 = arith.muli %arg1, %mul3A_237 : i32
      %dma_start3A_239 = arith.constant 0 : i32
      %dma_start3A_240 = tpu.memref_slice %arg11[%mul3A_238, %dma_start3A_239] : memref<5120x128xf32, #tpu.memory_space<vmem_shared>> -> memref<312x128xf32, #tpu.memory_space<vmem_shared>>
      %dma_start3A_241 = arith.constant 0 : i32
      %dma_start3A_242 = tpu.memref_slice %arg2[%add3A, %dma_start3A_241] : memref<10000x128xf32, #tpu.memory_space<hbm>> -> memref<312x128xf32, #tpu.memory_space<hbm>>
      tpu.enqueue_dma source(%dma_start3A_242 : memref<312x128xf32, #tpu.memory_space<hbm>>) target(%dma_start3A_240 : memref<312x128xf32, #tpu.memory_space<vmem_shared>>) target_semaphore(%arg13 : memref<!tpu.dma_semaphore, #tpu.memory_space<semaphore_mem>>)
    } else {
    }
    %eq3A = arith.constant 15 : i32
    %eq3A_5 = arith.cmpi eq, %arg1, %eq3A : i32
    %convert_element_type3A_6 = arith.extui %eq3A_5 : i1 to i32
    %cond3A_7 = arith.constant 0 : i32
    %cond3A_8 = arith.cmpi ne, %convert_element_type3A_6, %cond3A_7 : i32
    scf.if %cond3A_8 {
      %mul3A_237 = arith.constant 312 : i32
      %mul3A_238 = arith.muli %arg1, %mul3A_237 : i32
      %dma_start3A_239 = arith.constant 0 : i32
      %dma_start3A_240 = tpu.memref_slice %arg11[%mul3A_238, %dma_start3A_239] : memref<5120x128xf32, #tpu.memory_space<vmem_shared>> -> memref<320x128xf32, #tpu.memory_space<vmem_shared>>
      %dma_start3A_241 = arith.constant 0 : i32
      %dma_start3A_242 = tpu.memref_slice %arg2[%add3A, %dma_start3A_241] : memref<10000x128xf32, #tpu.memory_space<hbm>> -> memref<320x128xf32, #tpu.memory_space<hbm>>
      tpu.enqueue_dma source(%dma_start3A_242 : memref<320x128xf32, #tpu.memory_space<hbm>>) target(%dma_start3A_240 : memref<320x128xf32, #tpu.memory_space<vmem_shared>>) target_semaphore(%arg13 : memref<!tpu.dma_semaphore, #tpu.memory_space<semaphore_mem>>)
    } else {
    }
    %lt3A_9 = arith.constant 15 : i32
    %lt3A_10 = arith.cmpi slt, %arg1, %lt3A_9 : i32
    %convert_element_type3A_11 = arith.extui %lt3A_10 : i1 to i32
    %cond3A_12 = arith.constant 0 : i32
    %cond3A_13 = arith.cmpi ne, %convert_element_type3A_11, %cond3A_12 : i32
    scf.if %cond3A_13 {
      %mul3A_237 = arith.constant 312 : i32
      %mul3A_238 = arith.muli %arg1, %mul3A_237 : i32
      %dma_wait3A_239 = arith.constant 0 : i32
      %dma_wait3A_240 = tpu.memref_slice %arg11[%mul3A_238, %dma_wait3A_239] : memref<5120x128xf32, #tpu.memory_space<vmem_shared>> -> memref<312x128xf32, #tpu.memory_space<vmem_shared>>
      %dma_wait3A_241 = arith.constant 0 : i32
      %dma_wait3A_242 = tpu.memref_slice %arg2[%add3A, %dma_wait3A_241] : memref<10000x128xf32, #tpu.memory_space<hbm>> -> memref<312x128xf32, #tpu.memory_space<hbm>>
      tpu.wait_dma2 semaphore(%arg13 : memref<!tpu.dma_semaphore, #tpu.memory_space<semaphore_mem>>) src(%dma_wait3A_242 : memref<312x128xf32, #tpu.memory_space<hbm>>) dst(%dma_wait3A_240 : memref<312x128xf32, #tpu.memory_space<vmem_shared>>)
    } else {
    }
    %eq3A_14 = arith.constant 15 : i32
    %eq3A_15 = arith.cmpi eq, %arg1, %eq3A_14 : i32
    %convert_element_type3A_16 = arith.extui %eq3A_15 : i1 to i32
    %cond3A_17 = arith.constant 0 : i32
    %cond3A_18 = arith.cmpi ne, %convert_element_type3A_16, %cond3A_17 : i32
    scf.if %cond3A_18 {
      %mul3A_237 = arith.constant 312 : i32
      %mul3A_238 = arith.muli %arg1, %mul3A_237 : i32
      %dma_wait3A_239 = arith.constant 0 : i32
      %dma_wait3A_240 = tpu.memref_slice %arg11[%mul3A_238, %dma_wait3A_239] : memref<5120x128xf32, #tpu.memory_space<vmem_shared>> -> memref<320x128xf32, #tpu.memory_space<vmem_shared>>
      %dma_wait3A_241 = arith.constant 0 : i32
      %dma_wait3A_242 = tpu.memref_slice %arg2[%add3A, %dma_wait3A_241] : memref<10000x128xf32, #tpu.memory_space<hbm>> -> memref<320x128xf32, #tpu.memory_space<hbm>>
      tpu.wait_dma2 semaphore(%arg13 : memref<!tpu.dma_semaphore, #tpu.memory_space<semaphore_mem>>) src(%dma_wait3A_242 : memref<320x128xf32, #tpu.memory_space<hbm>>) dst(%dma_wait3A_240 : memref<320x128xf32, #tpu.memory_space<vmem_shared>>)
    } else {
    }
    %mul3A_19 = arith.constant 2 : i32
    %mul3A_20 = arith.muli %arg0, %mul3A_19 : i32
    %add3A_21 = arith.constant 0 : i32
    %add3A_22 = arith.addi %mul3A_20, %add3A_21 : i32
    %mul3A_23 = arith.constant 328 : i32
    %mul3A_24 = arith.muli %arg1, %mul3A_23 : i32
    %dma_start3A = arith.constant 0 : i32
    %dma_start3A_25 = tpu.memref_slice %arg12[%mul3A_24, %dma_start3A] : memref<5248x128xf32, #tpu.memory_space<vmem_shared>> -> memref<328x128xf32, #tpu.memory_space<vmem_shared>>
    tpu.enqueue_dma source(%arg5 : memref<328x128xf32, #tpu.memory_space<hbm>>) target(%dma_start3A_25 : memref<328x128xf32, #tpu.memory_space<vmem_shared>>) target_semaphore(%arg15 : memref<!tpu.dma_semaphore, #tpu.memory_space<semaphore_mem>>)
    %dma_start3A_26 = arith.constant 0 : i32
    %dma_start3A_27 = arith.constant 0 : i32
    %dma_start3A_28 = arith.constant 0 : i32
    %dma_start3A_29 = tpu.memref_slice %arg3[%add3A_22, %dma_start3A_26, %dma_start3A_27, %dma_start3A_28] : memref<4x16x48x128xi32, #tpu.memory_space<hbm>> -> memref<1x16x48x128xi32, #tpu.memory_space<hbm>>
    %dma_start3A_30 = tpu.memref_squeeze %dma_start3A_29 : memref<1x16x48x128xi32, #tpu.memory_space<hbm>> -> memref<16x48x128xi32, #tpu.memory_space<hbm>>
    %dma_start3A_31 = arith.constant 0 : i32
    %dma_start3A_32 = arith.constant 0 : i32
    %dma_start3A_33 = tpu.memref_slice %dma_start3A_30[%arg1, %dma_start3A_31, %dma_start3A_32] : memref<16x48x128xi32, #tpu.memory_space<hbm>> -> memref<1x48x128xi32, #tpu.memory_space<hbm>>
    %dma_start3A_34 = tpu.memref_squeeze %dma_start3A_33 : memref<1x48x128xi32, #tpu.memory_space<hbm>> -> memref<48x128xi32, #tpu.memory_space<hbm>>
    %dma_start3A_35 = arith.constant 0 : i32
    %dma_start3A_36 = arith.constant 0 : i32
    %dma_start3A_37 = arith.constant 0 : i32
    %dma_start3A_38 = tpu.memref_slice %arg3[%add3A_22, %dma_start3A_35, %dma_start3A_36, %dma_start3A_37] : memref<4x16x48x128xi32, #tpu.memory_space<hbm>> -> memref<1x16x48x128xi32, #tpu.memory_space<hbm>>
    %dma_start3A_39 = tpu.memref_squeeze %dma_start3A_38 : memref<1x16x48x128xi32, #tpu.memory_space<hbm>> -> memref<16x48x128xi32, #tpu.memory_space<hbm>>
    %dma_start3A_40 = arith.constant 0 : i32
    %dma_start3A_41 = arith.constant 0 : i32
    %dma_start3A_42 = tpu.memref_slice %dma_start3A_39[%arg1, %dma_start3A_40, %dma_start3A_41] : memref<16x48x128xi32, #tpu.memory_space<hbm>> -> memref<1x48x128xi32, #tpu.memory_space<hbm>>
    %dma_start3A_43 = tpu.memref_squeeze %dma_start3A_42 : memref<1x48x128xi32, #tpu.memory_space<hbm>> -> memref<48x128xi32, #tpu.memory_space<hbm>>
    tpu.enqueue_dma source(%dma_start3A_43 : memref<48x128xi32, #tpu.memory_space<hbm>>) target(%arg7 : memref<48x128xi32, #tpu.memory_space<vmem>>) target_semaphore(%arg14 : memref<!tpu.dma_semaphore, #tpu.memory_space<semaphore_mem>>)
    %dma_start3A_44 = arith.constant 0 : i32
    %dma_start3A_45 = arith.constant 0 : i32
    %dma_start3A_46 = arith.constant 0 : i32
    %dma_start3A_47 = tpu.memref_slice %arg4[%add3A_22, %dma_start3A_44, %dma_start3A_45, %dma_start3A_46] : memref<4x16x48x128xi32, #tpu.memory_space<hbm>> -> memref<1x16x48x128xi32, #tpu.memory_space<hbm>>
    %dma_start3A_48 = tpu.memref_squeeze %dma_start3A_47 : memref<1x16x48x128xi32, #tpu.memory_space<hbm>> -> memref<16x48x128xi32, #tpu.memory_space<hbm>>
    %dma_start3A_49 = arith.constant 0 : i32
    %dma_start3A_50 = arith.constant 0 : i32
    %dma_start3A_51 = tpu.memref_slice %dma_start3A_48[%arg1, %dma_start3A_49, %dma_start3A_50] : memref<16x48x128xi32, #tpu.memory_space<hbm>> -> memref<1x48x128xi32, #tpu.memory_space<hbm>>
    %dma_start3A_52 = tpu.memref_squeeze %dma_start3A_51 : memref<1x48x128xi32, #tpu.memory_space<hbm>> -> memref<48x128xi32, #tpu.memory_space<hbm>>
    %dma_start3A_53 = arith.constant 0 : i32
    %dma_start3A_54 = arith.constant 0 : i32
    %dma_start3A_55 = arith.constant 0 : i32
    %dma_start3A_56 = tpu.memref_slice %arg4[%add3A_22, %dma_start3A_53, %dma_start3A_54, %dma_start3A_55] : memref<4x16x48x128xi32, #tpu.memory_space<hbm>> -> memref<1x16x48x128xi32, #tpu.memory_space<hbm>>
    %dma_start3A_57 = tpu.memref_squeeze %dma_start3A_56 : memref<1x16x48x128xi32, #tpu.memory_space<hbm>> -> memref<16x48x128xi32, #tpu.memory_space<hbm>>
    %dma_start3A_58 = arith.constant 0 : i32
    %dma_start3A_59 = arith.constant 0 : i32
    %dma_start3A_60 = tpu.memref_slice %dma_start3A_57[%arg1, %dma_start3A_58, %dma_start3A_59] : memref<16x48x128xi32, #tpu.memory_space<hbm>> -> memref<1x48x128xi32, #tpu.memory_space<hbm>>
    %dma_start3A_61 = tpu.memref_squeeze %dma_start3A_60 : memref<1x48x128xi32, #tpu.memory_space<hbm>> -> memref<48x128xi32, #tpu.memory_space<hbm>>
    tpu.enqueue_dma source(%dma_start3A_61 : memref<48x128xi32, #tpu.memory_space<hbm>>) target(%arg8 : memref<48x128xi32, #tpu.memory_space<vmem>>) target_semaphore(%arg14 : memref<!tpu.dma_semaphore, #tpu.memory_space<semaphore_mem>>)
    %dma_wait3A = arith.constant 0 : i32
    %dma_wait3A_62 = tpu.memref_slice %arg12[%mul3A_24, %dma_wait3A] : memref<5248x128xf32, #tpu.memory_space<vmem_shared>> -> memref<328x128xf32, #tpu.memory_space<vmem_shared>>
    tpu.wait_dma2 semaphore(%arg15 : memref<!tpu.dma_semaphore, #tpu.memory_space<semaphore_mem>>) src(%arg5 : memref<328x128xf32, #tpu.memory_space<hbm>>) dst(%dma_wait3A_62 : memref<328x128xf32, #tpu.memory_space<vmem_shared>>)
    %dma_wait3A_63 = arith.constant 0 : i32
    %dma_wait3A_64 = arith.constant 0 : i32
    %dma_wait3A_65 = arith.constant 0 : i32
    %dma_wait3A_66 = tpu.memref_slice %arg3[%add3A_22, %dma_wait3A_63, %dma_wait3A_64, %dma_wait3A_65] : memref<4x16x48x128xi32, #tpu.memory_space<hbm>> -> memref<1x16x48x128xi32, #tpu.memory_space<hbm>>
    %dma_wait3A_67 = tpu.memref_squeeze %dma_wait3A_66 : memref<1x16x48x128xi32, #tpu.memory_space<hbm>> -> memref<16x48x128xi32, #tpu.memory_space<hbm>>
    %dma_wait3A_68 = arith.constant 0 : i32
    %dma_wait3A_69 = arith.constant 0 : i32
    %dma_wait3A_70 = tpu.memref_slice %dma_wait3A_67[%arg1, %dma_wait3A_68, %dma_wait3A_69] : memref<16x48x128xi32, #tpu.memory_space<hbm>> -> memref<1x48x128xi32, #tpu.memory_space<hbm>>
    %dma_wait3A_71 = tpu.memref_squeeze %dma_wait3A_70 : memref<1x48x128xi32, #tpu.memory_space<hbm>> -> memref<48x128xi32, #tpu.memory_space<hbm>>
    %dma_wait3A_72 = arith.constant 0 : i32
    %dma_wait3A_73 = arith.constant 0 : i32
    %dma_wait3A_74 = arith.constant 0 : i32
    %dma_wait3A_75 = tpu.memref_slice %arg3[%add3A_22, %dma_wait3A_72, %dma_wait3A_73, %dma_wait3A_74] : memref<4x16x48x128xi32, #tpu.memory_space<hbm>> -> memref<1x16x48x128xi32, #tpu.memory_space<hbm>>
    %dma_wait3A_76 = tpu.memref_squeeze %dma_wait3A_75 : memref<1x16x48x128xi32, #tpu.memory_space<hbm>> -> memref<16x48x128xi32, #tpu.memory_space<hbm>>
    %dma_wait3A_77 = arith.constant 0 : i32
    %dma_wait3A_78 = arith.constant 0 : i32
    %dma_wait3A_79 = tpu.memref_slice %dma_wait3A_76[%arg1, %dma_wait3A_77, %dma_wait3A_78] : memref<16x48x128xi32, #tpu.memory_space<hbm>> -> memref<1x48x128xi32, #tpu.memory_space<hbm>>
    %dma_wait3A_80 = tpu.memref_squeeze %dma_wait3A_79 : memref<1x48x128xi32, #tpu.memory_space<hbm>> -> memref<48x128xi32, #tpu.memory_space<hbm>>
    tpu.wait_dma2 semaphore(%arg14 : memref<!tpu.dma_semaphore, #tpu.memory_space<semaphore_mem>>) src(%dma_wait3A_80 : memref<48x128xi32, #tpu.memory_space<hbm>>) dst(%arg7 : memref<48x128xi32, #tpu.memory_space<vmem>>)
    %dma_wait3A_81 = arith.constant 0 : i32
    %dma_wait3A_82 = arith.constant 0 : i32
    %dma_wait3A_83 = arith.constant 0 : i32
    %dma_wait3A_84 = tpu.memref_slice %arg4[%add3A_22, %dma_wait3A_81, %dma_wait3A_82, %dma_wait3A_83] : memref<4x16x48x128xi32, #tpu.memory_space<hbm>> -> memref<1x16x48x128xi32, #tpu.memory_space<hbm>>
    %dma_wait3A_85 = tpu.memref_squeeze %dma_wait3A_84 : memref<1x16x48x128xi32, #tpu.memory_space<hbm>> -> memref<16x48x128xi32, #tpu.memory_space<hbm>>
    %dma_wait3A_86 = arith.constant 0 : i32
    %dma_wait3A_87 = arith.constant 0 : i32
    %dma_wait3A_88 = tpu.memref_slice %dma_wait3A_85[%arg1, %dma_wait3A_86, %dma_wait3A_87] : memref<16x48x128xi32, #tpu.memory_space<hbm>> -> memref<1x48x128xi32, #tpu.memory_space<hbm>>
    %dma_wait3A_89 = tpu.memref_squeeze %dma_wait3A_88 : memref<1x48x128xi32, #tpu.memory_space<hbm>> -> memref<48x128xi32, #tpu.memory_space<hbm>>
    %dma_wait3A_90 = arith.constant 0 : i32
    %dma_wait3A_91 = arith.constant 0 : i32
    %dma_wait3A_92 = arith.constant 0 : i32
    %dma_wait3A_93 = tpu.memref_slice %arg4[%add3A_22, %dma_wait3A_90, %dma_wait3A_91, %dma_wait3A_92] : memref<4x16x48x128xi32, #tpu.memory_space<hbm>> -> memref<1x16x48x128xi32, #tpu.memory_space<hbm>>
    %dma_wait3A_94 = tpu.memref_squeeze %dma_wait3A_93 : memref<1x16x48x128xi32, #tpu.memory_space<hbm>> -> memref<16x48x128xi32, #tpu.memory_space<hbm>>
    %dma_wait3A_95 = arith.constant 0 : i32
    %dma_wait3A_96 = arith.constant 0 : i32
    %dma_wait3A_97 = tpu.memref_slice %dma_wait3A_94[%arg1, %dma_wait3A_95, %dma_wait3A_96] : memref<16x48x128xi32, #tpu.memory_space<hbm>> -> memref<1x48x128xi32, #tpu.memory_space<hbm>>
    %dma_wait3A_98 = tpu.memref_squeeze %dma_wait3A_97 : memref<1x48x128xi32, #tpu.memory_space<hbm>> -> memref<48x128xi32, #tpu.memory_space<hbm>>
    tpu.wait_dma2 semaphore(%arg14 : memref<!tpu.dma_semaphore, #tpu.memory_space<semaphore_mem>>) src(%dma_wait3A_98 : memref<48x128xi32, #tpu.memory_space<hbm>>) dst(%arg8 : memref<48x128xi32, #tpu.memory_space<vmem>>)
    %barrier3A = arith.constant 0 : index
    tpu.barrier barrier_id(%barrier3A)
    %dma_start3A_99 = arith.constant 0 : i32
    %dma_start3A_100 = arith.constant 0 : i32
    %dma_start3A_101 = tpu.memref_slice %arg7[%dma_start3A_99, %dma_start3A_100] : memref<48x128xi32, #tpu.memory_space<vmem>> -> memref<1x128xi32, #tpu.memory_space<vmem>>
    %dma_start3A_102 = tpu.memref_squeeze %dma_start3A_101 : memref<1x128xi32, #tpu.memory_space<vmem>> -> memref<128xi32, #tpu.memory_space<vmem>>
    %dma_start3A_103 = arith.constant 0 : i32
    %dma_start3A_104 = arith.constant 0 : i32
    %dma_start3A_105 = tpu.memref_slice %arg11[%dma_start3A_103, %dma_start3A_104] : memref<5120x128xf32, #tpu.memory_space<vmem_shared>> -> memref<5120x128xf32, #tpu.memory_space<vmem_shared>>
    tpu.enqueue_indirect_dma source(%dma_start3A_105 : memref<5120x128xf32, #tpu.memory_space<vmem_shared>>) target(%arg9 : memref<128x128xf32, #tpu.memory_space<vmem>>) offsets(%dma_start3A_102 : memref<128xi32, #tpu.memory_space<vmem>>) semaphore(%arg16 : memref<!tpu.dma_semaphore, #tpu.memory_space<semaphore_mem>>)
    %scan3A = arith.constant 0 : i32
    %scan3A_106 = arith.constant 0 : i32
    %scan3A_107 = arith.constant 48 : i32
    %scan3A_108 = arith.addi %scan3A_106, %scan3A_107 : i32
    %scan3A_109 = arith.constant 1 : i32
    scf.for %scan3A_237 = %scan3A_106 to %scan3A_108 step %scan3A_109  : i32 {
      %jit3A = arith.constant 2 : i32
      %eq3A_238 = arith.constant 0 : i32
      %eq3A_239 = arith.cmpi eq, %jit3A, %eq3A_238 : i32
      %jit3A_240 = arith.constant 1 : i32
      %select_n3A = arith.select %eq3A_239, %jit3A_240, %jit3A : i32
      %rem3A = arith.remsi %scan3A_237, %select_n3A : i32
      %ne3A = arith.constant 0 : i32
      %ne3A_241 = arith.cmpi ne, %rem3A, %ne3A : i32
      %lt3A_242 = arith.constant 0 : i32
      %lt3A_243 = arith.cmpi slt, %rem3A, %lt3A_242 : i32
      %lt3A_244 = arith.constant 0 : i32
      %lt3A_245 = arith.cmpi slt, %select_n3A, %lt3A_244 : i32
      %ne3A_246 = arith.xori %lt3A_243, %lt3A_245 : i1
      %and3A = arith.andi %ne3A_246, %ne3A_241 : i1
      %add3A_247 = arith.addi %rem3A, %select_n3A : i32
      %select_n3A_248 = arith.select %and3A, %add3A_247, %rem3A : i32
      %eq3A_249 = arith.constant 0 : i32
      %eq3A_250 = arith.cmpi eq, %select_n3A_248, %eq3A_249 : i32
      %convert_element_type3A_251 = arith.extui %eq3A_250 : i1 to i32
      %cond3A_252 = arith.constant 0 : i32
      %cond3A_253 = arith.cmpi ne, %convert_element_type3A_251, %cond3A_252 : i32
      scf.if %cond3A_253 {
        %dma_wait3A_275 = arith.constant 0 : i32
        %dma_wait3A_276 = tpu.memref_slice %arg7[%scan3A_237, %dma_wait3A_275] : memref<48x128xi32, #tpu.memory_space<vmem>> -> memref<1x128xi32, #tpu.memory_space<vmem>>
        %dma_wait3A_277 = tpu.memref_squeeze %dma_wait3A_276 : memref<1x128xi32, #tpu.memory_space<vmem>> -> memref<128xi32, #tpu.memory_space<vmem>>
        %dma_wait3A_278 = arith.constant 0 : i32
        %dma_wait3A_279 = arith.constant 0 : i32
        %dma_wait3A_280 = tpu.memref_slice %arg11[%dma_wait3A_278, %dma_wait3A_279] : memref<5120x128xf32, #tpu.memory_space<vmem_shared>> -> memref<5120x128xf32, #tpu.memory_space<vmem_shared>>
        tpu.wait_indirect_dma semaphore(%arg16 : memref<!tpu.dma_semaphore, #tpu.memory_space<semaphore_mem>>) src(%dma_wait3A_280 : memref<5120x128xf32, #tpu.memory_space<vmem_shared>>) dst(%arg9 : memref<128x128xf32, #tpu.memory_space<vmem>>)
        %dma_start3A_281 = arith.constant 0 : i32
        %dma_start3A_282 = tpu.memref_slice %arg8[%scan3A_237, %dma_start3A_281] : memref<48x128xi32, #tpu.memory_space<vmem>> -> memref<1x128xi32, #tpu.memory_space<vmem>>
        %dma_start3A_283 = tpu.memref_squeeze %dma_start3A_282 : memref<1x128xi32, #tpu.memory_space<vmem>> -> memref<128xi32, #tpu.memory_space<vmem>>
        %dma_start3A_284 = arith.constant 0 : i32
        %dma_start3A_285 = arith.constant 0 : i32
        %dma_start3A_286 = tpu.memref_slice %arg12[%dma_start3A_284, %dma_start3A_285] : memref<5248x128xf32, #tpu.memory_space<vmem_shared>> -> memref<5248x128xf32, #tpu.memory_space<vmem_shared>>
        tpu.enqueue_indirect_dma source(%arg9 : memref<128x128xf32, #tpu.memory_space<vmem>>) target(%dma_start3A_286 : memref<5248x128xf32, #tpu.memory_space<vmem_shared>>) offsets(%dma_start3A_283 : memref<128xi32, #tpu.memory_space<vmem>>) semaphore(%arg18 : memref<!tpu.dma_semaphore, #tpu.memory_space<semaphore_mem>>) {add = true}
        %ge3A = arith.constant 1 : i32
        %ge3A_287 = arith.cmpi sge, %scan3A_237, %ge3A : i32
        %convert_element_type3A_288 = arith.extui %ge3A_287 : i1 to i32
        %cond3A_289 = arith.constant 0 : i32
        %cond3A_290 = arith.cmpi ne, %convert_element_type3A_288, %cond3A_289 : i32
        scf.if %cond3A_290 {
          %sub3A = arith.constant 1 : i32
          %sub3A_298 = arith.subi %scan3A_237, %sub3A : i32
          %dma_wait3A_299 = arith.constant 0 : i32
          %dma_wait3A_300 = tpu.memref_slice %arg8[%sub3A_298, %dma_wait3A_299] : memref<48x128xi32, #tpu.memory_space<vmem>> -> memref<1x128xi32, #tpu.memory_space<vmem>>
          %dma_wait3A_301 = tpu.memref_squeeze %dma_wait3A_300 : memref<1x128xi32, #tpu.memory_space<vmem>> -> memref<128xi32, #tpu.memory_space<vmem>>
          %dma_wait3A_302 = arith.constant 0 : i32
          %dma_wait3A_303 = arith.constant 0 : i32
          %dma_wait3A_304 = tpu.memref_slice %arg12[%dma_wait3A_302, %dma_wait3A_303] : memref<5248x128xf32, #tpu.memory_space<vmem_shared>> -> memref<5248x128xf32, #tpu.memory_space<vmem_shared>>
          tpu.wait_indirect_dma semaphore(%arg19 : memref<!tpu.dma_semaphore, #tpu.memory_space<semaphore_mem>>) src(%arg10 : memref<128x128xf32, #tpu.memory_space<vmem>>) dst(%dma_wait3A_304 : memref<5248x128xf32, #tpu.memory_space<vmem_shared>>)
        } else {
        }
        %add3A_291 = arith.constant 1 : i32
        %add3A_292 = arith.addi %scan3A_237, %add3A_291 : i32
        %lt3A_293 = arith.constant 48 : i32
        %lt3A_294 = arith.cmpi slt, %add3A_292, %lt3A_293 : i32
        %convert_element_type3A_295 = arith.extui %lt3A_294 : i1 to i32
        %cond3A_296 = arith.constant 0 : i32
        %cond3A_297 = arith.cmpi ne, %convert_element_type3A_295, %cond3A_296 : i32
        scf.if %cond3A_297 {
          %add3A_298 = arith.constant 1 : i32
          %add3A_299 = arith.addi %scan3A_237, %add3A_298 : i32
          %dma_start3A_300 = arith.constant 0 : i32
          %dma_start3A_301 = tpu.memref_slice %arg7[%add3A_299, %dma_start3A_300] : memref<48x128xi32, #tpu.memory_space<vmem>> -> memref<1x128xi32, #tpu.memory_space<vmem>>
          %dma_start3A_302 = tpu.memref_squeeze %dma_start3A_301 : memref<1x128xi32, #tpu.memory_space<vmem>> -> memref<128xi32, #tpu.memory_space<vmem>>
          %dma_start3A_303 = arith.constant 0 : i32
          %dma_start3A_304 = arith.constant 0 : i32
          %dma_start3A_305 = tpu.memref_slice %arg11[%dma_start3A_303, %dma_start3A_304] : memref<5120x128xf32, #tpu.memory_space<vmem_shared>> -> memref<5120x128xf32, #tpu.memory_space<vmem_shared>>
          tpu.enqueue_indirect_dma source(%dma_start3A_305 : memref<5120x128xf32, #tpu.memory_space<vmem_shared>>) target(%arg10 : memref<128x128xf32, #tpu.memory_space<vmem>>) offsets(%dma_start3A_302 : memref<128xi32, #tpu.memory_space<vmem>>) semaphore(%arg17 : memref<!tpu.dma_semaphore, #tpu.memory_space<semaphore_mem>>)
        } else {
        }
      } else {
      }
      %jit3A_254 = arith.constant 2 : i32
      %eq3A_255 = arith.constant 0 : i32
      %eq3A_256 = arith.cmpi eq, %jit3A_254, %eq3A_255 : i32
      %jit3A_257 = arith.constant 1 : i32
      %select_n3A_258 = arith.select %eq3A_256, %jit3A_257, %jit3A_254 : i32
      %rem3A_259 = arith.remsi %scan3A_237, %select_n3A_258 : i32
      %ne3A_260 = arith.constant 0 : i32
      %ne3A_261 = arith.cmpi ne, %rem3A_259, %ne3A_260 : i32
      %lt3A_262 = arith.constant 0 : i32
      %lt3A_263 = arith.cmpi slt, %rem3A_259, %lt3A_262 : i32
      %lt3A_264 = arith.constant 0 : i32
      %lt3A_265 = arith.cmpi slt, %select_n3A_258, %lt3A_264 : i32
      %ne3A_266 = arith.xori %lt3A_263, %lt3A_265 : i1
      %and3A_267 = arith.andi %ne3A_266, %ne3A_261 : i1
      %add3A_268 = arith.addi %rem3A_259, %select_n3A_258 : i32
      %select_n3A_269 = arith.select %and3A_267, %add3A_268, %rem3A_259 : i32
      %eq3A_270 = arith.constant 1 : i32
      %eq3A_271 = arith.cmpi eq, %select_n3A_269, %eq3A_270 : i32
      %convert_element_type3A_272 = arith.extui %eq3A_271 : i1 to i32
      %cond3A_273 = arith.constant 0 : i32
      %cond3A_274 = arith.cmpi ne, %convert_element_type3A_272, %cond3A_273 : i32
      scf.if %cond3A_274 {
        %dma_wait3A_275 = arith.constant 0 : i32
        %dma_wait3A_276 = tpu.memref_slice %arg7[%scan3A_237, %dma_wait3A_275] : memref<48x128xi32, #tpu.memory_space<vmem>> -> memref<1x128xi32, #tpu.memory_space<vmem>>
        %dma_wait3A_277 = tpu.memref_squeeze %dma_wait3A_276 : memref<1x128xi32, #tpu.memory_space<vmem>> -> memref<128xi32, #tpu.memory_space<vmem>>
        %dma_wait3A_278 = arith.constant 0 : i32
        %dma_wait3A_279 = arith.constant 0 : i32
        %dma_wait3A_280 = tpu.memref_slice %arg11[%dma_wait3A_278, %dma_wait3A_279] : memref<5120x128xf32, #tpu.memory_space<vmem_shared>> -> memref<5120x128xf32, #tpu.memory_space<vmem_shared>>
        tpu.wait_indirect_dma semaphore(%arg17 : memref<!tpu.dma_semaphore, #tpu.memory_space<semaphore_mem>>) src(%dma_wait3A_280 : memref<5120x128xf32, #tpu.memory_space<vmem_shared>>) dst(%arg10 : memref<128x128xf32, #tpu.memory_space<vmem>>)
        %dma_start3A_281 = arith.constant 0 : i32
        %dma_start3A_282 = tpu.memref_slice %arg8[%scan3A_237, %dma_start3A_281] : memref<48x128xi32, #tpu.memory_space<vmem>> -> memref<1x128xi32, #tpu.memory_space<vmem>>
        %dma_start3A_283 = tpu.memref_squeeze %dma_start3A_282 : memref<1x128xi32, #tpu.memory_space<vmem>> -> memref<128xi32, #tpu.memory_space<vmem>>
        %dma_start3A_284 = arith.constant 0 : i32
        %dma_start3A_285 = arith.constant 0 : i32
        %dma_start3A_286 = tpu.memref_slice %arg12[%dma_start3A_284, %dma_start3A_285] : memref<5248x128xf32, #tpu.memory_space<vmem_shared>> -> memref<5248x128xf32, #tpu.memory_space<vmem_shared>>
        tpu.enqueue_indirect_dma source(%arg10 : memref<128x128xf32, #tpu.memory_space<vmem>>) target(%dma_start3A_286 : memref<5248x128xf32, #tpu.memory_space<vmem_shared>>) offsets(%dma_start3A_283 : memref<128xi32, #tpu.memory_space<vmem>>) semaphore(%arg19 : memref<!tpu.dma_semaphore, #tpu.memory_space<semaphore_mem>>) {add = true}
        %ge3A = arith.constant 1 : i32
        %ge3A_287 = arith.cmpi sge, %scan3A_237, %ge3A : i32
        %convert_element_type3A_288 = arith.extui %ge3A_287 : i1 to i32
        %cond3A_289 = arith.constant 0 : i32
        %cond3A_290 = arith.cmpi ne, %convert_element_type3A_288, %cond3A_289 : i32
        scf.if %cond3A_290 {
          %sub3A = arith.constant 1 : i32
          %sub3A_298 = arith.subi %scan3A_237, %sub3A : i32
          %dma_wait3A_299 = arith.constant 0 : i32
          %dma_wait3A_300 = tpu.memref_slice %arg8[%sub3A_298, %dma_wait3A_299] : memref<48x128xi32, #tpu.memory_space<vmem>> -> memref<1x128xi32, #tpu.memory_space<vmem>>
          %dma_wait3A_301 = tpu.memref_squeeze %dma_wait3A_300 : memref<1x128xi32, #tpu.memory_space<vmem>> -> memref<128xi32, #tpu.memory_space<vmem>>
          %dma_wait3A_302 = arith.constant 0 : i32
          %dma_wait3A_303 = arith.constant 0 : i32
          %dma_wait3A_304 = tpu.memref_slice %arg12[%dma_wait3A_302, %dma_wait3A_303] : memref<5248x128xf32, #tpu.memory_space<vmem_shared>> -> memref<5248x128xf32, #tpu.memory_space<vmem_shared>>
          tpu.wait_indirect_dma semaphore(%arg18 : memref<!tpu.dma_semaphore, #tpu.memory_space<semaphore_mem>>) src(%arg9 : memref<128x128xf32, #tpu.memory_space<vmem>>) dst(%dma_wait3A_304 : memref<5248x128xf32, #tpu.memory_space<vmem_shared>>)
        } else {
        }
        %add3A_291 = arith.constant 1 : i32
        %add3A_292 = arith.addi %scan3A_237, %add3A_291 : i32
        %lt3A_293 = arith.constant 48 : i32
        %lt3A_294 = arith.cmpi slt, %add3A_292, %lt3A_293 : i32
        %convert_element_type3A_295 = arith.extui %lt3A_294 : i1 to i32
        %cond3A_296 = arith.constant 0 : i32
        %cond3A_297 = arith.cmpi ne, %convert_element_type3A_295, %cond3A_296 : i32
        scf.if %cond3A_297 {
          %add3A_298 = arith.constant 1 : i32
          %add3A_299 = arith.addi %scan3A_237, %add3A_298 : i32
          %dma_start3A_300 = arith.constant 0 : i32
          %dma_start3A_301 = tpu.memref_slice %arg7[%add3A_299, %dma_start3A_300] : memref<48x128xi32, #tpu.memory_space<vmem>> -> memref<1x128xi32, #tpu.memory_space<vmem>>
          %dma_start3A_302 = tpu.memref_squeeze %dma_start3A_301 : memref<1x128xi32, #tpu.memory_space<vmem>> -> memref<128xi32, #tpu.memory_space<vmem>>
          %dma_start3A_303 = arith.constant 0 : i32
          %dma_start3A_304 = arith.constant 0 : i32
          %dma_start3A_305 = tpu.memref_slice %arg11[%dma_start3A_303, %dma_start3A_304] : memref<5120x128xf32, #tpu.memory_space<vmem_shared>> -> memref<5120x128xf32, #tpu.memory_space<vmem_shared>>
          tpu.enqueue_indirect_dma source(%dma_start3A_305 : memref<5120x128xf32, #tpu.memory_space<vmem_shared>>) target(%arg9 : memref<128x128xf32, #tpu.memory_space<vmem>>) offsets(%dma_start3A_302 : memref<128xi32, #tpu.memory_space<vmem>>) semaphore(%arg16 : memref<!tpu.dma_semaphore, #tpu.memory_space<semaphore_mem>>)
        } else {
        }
      } else {
      }
    }
    %scan3A_110 = arith.constant 48 : i32
    %dma_wait3A_111 = arith.constant 47 : i32
    %dma_wait3A_112 = arith.constant 0 : i32
    %dma_wait3A_113 = tpu.memref_slice %arg8[%dma_wait3A_111, %dma_wait3A_112] : memref<48x128xi32, #tpu.memory_space<vmem>> -> memref<1x128xi32, #tpu.memory_space<vmem>>
    %dma_wait3A_114 = tpu.memref_squeeze %dma_wait3A_113 : memref<1x128xi32, #tpu.memory_space<vmem>> -> memref<128xi32, #tpu.memory_space<vmem>>
    %dma_wait3A_115 = arith.constant 0 : i32
    %dma_wait3A_116 = arith.constant 0 : i32
    %dma_wait3A_117 = tpu.memref_slice %arg12[%dma_wait3A_115, %dma_wait3A_116] : memref<5248x128xf32, #tpu.memory_space<vmem_shared>> -> memref<5248x128xf32, #tpu.memory_space<vmem_shared>>
    tpu.wait_indirect_dma semaphore(%arg19 : memref<!tpu.dma_semaphore, #tpu.memory_space<semaphore_mem>>) src(%arg10 : memref<128x128xf32, #tpu.memory_space<vmem>>) dst(%dma_wait3A_117 : memref<5248x128xf32, #tpu.memory_space<vmem_shared>>)
    %barrier3A_118 = arith.constant 0 : index
    tpu.barrier barrier_id(%barrier3A_118)
    %mul3A_119 = arith.constant 5248 : i32
    %mul3A_120 = arith.muli %add3A_22, %mul3A_119 : i32
    %mul3A_121 = arith.constant 328 : i32
    %mul3A_122 = arith.muli %arg1, %mul3A_121 : i32
    %add3A_123 = arith.addi %mul3A_120, %mul3A_122 : i32
    %mul3A_124 = arith.constant 328 : i32
    %mul3A_125 = arith.muli %arg1, %mul3A_124 : i32
    "tpu.region"() ({
      %run_scoped3A = tpu.sem_alloc : memref<!tpu.dma_semaphore, #tpu.memory_space<semaphore_mem>>
      %dma_start3A_237 = arith.constant 0 : i32
      %dma_start3A_238 = tpu.memref_slice %arg6[%add3A_123, %dma_start3A_237] : memref<20992x128xf32, #tpu.memory_space<hbm>> -> memref<328x128xf32, #tpu.memory_space<hbm>>
      %dma_start3A_239 = arith.constant 0 : i32
      %dma_start3A_240 = tpu.memref_slice %arg12[%mul3A_125, %dma_start3A_239] : memref<5248x128xf32, #tpu.memory_space<vmem_shared>> -> memref<328x128xf32, #tpu.memory_space<vmem_shared>>
      tpu.enqueue_dma source(%dma_start3A_240 : memref<328x128xf32, #tpu.memory_space<vmem_shared>>) target(%dma_start3A_238 : memref<328x128xf32, #tpu.memory_space<hbm>>) target_semaphore(%run_scoped3A : memref<!tpu.dma_semaphore, #tpu.memory_space<semaphore_mem>>)
      %dma_wait3A_241 = arith.constant 0 : i32
      %dma_wait3A_242 = tpu.memref_slice %arg6[%add3A_123, %dma_wait3A_241] : memref<20992x128xf32, #tpu.memory_space<hbm>> -> memref<328x128xf32, #tpu.memory_space<hbm>>
      %dma_wait3A_243 = arith.constant 0 : i32
      %dma_wait3A_244 = tpu.memref_slice %arg12[%mul3A_125, %dma_wait3A_243] : memref<5248x128xf32, #tpu.memory_space<vmem_shared>> -> memref<328x128xf32, #tpu.memory_space<vmem_shared>>
      tpu.wait_dma2 semaphore(%run_scoped3A : memref<!tpu.dma_semaphore, #tpu.memory_space<semaphore_mem>>) src(%dma_wait3A_244 : memref<328x128xf32, #tpu.memory_space<vmem_shared>>) dst(%dma_wait3A_242 : memref<328x128xf32, #tpu.memory_space<hbm>>)
      tpu.yield
    }) : () -> ()
    %mul3A_126 = arith.constant 2 : i32
    %mul3A_127 = arith.muli %arg0, %mul3A_126 : i32
    %add3A_128 = arith.constant 1 : i32
    %add3A_129 = arith.addi %mul3A_127, %add3A_128 : i32
    %mul3A_130 = arith.constant 328 : i32
    %mul3A_131 = arith.muli %arg1, %mul3A_130 : i32
    %dma_start3A_132 = arith.constant 0 : i32
    %dma_start3A_133 = tpu.memref_slice %arg12[%mul3A_131, %dma_start3A_132] : memref<5248x128xf32, #tpu.memory_space<vmem_shared>> -> memref<328x128xf32, #tpu.memory_space<vmem_shared>>
    tpu.enqueue_dma source(%arg5 : memref<328x128xf32, #tpu.memory_space<hbm>>) target(%dma_start3A_133 : memref<328x128xf32, #tpu.memory_space<vmem_shared>>) target_semaphore(%arg15 : memref<!tpu.dma_semaphore, #tpu.memory_space<semaphore_mem>>)
    %dma_start3A_134 = arith.constant 0 : i32
    %dma_start3A_135 = arith.constant 0 : i32
    %dma_start3A_136 = arith.constant 0 : i32
    %dma_start3A_137 = tpu.memref_slice %arg3[%add3A_129, %dma_start3A_134, %dma_start3A_135, %dma_start3A_136] : memref<4x16x48x128xi32, #tpu.memory_space<hbm>> -> memref<1x16x48x128xi32, #tpu.memory_space<hbm>>
    %dma_start3A_138 = tpu.memref_squeeze %dma_start3A_137 : memref<1x16x48x128xi32, #tpu.memory_space<hbm>> -> memref<16x48x128xi32, #tpu.memory_space<hbm>>
    %dma_start3A_139 = arith.constant 0 : i32
    %dma_start3A_140 = arith.constant 0 : i32
    %dma_start3A_141 = tpu.memref_slice %dma_start3A_138[%arg1, %dma_start3A_139, %dma_start3A_140] : memref<16x48x128xi32, #tpu.memory_space<hbm>> -> memref<1x48x128xi32, #tpu.memory_space<hbm>>
    %dma_start3A_142 = tpu.memref_squeeze %dma_start3A_141 : memref<1x48x128xi32, #tpu.memory_space<hbm>> -> memref<48x128xi32, #tpu.memory_space<hbm>>
    %dma_start3A_143 = arith.constant 0 : i32
    %dma_start3A_144 = arith.constant 0 : i32
    %dma_start3A_145 = arith.constant 0 : i32
    %dma_start3A_146 = tpu.memref_slice %arg3[%add3A_129, %dma_start3A_143, %dma_start3A_144, %dma_start3A_145] : memref<4x16x48x128xi32, #tpu.memory_space<hbm>> -> memref<1x16x48x128xi32, #tpu.memory_space<hbm>>
    %dma_start3A_147 = tpu.memref_squeeze %dma_start3A_146 : memref<1x16x48x128xi32, #tpu.memory_space<hbm>> -> memref<16x48x128xi32, #tpu.memory_space<hbm>>
    %dma_start3A_148 = arith.constant 0 : i32
    %dma_start3A_149 = arith.constant 0 : i32
    %dma_start3A_150 = tpu.memref_slice %dma_start3A_147[%arg1, %dma_start3A_148, %dma_start3A_149] : memref<16x48x128xi32, #tpu.memory_space<hbm>> -> memref<1x48x128xi32, #tpu.memory_space<hbm>>
    %dma_start3A_151 = tpu.memref_squeeze %dma_start3A_150 : memref<1x48x128xi32, #tpu.memory_space<hbm>> -> memref<48x128xi32, #tpu.memory_space<hbm>>
    tpu.enqueue_dma source(%dma_start3A_151 : memref<48x128xi32, #tpu.memory_space<hbm>>) target(%arg7 : memref<48x128xi32, #tpu.memory_space<vmem>>) target_semaphore(%arg14 : memref<!tpu.dma_semaphore, #tpu.memory_space<semaphore_mem>>)
    %dma_start3A_152 = arith.constant 0 : i32
    %dma_start3A_153 = arith.constant 0 : i32
    %dma_start3A_154 = arith.constant 0 : i32
    %dma_start3A_155 = tpu.memref_slice %arg4[%add3A_129, %dma_start3A_152, %dma_start3A_153, %dma_start3A_154] : memref<4x16x48x128xi32, #tpu.memory_space<hbm>> -> memref<1x16x48x128xi32, #tpu.memory_space<hbm>>
    %dma_start3A_156 = tpu.memref_squeeze %dma_start3A_155 : memref<1x16x48x128xi32, #tpu.memory_space<hbm>> -> memref<16x48x128xi32, #tpu.memory_space<hbm>>
    %dma_start3A_157 = arith.constant 0 : i32
    %dma_start3A_158 = arith.constant 0 : i32
    %dma_start3A_159 = tpu.memref_slice %dma_start3A_156[%arg1, %dma_start3A_157, %dma_start3A_158] : memref<16x48x128xi32, #tpu.memory_space<hbm>> -> memref<1x48x128xi32, #tpu.memory_space<hbm>>
    %dma_start3A_160 = tpu.memref_squeeze %dma_start3A_159 : memref<1x48x128xi32, #tpu.memory_space<hbm>> -> memref<48x128xi32, #tpu.memory_space<hbm>>
    %dma_start3A_161 = arith.constant 0 : i32
    %dma_start3A_162 = arith.constant 0 : i32
    %dma_start3A_163 = arith.constant 0 : i32
    %dma_start3A_164 = tpu.memref_slice %arg4[%add3A_129, %dma_start3A_161, %dma_start3A_162, %dma_start3A_163] : memref<4x16x48x128xi32, #tpu.memory_space<hbm>> -> memref<1x16x48x128xi32, #tpu.memory_space<hbm>>
    %dma_start3A_165 = tpu.memref_squeeze %dma_start3A_164 : memref<1x16x48x128xi32, #tpu.memory_space<hbm>> -> memref<16x48x128xi32, #tpu.memory_space<hbm>>
    %dma_start3A_166 = arith.constant 0 : i32
    %dma_start3A_167 = arith.constant 0 : i32
    %dma_start3A_168 = tpu.memref_slice %dma_start3A_165[%arg1, %dma_start3A_166, %dma_start3A_167] : memref<16x48x128xi32, #tpu.memory_space<hbm>> -> memref<1x48x128xi32, #tpu.memory_space<hbm>>
    %dma_start3A_169 = tpu.memref_squeeze %dma_start3A_168 : memref<1x48x128xi32, #tpu.memory_space<hbm>> -> memref<48x128xi32, #tpu.memory_space<hbm>>
    tpu.enqueue_dma source(%dma_start3A_169 : memref<48x128xi32, #tpu.memory_space<hbm>>) target(%arg8 : memref<48x128xi32, #tpu.memory_space<vmem>>) target_semaphore(%arg14 : memref<!tpu.dma_semaphore, #tpu.memory_space<semaphore_mem>>)
    %dma_wait3A_170 = arith.constant 0 : i32
    %dma_wait3A_171 = tpu.memref_slice %arg12[%mul3A_131, %dma_wait3A_170] : memref<5248x128xf32, #tpu.memory_space<vmem_shared>> -> memref<328x128xf32, #tpu.memory_space<vmem_shared>>
    tpu.wait_dma2 semaphore(%arg15 : memref<!tpu.dma_semaphore, #tpu.memory_space<semaphore_mem>>) src(%arg5 : memref<328x128xf32, #tpu.memory_space<hbm>>) dst(%dma_wait3A_171 : memref<328x128xf32, #tpu.memory_space<vmem_shared>>)
    %dma_wait3A_172 = arith.constant 0 : i32
    %dma_wait3A_173 = arith.constant 0 : i32
    %dma_wait3A_174 = arith.constant 0 : i32
    %dma_wait3A_175 = tpu.memref_slice %arg3[%add3A_129, %dma_wait3A_172, %dma_wait3A_173, %dma_wait3A_174] : memref<4x16x48x128xi32, #tpu.memory_space<hbm>> -> memref<1x16x48x128xi32, #tpu.memory_space<hbm>>
    %dma_wait3A_176 = tpu.memref_squeeze %dma_wait3A_175 : memref<1x16x48x128xi32, #tpu.memory_space<hbm>> -> memref<16x48x128xi32, #tpu.memory_space<hbm>>
    %dma_wait3A_177 = arith.constant 0 : i32
    %dma_wait3A_178 = arith.constant 0 : i32
    %dma_wait3A_179 = tpu.memref_slice %dma_wait3A_176[%arg1, %dma_wait3A_177, %dma_wait3A_178] : memref<16x48x128xi32, #tpu.memory_space<hbm>> -> memref<1x48x128xi32, #tpu.memory_space<hbm>>
    %dma_wait3A_180 = tpu.memref_squeeze %dma_wait3A_179 : memref<1x48x128xi32, #tpu.memory_space<hbm>> -> memref<48x128xi32, #tpu.memory_space<hbm>>
    %dma_wait3A_181 = arith.constant 0 : i32
    %dma_wait3A_182 = arith.constant 0 : i32
    %dma_wait3A_183 = arith.constant 0 : i32
    %dma_wait3A_184 = tpu.memref_slice %arg3[%add3A_129, %dma_wait3A_181, %dma_wait3A_182, %dma_wait3A_183] : memref<4x16x48x128xi32, #tpu.memory_space<hbm>> -> memref<1x16x48x128xi32, #tpu.memory_space<hbm>>
    %dma_wait3A_185 = tpu.memref_squeeze %dma_wait3A_184 : memref<1x16x48x128xi32, #tpu.memory_space<hbm>> -> memref<16x48x128xi32, #tpu.memory_space<hbm>>
    %dma_wait3A_186 = arith.constant 0 : i32
    %dma_wait3A_187 = arith.constant 0 : i32
    %dma_wait3A_188 = tpu.memref_slice %dma_wait3A_185[%arg1, %dma_wait3A_186, %dma_wait3A_187] : memref<16x48x128xi32, #tpu.memory_space<hbm>> -> memref<1x48x128xi32, #tpu.memory_space<hbm>>
    %dma_wait3A_189 = tpu.memref_squeeze %dma_wait3A_188 : memref<1x48x128xi32, #tpu.memory_space<hbm>> -> memref<48x128xi32, #tpu.memory_space<hbm>>
    tpu.wait_dma2 semaphore(%arg14 : memref<!tpu.dma_semaphore, #tpu.memory_space<semaphore_mem>>) src(%dma_wait3A_189 : memref<48x128xi32, #tpu.memory_space<hbm>>) dst(%arg7 : memref<48x128xi32, #tpu.memory_space<vmem>>)
    %dma_wait3A_190 = arith.constant 0 : i32
    %dma_wait3A_191 = arith.constant 0 : i32
    %dma_wait3A_192 = arith.constant 0 : i32
    %dma_wait3A_193 = tpu.memref_slice %arg4[%add3A_129, %dma_wait3A_190, %dma_wait3A_191, %dma_wait3A_192] : memref<4x16x48x128xi32, #tpu.memory_space<hbm>> -> memref<1x16x48x128xi32, #tpu.memory_space<hbm>>
    %dma_wait3A_194 = tpu.memref_squeeze %dma_wait3A_193 : memref<1x16x48x128xi32, #tpu.memory_space<hbm>> -> memref<16x48x128xi32, #tpu.memory_space<hbm>>
    %dma_wait3A_195 = arith.constant 0 : i32
    %dma_wait3A_196 = arith.constant 0 : i32
    %dma_wait3A_197 = tpu.memref_slice %dma_wait3A_194[%arg1, %dma_wait3A_195, %dma_wait3A_196] : memref<16x48x128xi32, #tpu.memory_space<hbm>> -> memref<1x48x128xi32, #tpu.memory_space<hbm>>
    %dma_wait3A_198 = tpu.memref_squeeze %dma_wait3A_197 : memref<1x48x128xi32, #tpu.memory_space<hbm>> -> memref<48x128xi32, #tpu.memory_space<hbm>>
    %dma_wait3A_199 = arith.constant 0 : i32
    %dma_wait3A_200 = arith.constant 0 : i32
    %dma_wait3A_201 = arith.constant 0 : i32
    %dma_wait3A_202 = tpu.memref_slice %arg4[%add3A_129, %dma_wait3A_199, %dma_wait3A_200, %dma_wait3A_201] : memref<4x16x48x128xi32, #tpu.memory_space<hbm>> -> memref<1x16x48x128xi32, #tpu.memory_space<hbm>>
    %dma_wait3A_203 = tpu.memref_squeeze %dma_wait3A_202 : memref<1x16x48x128xi32, #tpu.memory_space<hbm>> -> memref<16x48x128xi32, #tpu.memory_space<hbm>>
    %dma_wait3A_204 = arith.constant 0 : i32
    %dma_wait3A_205 = arith.constant 0 : i32
    %dma_wait3A_206 = tpu.memref_slice %dma_wait3A_203[%arg1, %dma_wait3A_204, %dma_wait3A_205] : memref<16x48x128xi32, #tpu.memory_space<hbm>> -> memref<1x48x128xi32, #tpu.memory_space<hbm>>
    %dma_wait3A_207 = tpu.memref_squeeze %dma_wait3A_206 : memref<1x48x128xi32, #tpu.memory_space<hbm>> -> memref<48x128xi32, #tpu.memory_space<hbm>>
    tpu.wait_dma2 semaphore(%arg14 : memref<!tpu.dma_semaphore, #tpu.memory_space<semaphore_mem>>) src(%dma_wait3A_207 : memref<48x128xi32, #tpu.memory_space<hbm>>) dst(%arg8 : memref<48x128xi32, #tpu.memory_space<vmem>>)
    %barrier3A_208 = arith.constant 0 : index
    tpu.barrier barrier_id(%barrier3A_208)
    %dma_start3A_209 = arith.constant 0 : i32
    %dma_start3A_210 = arith.constant 0 : i32
    %dma_start3A_211 = tpu.memref_slice %arg7[%dma_start3A_209, %dma_start3A_210] : memref<48x128xi32, #tpu.memory_space<vmem>> -> memref<1x128xi32, #tpu.memory_space<vmem>>
    %dma_start3A_212 = tpu.memref_squeeze %dma_start3A_211 : memref<1x128xi32, #tpu.memory_space<vmem>> -> memref<128xi32, #tpu.memory_space<vmem>>
    %dma_start3A_213 = arith.constant 0 : i32
    %dma_start3A_214 = arith.constant 0 : i32
    %dma_start3A_215 = tpu.memref_slice %arg11[%dma_start3A_213, %dma_start3A_214] : memref<5120x128xf32, #tpu.memory_space<vmem_shared>> -> memref<5120x128xf32, #tpu.memory_space<vmem_shared>>
    tpu.enqueue_indirect_dma source(%dma_start3A_215 : memref<5120x128xf32, #tpu.memory_space<vmem_shared>>) target(%arg9 : memref<128x128xf32, #tpu.memory_space<vmem>>) offsets(%dma_start3A_212 : memref<128xi32, #tpu.memory_space<vmem>>) semaphore(%arg16 : memref<!tpu.dma_semaphore, #tpu.memory_space<semaphore_mem>>)
    %scan3A_216 = arith.constant 0 : i32
    %scan3A_217 = arith.constant 0 : i32
    %scan3A_218 = arith.constant 48 : i32
    %scan3A_219 = arith.addi %scan3A_217, %scan3A_218 : i32
    %scan3A_220 = arith.constant 1 : i32
    scf.for %scan3A_237 = %scan3A_217 to %scan3A_219 step %scan3A_220  : i32 {
      %jit3A = arith.constant 2 : i32
      %eq3A_238 = arith.constant 0 : i32
      %eq3A_239 = arith.cmpi eq, %jit3A, %eq3A_238 : i32
      %jit3A_240 = arith.constant 1 : i32
      %select_n3A = arith.select %eq3A_239, %jit3A_240, %jit3A : i32
      %rem3A = arith.remsi %scan3A_237, %select_n3A : i32
      %ne3A = arith.constant 0 : i32
      %ne3A_241 = arith.cmpi ne, %rem3A, %ne3A : i32
      %lt3A_242 = arith.constant 0 : i32
      %lt3A_243 = arith.cmpi slt, %rem3A, %lt3A_242 : i32
      %lt3A_244 = arith.constant 0 : i32
      %lt3A_245 = arith.cmpi slt, %select_n3A, %lt3A_244 : i32
      %ne3A_246 = arith.xori %lt3A_243, %lt3A_245 : i1
      %and3A = arith.andi %ne3A_246, %ne3A_241 : i1
      %add3A_247 = arith.addi %rem3A, %select_n3A : i32
      %select_n3A_248 = arith.select %and3A, %add3A_247, %rem3A : i32
      %eq3A_249 = arith.constant 0 : i32
      %eq3A_250 = arith.cmpi eq, %select_n3A_248, %eq3A_249 : i32
      %convert_element_type3A_251 = arith.extui %eq3A_250 : i1 to i32
      %cond3A_252 = arith.constant 0 : i32
      %cond3A_253 = arith.cmpi ne, %convert_element_type3A_251, %cond3A_252 : i32
      scf.if %cond3A_253 {
        %dma_wait3A_275 = arith.constant 0 : i32
        %dma_wait3A_276 = tpu.memref_slice %arg7[%scan3A_237, %dma_wait3A_275] : memref<48x128xi32, #tpu.memory_space<vmem>> -> memref<1x128xi32, #tpu.memory_space<vmem>>
        %dma_wait3A_277 = tpu.memref_squeeze %dma_wait3A_276 : memref<1x128xi32, #tpu.memory_space<vmem>> -> memref<128xi32, #tpu.memory_space<vmem>>
        %dma_wait3A_278 = arith.constant 0 : i32
        %dma_wait3A_279 = arith.constant 0 : i32
        %dma_wait3A_280 = tpu.memref_slice %arg11[%dma_wait3A_278, %dma_wait3A_279] : memref<5120x128xf32, #tpu.memory_space<vmem_shared>> -> memref<5120x128xf32, #tpu.memory_space<vmem_shared>>
        tpu.wait_indirect_dma semaphore(%arg16 : memref<!tpu.dma_semaphore, #tpu.memory_space<semaphore_mem>>) src(%dma_wait3A_280 : memref<5120x128xf32, #tpu.memory_space<vmem_shared>>) dst(%arg9 : memref<128x128xf32, #tpu.memory_space<vmem>>)
        %dma_start3A_281 = arith.constant 0 : i32
        %dma_start3A_282 = tpu.memref_slice %arg8[%scan3A_237, %dma_start3A_281] : memref<48x128xi32, #tpu.memory_space<vmem>> -> memref<1x128xi32, #tpu.memory_space<vmem>>
        %dma_start3A_283 = tpu.memref_squeeze %dma_start3A_282 : memref<1x128xi32, #tpu.memory_space<vmem>> -> memref<128xi32, #tpu.memory_space<vmem>>
        %dma_start3A_284 = arith.constant 0 : i32
        %dma_start3A_285 = arith.constant 0 : i32
        %dma_start3A_286 = tpu.memref_slice %arg12[%dma_start3A_284, %dma_start3A_285] : memref<5248x128xf32, #tpu.memory_space<vmem_shared>> -> memref<5248x128xf32, #tpu.memory_space<vmem_shared>>
        tpu.enqueue_indirect_dma source(%arg9 : memref<128x128xf32, #tpu.memory_space<vmem>>) target(%dma_start3A_286 : memref<5248x128xf32, #tpu.memory_space<vmem_shared>>) offsets(%dma_start3A_283 : memref<128xi32, #tpu.memory_space<vmem>>) semaphore(%arg18 : memref<!tpu.dma_semaphore, #tpu.memory_space<semaphore_mem>>) {add = true}
        %ge3A = arith.constant 1 : i32
        %ge3A_287 = arith.cmpi sge, %scan3A_237, %ge3A : i32
        %convert_element_type3A_288 = arith.extui %ge3A_287 : i1 to i32
        %cond3A_289 = arith.constant 0 : i32
        %cond3A_290 = arith.cmpi ne, %convert_element_type3A_288, %cond3A_289 : i32
        scf.if %cond3A_290 {
          %sub3A = arith.constant 1 : i32
          %sub3A_298 = arith.subi %scan3A_237, %sub3A : i32
          %dma_wait3A_299 = arith.constant 0 : i32
          %dma_wait3A_300 = tpu.memref_slice %arg8[%sub3A_298, %dma_wait3A_299] : memref<48x128xi32, #tpu.memory_space<vmem>> -> memref<1x128xi32, #tpu.memory_space<vmem>>
          %dma_wait3A_301 = tpu.memref_squeeze %dma_wait3A_300 : memref<1x128xi32, #tpu.memory_space<vmem>> -> memref<128xi32, #tpu.memory_space<vmem>>
          %dma_wait3A_302 = arith.constant 0 : i32
          %dma_wait3A_303 = arith.constant 0 : i32
          %dma_wait3A_304 = tpu.memref_slice %arg12[%dma_wait3A_302, %dma_wait3A_303] : memref<5248x128xf32, #tpu.memory_space<vmem_shared>> -> memref<5248x128xf32, #tpu.memory_space<vmem_shared>>
          tpu.wait_indirect_dma semaphore(%arg19 : memref<!tpu.dma_semaphore, #tpu.memory_space<semaphore_mem>>) src(%arg10 : memref<128x128xf32, #tpu.memory_space<vmem>>) dst(%dma_wait3A_304 : memref<5248x128xf32, #tpu.memory_space<vmem_shared>>)
        } else {
        }
        %add3A_291 = arith.constant 1 : i32
        %add3A_292 = arith.addi %scan3A_237, %add3A_291 : i32
        %lt3A_293 = arith.constant 48 : i32
        %lt3A_294 = arith.cmpi slt, %add3A_292, %lt3A_293 : i32
        %convert_element_type3A_295 = arith.extui %lt3A_294 : i1 to i32
        %cond3A_296 = arith.constant 0 : i32
        %cond3A_297 = arith.cmpi ne, %convert_element_type3A_295, %cond3A_296 : i32
        scf.if %cond3A_297 {
          %add3A_298 = arith.constant 1 : i32
          %add3A_299 = arith.addi %scan3A_237, %add3A_298 : i32
          %dma_start3A_300 = arith.constant 0 : i32
          %dma_start3A_301 = tpu.memref_slice %arg7[%add3A_299, %dma_start3A_300] : memref<48x128xi32, #tpu.memory_space<vmem>> -> memref<1x128xi32, #tpu.memory_space<vmem>>
          %dma_start3A_302 = tpu.memref_squeeze %dma_start3A_301 : memref<1x128xi32, #tpu.memory_space<vmem>> -> memref<128xi32, #tpu.memory_space<vmem>>
          %dma_start3A_303 = arith.constant 0 : i32
          %dma_start3A_304 = arith.constant 0 : i32
          %dma_start3A_305 = tpu.memref_slice %arg11[%dma_start3A_303, %dma_start3A_304] : memref<5120x128xf32, #tpu.memory_space<vmem_shared>> -> memref<5120x128xf32, #tpu.memory_space<vmem_shared>>
          tpu.enqueue_indirect_dma source(%dma_start3A_305 : memref<5120x128xf32, #tpu.memory_space<vmem_shared>>) target(%arg10 : memref<128x128xf32, #tpu.memory_space<vmem>>) offsets(%dma_start3A_302 : memref<128xi32, #tpu.memory_space<vmem>>) semaphore(%arg17 : memref<!tpu.dma_semaphore, #tpu.memory_space<semaphore_mem>>)
        } else {
        }
      } else {
      }
      %jit3A_254 = arith.constant 2 : i32
      %eq3A_255 = arith.constant 0 : i32
      %eq3A_256 = arith.cmpi eq, %jit3A_254, %eq3A_255 : i32
      %jit3A_257 = arith.constant 1 : i32
      %select_n3A_258 = arith.select %eq3A_256, %jit3A_257, %jit3A_254 : i32
      %rem3A_259 = arith.remsi %scan3A_237, %select_n3A_258 : i32
      %ne3A_260 = arith.constant 0 : i32
      %ne3A_261 = arith.cmpi ne, %rem3A_259, %ne3A_260 : i32
      %lt3A_262 = arith.constant 0 : i32
      %lt3A_263 = arith.cmpi slt, %rem3A_259, %lt3A_262 : i32
      %lt3A_264 = arith.constant 0 : i32
      %lt3A_265 = arith.cmpi slt, %select_n3A_258, %lt3A_264 : i32
      %ne3A_266 = arith.xori %lt3A_263, %lt3A_265 : i1
      %and3A_267 = arith.andi %ne3A_266, %ne3A_261 : i1
      %add3A_268 = arith.addi %rem3A_259, %select_n3A_258 : i32
      %select_n3A_269 = arith.select %and3A_267, %add3A_268, %rem3A_259 : i32
      %eq3A_270 = arith.constant 1 : i32
      %eq3A_271 = arith.cmpi eq, %select_n3A_269, %eq3A_270 : i32
      %convert_element_type3A_272 = arith.extui %eq3A_271 : i1 to i32
      %cond3A_273 = arith.constant 0 : i32
      %cond3A_274 = arith.cmpi ne, %convert_element_type3A_272, %cond3A_273 : i32
      scf.if %cond3A_274 {
        %dma_wait3A_275 = arith.constant 0 : i32
        %dma_wait3A_276 = tpu.memref_slice %arg7[%scan3A_237, %dma_wait3A_275] : memref<48x128xi32, #tpu.memory_space<vmem>> -> memref<1x128xi32, #tpu.memory_space<vmem>>
        %dma_wait3A_277 = tpu.memref_squeeze %dma_wait3A_276 : memref<1x128xi32, #tpu.memory_space<vmem>> -> memref<128xi32, #tpu.memory_space<vmem>>
        %dma_wait3A_278 = arith.constant 0 : i32
        %dma_wait3A_279 = arith.constant 0 : i32
        %dma_wait3A_280 = tpu.memref_slice %arg11[%dma_wait3A_278, %dma_wait3A_279] : memref<5120x128xf32, #tpu.memory_space<vmem_shared>> -> memref<5120x128xf32, #tpu.memory_space<vmem_shared>>
        tpu.wait_indirect_dma semaphore(%arg17 : memref<!tpu.dma_semaphore, #tpu.memory_space<semaphore_mem>>) src(%dma_wait3A_280 : memref<5120x128xf32, #tpu.memory_space<vmem_shared>>) dst(%arg10 : memref<128x128xf32, #tpu.memory_space<vmem>>)
        %dma_start3A_281 = arith.constant 0 : i32
        %dma_start3A_282 = tpu.memref_slice %arg8[%scan3A_237, %dma_start3A_281] : memref<48x128xi32, #tpu.memory_space<vmem>> -> memref<1x128xi32, #tpu.memory_space<vmem>>
        %dma_start3A_283 = tpu.memref_squeeze %dma_start3A_282 : memref<1x128xi32, #tpu.memory_space<vmem>> -> memref<128xi32, #tpu.memory_space<vmem>>
        %dma_start3A_284 = arith.constant 0 : i32
        %dma_start3A_285 = arith.constant 0 : i32
        %dma_start3A_286 = tpu.memref_slice %arg12[%dma_start3A_284, %dma_start3A_285] : memref<5248x128xf32, #tpu.memory_space<vmem_shared>> -> memref<5248x128xf32, #tpu.memory_space<vmem_shared>>
        tpu.enqueue_indirect_dma source(%arg10 : memref<128x128xf32, #tpu.memory_space<vmem>>) target(%dma_start3A_286 : memref<5248x128xf32, #tpu.memory_space<vmem_shared>>) offsets(%dma_start3A_283 : memref<128xi32, #tpu.memory_space<vmem>>) semaphore(%arg19 : memref<!tpu.dma_semaphore, #tpu.memory_space<semaphore_mem>>) {add = true}
        %ge3A = arith.constant 1 : i32
        %ge3A_287 = arith.cmpi sge, %scan3A_237, %ge3A : i32
        %convert_element_type3A_288 = arith.extui %ge3A_287 : i1 to i32
        %cond3A_289 = arith.constant 0 : i32
        %cond3A_290 = arith.cmpi ne, %convert_element_type3A_288, %cond3A_289 : i32
        scf.if %cond3A_290 {
          %sub3A = arith.constant 1 : i32
          %sub3A_298 = arith.subi %scan3A_237, %sub3A : i32
          %dma_wait3A_299 = arith.constant 0 : i32
          %dma_wait3A_300 = tpu.memref_slice %arg8[%sub3A_298, %dma_wait3A_299] : memref<48x128xi32, #tpu.memory_space<vmem>> -> memref<1x128xi32, #tpu.memory_space<vmem>>
          %dma_wait3A_301 = tpu.memref_squeeze %dma_wait3A_300 : memref<1x128xi32, #tpu.memory_space<vmem>> -> memref<128xi32, #tpu.memory_space<vmem>>
          %dma_wait3A_302 = arith.constant 0 : i32
          %dma_wait3A_303 = arith.constant 0 : i32
          %dma_wait3A_304 = tpu.memref_slice %arg12[%dma_wait3A_302, %dma_wait3A_303] : memref<5248x128xf32, #tpu.memory_space<vmem_shared>> -> memref<5248x128xf32, #tpu.memory_space<vmem_shared>>
          tpu.wait_indirect_dma semaphore(%arg18 : memref<!tpu.dma_semaphore, #tpu.memory_space<semaphore_mem>>) src(%arg9 : memref<128x128xf32, #tpu.memory_space<vmem>>) dst(%dma_wait3A_304 : memref<5248x128xf32, #tpu.memory_space<vmem_shared>>)
        } else {
        }
        %add3A_291 = arith.constant 1 : i32
        %add3A_292 = arith.addi %scan3A_237, %add3A_291 : i32
        %lt3A_293 = arith.constant 48 : i32
        %lt3A_294 = arith.cmpi slt, %add3A_292, %lt3A_293 : i32
        %convert_element_type3A_295 = arith.extui %lt3A_294 : i1 to i32
        %cond3A_296 = arith.constant 0 : i32
        %cond3A_297 = arith.cmpi ne, %convert_element_type3A_295, %cond3A_296 : i32
        scf.if %cond3A_297 {
          %add3A_298 = arith.constant 1 : i32
          %add3A_299 = arith.addi %scan3A_237, %add3A_298 : i32
          %dma_start3A_300 = arith.constant 0 : i32
          %dma_start3A_301 = tpu.memref_slice %arg7[%add3A_299, %dma_start3A_300] : memref<48x128xi32, #tpu.memory_space<vmem>> -> memref<1x128xi32, #tpu.memory_space<vmem>>
          %dma_start3A_302 = tpu.memref_squeeze %dma_start3A_301 : memref<1x128xi32, #tpu.memory_space<vmem>> -> memref<128xi32, #tpu.memory_space<vmem>>
          %dma_start3A_303 = arith.constant 0 : i32
          %dma_start3A_304 = arith.constant 0 : i32
          %dma_start3A_305 = tpu.memref_slice %arg11[%dma_start3A_303, %dma_start3A_304] : memref<5120x128xf32, #tpu.memory_space<vmem_shared>> -> memref<5120x128xf32, #tpu.memory_space<vmem_shared>>
          tpu.enqueue_indirect_dma source(%dma_start3A_305 : memref<5120x128xf32, #tpu.memory_space<vmem_shared>>) target(%arg9 : memref<128x128xf32, #tpu.memory_space<vmem>>) offsets(%dma_start3A_302 : memref<128xi32, #tpu.memory_space<vmem>>) semaphore(%arg16 : memref<!tpu.dma_semaphore, #tpu.memory_space<semaphore_mem>>)
        } else {
        }
      } else {
      }
    }
    %scan3A_221 = arith.constant 48 : i32
    %dma_wait3A_222 = arith.constant 47 : i32
    %dma_wait3A_223 = arith.constant 0 : i32
    %dma_wait3A_224 = tpu.memref_slice %arg8[%dma_wait3A_222, %dma_wait3A_223] : memref<48x128xi32, #tpu.memory_space<vmem>> -> memref<1x128xi32, #tpu.memory_space<vmem>>
    %dma_wait3A_225 = tpu.memref_squeeze %dma_wait3A_224 : memref<1x128xi32, #tpu.memory_space<vmem>> -> memref<128xi32, #tpu.memory_space<vmem>>
    %dma_wait3A_226 = arith.constant 0 : i32
    %dma_wait3A_227 = arith.constant 0 : i32
    %dma_wait3A_228 = tpu.memref_slice %arg12[%dma_wait3A_226, %dma_wait3A_227] : memref<5248x128xf32, #tpu.memory_space<vmem_shared>> -> memref<5248x128xf32, #tpu.memory_space<vmem_shared>>
    tpu.wait_indirect_dma semaphore(%arg19 : memref<!tpu.dma_semaphore, #tpu.memory_space<semaphore_mem>>) src(%arg10 : memref<128x128xf32, #tpu.memory_space<vmem>>) dst(%dma_wait3A_228 : memref<5248x128xf32, #tpu.memory_space<vmem_shared>>)
    %barrier3A_229 = arith.constant 0 : index
    tpu.barrier barrier_id(%barrier3A_229)
    %mul3A_230 = arith.constant 5248 : i32
    %mul3A_231 = arith.muli %add3A_129, %mul3A_230 : i32
    %mul3A_232 = arith.constant 328 : i32
    %mul3A_233 = arith.muli %arg1, %mul3A_232 : i32
    %add3A_234 = arith.addi %mul3A_231, %mul3A_233 : i32
    %mul3A_235 = arith.constant 328 : i32
    %mul3A_236 = arith.muli %arg1, %mul3A_235 : i32
    "tpu.region"() ({
      %run_scoped3A = tpu.sem_alloc : memref<!tpu.dma_semaphore, #tpu.memory_space<semaphore_mem>>
      %dma_start3A_237 = arith.constant 0 : i32
      %dma_start3A_238 = tpu.memref_slice %arg6[%add3A_234, %dma_start3A_237] : memref<20992x128xf32, #tpu.memory_space<hbm>> -> memref<328x128xf32, #tpu.memory_space<hbm>>
      %dma_start3A_239 = arith.constant 0 : i32
      %dma_start3A_240 = tpu.memref_slice %arg12[%mul3A_236, %dma_start3A_239] : memref<5248x128xf32, #tpu.memory_space<vmem_shared>> -> memref<328x128xf32, #tpu.memory_space<vmem_shared>>
      tpu.enqueue_dma source(%dma_start3A_240 : memref<328x128xf32, #tpu.memory_space<vmem_shared>>) target(%dma_start3A_238 : memref<328x128xf32, #tpu.memory_space<hbm>>) target_semaphore(%run_scoped3A : memref<!tpu.dma_semaphore, #tpu.memory_space<semaphore_mem>>)
      %dma_wait3A_241 = arith.constant 0 : i32
      %dma_wait3A_242 = tpu.memref_slice %arg6[%add3A_234, %dma_wait3A_241] : memref<20992x128xf32, #tpu.memory_space<hbm>> -> memref<328x128xf32, #tpu.memory_space<hbm>>
      %dma_wait3A_243 = arith.constant 0 : i32
      %dma_wait3A_244 = tpu.memref_slice %arg12[%mul3A_236, %dma_wait3A_243] : memref<5248x128xf32, #tpu.memory_space<vmem_shared>> -> memref<328x128xf32, #tpu.memory_space<vmem_shared>>
      tpu.wait_dma2 semaphore(%run_scoped3A : memref<!tpu.dma_semaphore, #tpu.memory_space<semaphore_mem>>) src(%dma_wait3A_244 : memref<328x128xf32, #tpu.memory_space<vmem_shared>>) dst(%dma_wait3A_242 : memref<328x128xf32, #tpu.memory_space<hbm>>)
      tpu.yield
    }) : () -> ()
    return
  }
}

#map = affine_map<(d0, d1) -> (0, 0)>
#map1 = affine_map<(d0, d1) -> (0, 0, 0, 0)>
module attributes {stable_mosaic.version = 14 : i64} {
  func.func @_agg_body(%arg0: i32, %arg1: i32, %arg2: memref<10000x128xf32, #tpu.memory_space<hbm>>, %arg3: memref<4x16x48x128xi32, #tpu.memory_space<hbm>>, %arg4: memref<4x16x48x128xi32, #tpu.memory_space<hbm>>, %arg5: memref<328x128xf32, #tpu.memory_space<hbm>>, %arg6: memref<20992x128xf32, #tpu.memory_space<hbm>>, %arg7: memref<48x128xi32, #tpu.memory_space<vmem>>, %arg8: memref<48x128xi32, #tpu.memory_space<vmem>>, %arg9: memref<128x128xf32, #tpu.memory_space<vmem>>, %arg10: memref<128x128xf32, #tpu.memory_space<vmem>>, %arg11: memref<5120x128xf32, #tpu.memory_space<vmem_shared>>, %arg12: memref<5248x128xf32, #tpu.memory_space<vmem_shared>>, %arg13: memref<!tpu.dma_semaphore, #tpu.memory_space<semaphore_mem>>, %arg14: memref<!tpu.dma_semaphore, #tpu.memory_space<semaphore_mem>>, %arg15: memref<!tpu.dma_semaphore, #tpu.memory_space<semaphore_mem>>, %arg16: memref<!tpu.dma_semaphore, #tpu.memory_space<semaphore_mem>>, %arg17: memref<!tpu.dma_semaphore, #tpu.memory_space<semaphore_mem>>, %arg18: memref<!tpu.dma_semaphore, #tpu.memory_space<semaphore_mem>>, %arg19: memref<!tpu.dma_semaphore, #tpu.memory_space<semaphore_mem>>) attributes {dimension_semantics = [#tpu.dimension_semantics<core_parallel>, #tpu.dimension_semantics<subcore_parallel>], iteration_bounds = array<i64: 2, 16>, scalar_prefetch = 0 : i64, scratch_operands = 13 : i64, tpu.core_type = #tpu.core_type<sc_vector_subcore>, window_params = [{transform_indices = #map}, {transform_indices = #map1}, {transform_indices = #map1}, {transform_indices = #map}, {transform_indices = #map}]} {
    %mul3A = arith.constant 5000 : i32
    %mul3A_0 = arith.muli %arg0, %mul3A : i32
    %mul3A_1 = arith.constant 312 : i32
    %mul3A_2 = arith.muli %arg1, %mul3A_1 : i32
    %add3A = arith.addi %mul3A_0, %mul3A_2 : i32
    %lt3A = arith.constant 15 : i32
    %lt3A_3 = arith.cmpi slt, %arg1, %lt3A : i32
    %convert_element_type3A = arith.extui %lt3A_3 : i1 to i32
    %cond3A = arith.constant 0 : i32
    %cond3A_4 = arith.cmpi ne, %convert_element_type3A, %cond3A : i32
    scf.if %cond3A_4 {
      %mul3A_237 = arith.constant 312 : i32
      %mul3A_238 = arith.muli %arg1, %mul3A_237 : i32
      %dma_start3A_239 = arith.constant 0 : i32
      %dma_start3A_240 = tpu.memref_slice %arg11[%mul3A_238, %dma_start3A_239] : memref<5120x128xf32, #tpu.memory_space<vmem_shared>> -> memref<312x128xf32, #tpu.memory_space<vmem_shared>>
      %dma_start3A_241 = arith.constant 0 : i32
      %dma_start3A_242 = tpu.memref_slice %arg2[%add3A, %dma_start3A_241] : memref<10000x128xf32, #tpu.memory_space<hbm>> -> memref<312x128xf32, #tpu.memory_space<hbm>>
      tpu.enqueue_dma source(%dma_start3A_242 : memref<312x128xf32, #tpu.memory_space<hbm>>) target(%dma_start3A_240 : memref<312x128xf32, #tpu.memory_space<vmem_shared>>) target_semaphore(%arg13 : memref<!tpu.dma_semaphore, #tpu.memory_space<semaphore_mem>>)
    } else {
    }
    %eq3A = arith.constant 15 : i32
    %eq3A_5 = arith.cmpi eq, %arg1, %eq3A : i32
    %convert_element_type3A_6 = arith.extui %eq3A_5 : i1 to i32
    %cond3A_7 = arith.constant 0 : i32
    %cond3A_8 = arith.cmpi ne, %convert_element_type3A_6, %cond3A_7 : i32
    scf.if %cond3A_8 {
      %mul3A_237 = arith.constant 312 : i32
      %mul3A_238 = arith.muli %arg1, %mul3A_237 : i32
      %dma_start3A_239 = arith.constant 0 : i32
      %dma_start3A_240 = tpu.memref_slice %arg11[%mul3A_238, %dma_start3A_239] : memref<5120x128xf32, #tpu.memory_space<vmem_shared>> -> memref<320x128xf32, #tpu.memory_space<vmem_shared>>
      %dma_start3A_241 = arith.constant 0 : i32
      %dma_start3A_242 = tpu.memref_slice %arg2[%add3A, %dma_start3A_241] : memref<10000x128xf32, #tpu.memory_space<hbm>> -> memref<320x128xf32, #tpu.memory_space<hbm>>
      tpu.enqueue_dma source(%dma_start3A_242 : memref<320x128xf32, #tpu.memory_space<hbm>>) target(%dma_start3A_240 : memref<320x128xf32, #tpu.memory_space<vmem_shared>>) target_semaphore(%arg13 : memref<!tpu.dma_semaphore, #tpu.memory_space<semaphore_mem>>)
    } else {
    }
    %lt3A_9 = arith.constant 15 : i32
    %lt3A_10 = arith.cmpi slt, %arg1, %lt3A_9 : i32
    %convert_element_type3A_11 = arith.extui %lt3A_10 : i1 to i32
    %cond3A_12 = arith.constant 0 : i32
    %cond3A_13 = arith.cmpi ne, %convert_element_type3A_11, %cond3A_12 : i32
    scf.if %cond3A_13 {
      %mul3A_237 = arith.constant 312 : i32
      %mul3A_238 = arith.muli %arg1, %mul3A_237 : i32
      %dma_wait3A_239 = arith.constant 0 : i32
      %dma_wait3A_240 = tpu.memref_slice %arg11[%mul3A_238, %dma_wait3A_239] : memref<5120x128xf32, #tpu.memory_space<vmem_shared>> -> memref<312x128xf32, #tpu.memory_space<vmem_shared>>
      %dma_wait3A_241 = arith.constant 0 : i32
      %dma_wait3A_242 = tpu.memref_slice %arg2[%add3A, %dma_wait3A_241] : memref<10000x128xf32, #tpu.memory_space<hbm>> -> memref<312x128xf32, #tpu.memory_space<hbm>>
      tpu.wait_dma2 semaphore(%arg13 : memref<!tpu.dma_semaphore, #tpu.memory_space<semaphore_mem>>) src(%dma_wait3A_242 : memref<312x128xf32, #tpu.memory_space<hbm>>) dst(%dma_wait3A_240 : memref<312x128xf32, #tpu.memory_space<vmem_shared>>)
    } else {
    }
    %eq3A_14 = arith.constant 15 : i32
    %eq3A_15 = arith.cmpi eq, %arg1, %eq3A_14 : i32
    %convert_element_type3A_16 = arith.extui %eq3A_15 : i1 to i32
    %cond3A_17 = arith.constant 0 : i32
    %cond3A_18 = arith.cmpi ne, %convert_element_type3A_16, %cond3A_17 : i32
    scf.if %cond3A_18 {
      %mul3A_237 = arith.constant 312 : i32
      %mul3A_238 = arith.muli %arg1, %mul3A_237 : i32
      %dma_wait3A_239 = arith.constant 0 : i32
      %dma_wait3A_240 = tpu.memref_slice %arg11[%mul3A_238, %dma_wait3A_239] : memref<5120x128xf32, #tpu.memory_space<vmem_shared>> -> memref<320x128xf32, #tpu.memory_space<vmem_shared>>
      %dma_wait3A_241 = arith.constant 0 : i32
      %dma_wait3A_242 = tpu.memref_slice %arg2[%add3A, %dma_wait3A_241] : memref<10000x128xf32, #tpu.memory_space<hbm>> -> memref<320x128xf32, #tpu.memory_space<hbm>>
      tpu.wait_dma2 semaphore(%arg13 : memref<!tpu.dma_semaphore, #tpu.memory_space<semaphore_mem>>) src(%dma_wait3A_242 : memref<320x128xf32, #tpu.memory_space<hbm>>) dst(%dma_wait3A_240 : memref<320x128xf32, #tpu.memory_space<vmem_shared>>)
    } else {
    }
    %mul3A_19 = arith.constant 2 : i32
    %mul3A_20 = arith.muli %arg0, %mul3A_19 : i32
    %add3A_21 = arith.constant 0 : i32
    %add3A_22 = arith.addi %mul3A_20, %add3A_21 : i32
    %mul3A_23 = arith.constant 328 : i32
    %mul3A_24 = arith.muli %arg1, %mul3A_23 : i32
    %dma_start3A = arith.constant 0 : i32
    %dma_start3A_25 = tpu.memref_slice %arg12[%mul3A_24, %dma_start3A] : memref<5248x128xf32, #tpu.memory_space<vmem_shared>> -> memref<328x128xf32, #tpu.memory_space<vmem_shared>>
    tpu.enqueue_dma source(%arg5 : memref<328x128xf32, #tpu.memory_space<hbm>>) target(%dma_start3A_25 : memref<328x128xf32, #tpu.memory_space<vmem_shared>>) target_semaphore(%arg15 : memref<!tpu.dma_semaphore, #tpu.memory_space<semaphore_mem>>)
    %dma_start3A_26 = arith.constant 0 : i32
    %dma_start3A_27 = arith.constant 0 : i32
    %dma_start3A_28 = arith.constant 0 : i32
    %dma_start3A_29 = tpu.memref_slice %arg3[%add3A_22, %dma_start3A_26, %dma_start3A_27, %dma_start3A_28] : memref<4x16x48x128xi32, #tpu.memory_space<hbm>> -> memref<1x16x48x128xi32, #tpu.memory_space<hbm>>
    %dma_start3A_30 = tpu.memref_squeeze %dma_start3A_29 : memref<1x16x48x128xi32, #tpu.memory_space<hbm>> -> memref<16x48x128xi32, #tpu.memory_space<hbm>>
    %dma_start3A_31 = arith.constant 0 : i32
    %dma_start3A_32 = arith.constant 0 : i32
    %dma_start3A_33 = tpu.memref_slice %dma_start3A_30[%arg1, %dma_start3A_31, %dma_start3A_32] : memref<16x48x128xi32, #tpu.memory_space<hbm>> -> memref<1x48x128xi32, #tpu.memory_space<hbm>>
    %dma_start3A_34 = tpu.memref_squeeze %dma_start3A_33 : memref<1x48x128xi32, #tpu.memory_space<hbm>> -> memref<48x128xi32, #tpu.memory_space<hbm>>
    %dma_start3A_35 = arith.constant 0 : i32
    %dma_start3A_36 = arith.constant 0 : i32
    %dma_start3A_37 = arith.constant 0 : i32
    %dma_start3A_38 = tpu.memref_slice %arg3[%add3A_22, %dma_start3A_35, %dma_start3A_36, %dma_start3A_37] : memref<4x16x48x128xi32, #tpu.memory_space<hbm>> -> memref<1x16x48x128xi32, #tpu.memory_space<hbm>>
    %dma_start3A_39 = tpu.memref_squeeze %dma_start3A_38 : memref<1x16x48x128xi32, #tpu.memory_space<hbm>> -> memref<16x48x128xi32, #tpu.memory_space<hbm>>
    %dma_start3A_40 = arith.constant 0 : i32
    %dma_start3A_41 = arith.constant 0 : i32
    %dma_start3A_42 = tpu.memref_slice %dma_start3A_39[%arg1, %dma_start3A_40, %dma_start3A_41] : memref<16x48x128xi32, #tpu.memory_space<hbm>> -> memref<1x48x128xi32, #tpu.memory_space<hbm>>
    %dma_start3A_43 = tpu.memref_squeeze %dma_start3A_42 : memref<1x48x128xi32, #tpu.memory_space<hbm>> -> memref<48x128xi32, #tpu.memory_space<hbm>>
    tpu.enqueue_dma source(%dma_start3A_43 : memref<48x128xi32, #tpu.memory_space<hbm>>) target(%arg7 : memref<48x128xi32, #tpu.memory_space<vmem>>) target_semaphore(%arg14 : memref<!tpu.dma_semaphore, #tpu.memory_space<semaphore_mem>>)
    %dma_start3A_44 = arith.constant 0 : i32
    %dma_start3A_45 = arith.constant 0 : i32
    %dma_start3A_46 = arith.constant 0 : i32
    %dma_start3A_47 = tpu.memref_slice %arg4[%add3A_22, %dma_start3A_44, %dma_start3A_45, %dma_start3A_46] : memref<4x16x48x128xi32, #tpu.memory_space<hbm>> -> memref<1x16x48x128xi32, #tpu.memory_space<hbm>>
    %dma_start3A_48 = tpu.memref_squeeze %dma_start3A_47 : memref<1x16x48x128xi32, #tpu.memory_space<hbm>> -> memref<16x48x128xi32, #tpu.memory_space<hbm>>
    %dma_start3A_49 = arith.constant 0 : i32
    %dma_start3A_50 = arith.constant 0 : i32
    %dma_start3A_51 = tpu.memref_slice %dma_start3A_48[%arg1, %dma_start3A_49, %dma_start3A_50] : memref<16x48x128xi32, #tpu.memory_space<hbm>> -> memref<1x48x128xi32, #tpu.memory_space<hbm>>
    %dma_start3A_52 = tpu.memref_squeeze %dma_start3A_51 : memref<1x48x128xi32, #tpu.memory_space<hbm>> -> memref<48x128xi32, #tpu.memory_space<hbm>>
    %dma_start3A_53 = arith.constant 0 : i32
    %dma_start3A_54 = arith.constant 0 : i32
    %dma_start3A_55 = arith.constant 0 : i32
    %dma_start3A_56 = tpu.memref_slice %arg4[%add3A_22, %dma_start3A_53, %dma_start3A_54, %dma_start3A_55] : memref<4x16x48x128xi32, #tpu.memory_space<hbm>> -> memref<1x16x48x128xi32, #tpu.memory_space<hbm>>
    %dma_start3A_57 = tpu.memref_squeeze %dma_start3A_56 : memref<1x16x48x128xi32, #tpu.memory_space<hbm>> -> memref<16x48x128xi32, #tpu.memory_space<hbm>>
    %dma_start3A_58 = arith.constant 0 : i32
    %dma_start3A_59 = arith.constant 0 : i32
    %dma_start3A_60 = tpu.memref_slice %dma_start3A_57[%arg1, %dma_start3A_58, %dma_start3A_59] : memref<16x48x128xi32, #tpu.memory_space<hbm>> -> memref<1x48x128xi32, #tpu.memory_space<hbm>>
    %dma_start3A_61 = tpu.memref_squeeze %dma_start3A_60 : memref<1x48x128xi32, #tpu.memory_space<hbm>> -> memref<48x128xi32, #tpu.memory_space<hbm>>
    tpu.enqueue_dma source(%dma_start3A_61 : memref<48x128xi32, #tpu.memory_space<hbm>>) target(%arg8 : memref<48x128xi32, #tpu.memory_space<vmem>>) target_semaphore(%arg14 : memref<!tpu.dma_semaphore, #tpu.memory_space<semaphore_mem>>)
    %dma_wait3A = arith.constant 0 : i32
    %dma_wait3A_62 = tpu.memref_slice %arg12[%mul3A_24, %dma_wait3A] : memref<5248x128xf32, #tpu.memory_space<vmem_shared>> -> memref<328x128xf32, #tpu.memory_space<vmem_shared>>
    tpu.wait_dma2 semaphore(%arg15 : memref<!tpu.dma_semaphore, #tpu.memory_space<semaphore_mem>>) src(%arg5 : memref<328x128xf32, #tpu.memory_space<hbm>>) dst(%dma_wait3A_62 : memref<328x128xf32, #tpu.memory_space<vmem_shared>>)
    %dma_wait3A_63 = arith.constant 0 : i32
    %dma_wait3A_64 = arith.constant 0 : i32
    %dma_wait3A_65 = arith.constant 0 : i32
    %dma_wait3A_66 = tpu.memref_slice %arg3[%add3A_22, %dma_wait3A_63, %dma_wait3A_64, %dma_wait3A_65] : memref<4x16x48x128xi32, #tpu.memory_space<hbm>> -> memref<1x16x48x128xi32, #tpu.memory_space<hbm>>
    %dma_wait3A_67 = tpu.memref_squeeze %dma_wait3A_66 : memref<1x16x48x128xi32, #tpu.memory_space<hbm>> -> memref<16x48x128xi32, #tpu.memory_space<hbm>>
    %dma_wait3A_68 = arith.constant 0 : i32
    %dma_wait3A_69 = arith.constant 0 : i32
    %dma_wait3A_70 = tpu.memref_slice %dma_wait3A_67[%arg1, %dma_wait3A_68, %dma_wait3A_69] : memref<16x48x128xi32, #tpu.memory_space<hbm>> -> memref<1x48x128xi32, #tpu.memory_space<hbm>>
    %dma_wait3A_71 = tpu.memref_squeeze %dma_wait3A_70 : memref<1x48x128xi32, #tpu.memory_space<hbm>> -> memref<48x128xi32, #tpu.memory_space<hbm>>
    %dma_wait3A_72 = arith.constant 0 : i32
    %dma_wait3A_73 = arith.constant 0 : i32
    %dma_wait3A_74 = arith.constant 0 : i32
    %dma_wait3A_75 = tpu.memref_slice %arg3[%add3A_22, %dma_wait3A_72, %dma_wait3A_73, %dma_wait3A_74] : memref<4x16x48x128xi32, #tpu.memory_space<hbm>> -> memref<1x16x48x128xi32, #tpu.memory_space<hbm>>
    %dma_wait3A_76 = tpu.memref_squeeze %dma_wait3A_75 : memref<1x16x48x128xi32, #tpu.memory_space<hbm>> -> memref<16x48x128xi32, #tpu.memory_space<hbm>>
    %dma_wait3A_77 = arith.constant 0 : i32
    %dma_wait3A_78 = arith.constant 0 : i32
    %dma_wait3A_79 = tpu.memref_slice %dma_wait3A_76[%arg1, %dma_wait3A_77, %dma_wait3A_78] : memref<16x48x128xi32, #tpu.memory_space<hbm>> -> memref<1x48x128xi32, #tpu.memory_space<hbm>>
    %dma_wait3A_80 = tpu.memref_squeeze %dma_wait3A_79 : memref<1x48x128xi32, #tpu.memory_space<hbm>> -> memref<48x128xi32, #tpu.memory_space<hbm>>
    tpu.wait_dma2 semaphore(%arg14 : memref<!tpu.dma_semaphore, #tpu.memory_space<semaphore_mem>>) src(%dma_wait3A_80 : memref<48x128xi32, #tpu.memory_space<hbm>>) dst(%arg7 : memref<48x128xi32, #tpu.memory_space<vmem>>)
    %dma_wait3A_81 = arith.constant 0 : i32
    %dma_wait3A_82 = arith.constant 0 : i32
    %dma_wait3A_83 = arith.constant 0 : i32
    %dma_wait3A_84 = tpu.memref_slice %arg4[%add3A_22, %dma_wait3A_81, %dma_wait3A_82, %dma_wait3A_83] : memref<4x16x48x128xi32, #tpu.memory_space<hbm>> -> memref<1x16x48x128xi32, #tpu.memory_space<hbm>>
    %dma_wait3A_85 = tpu.memref_squeeze %dma_wait3A_84 : memref<1x16x48x128xi32, #tpu.memory_space<hbm>> -> memref<16x48x128xi32, #tpu.memory_space<hbm>>
    %dma_wait3A_86 = arith.constant 0 : i32
    %dma_wait3A_87 = arith.constant 0 : i32
    %dma_wait3A_88 = tpu.memref_slice %dma_wait3A_85[%arg1, %dma_wait3A_86, %dma_wait3A_87] : memref<16x48x128xi32, #tpu.memory_space<hbm>> -> memref<1x48x128xi32, #tpu.memory_space<hbm>>
    %dma_wait3A_89 = tpu.memref_squeeze %dma_wait3A_88 : memref<1x48x128xi32, #tpu.memory_space<hbm>> -> memref<48x128xi32, #tpu.memory_space<hbm>>
    %dma_wait3A_90 = arith.constant 0 : i32
    %dma_wait3A_91 = arith.constant 0 : i32
    %dma_wait3A_92 = arith.constant 0 : i32
    %dma_wait3A_93 = tpu.memref_slice %arg4[%add3A_22, %dma_wait3A_90, %dma_wait3A_91, %dma_wait3A_92] : memref<4x16x48x128xi32, #tpu.memory_space<hbm>> -> memref<1x16x48x128xi32, #tpu.memory_space<hbm>>
    %dma_wait3A_94 = tpu.memref_squeeze %dma_wait3A_93 : memref<1x16x48x128xi32, #tpu.memory_space<hbm>> -> memref<16x48x128xi32, #tpu.memory_space<hbm>>
    %dma_wait3A_95 = arith.constant 0 : i32
    %dma_wait3A_96 = arith.constant 0 : i32
    %dma_wait3A_97 = tpu.memref_slice %dma_wait3A_94[%arg1, %dma_wait3A_95, %dma_wait3A_96] : memref<16x48x128xi32, #tpu.memory_space<hbm>> -> memref<1x48x128xi32, #tpu.memory_space<hbm>>
    %dma_wait3A_98 = tpu.memref_squeeze %dma_wait3A_97 : memref<1x48x128xi32, #tpu.memory_space<hbm>> -> memref<48x128xi32, #tpu.memory_space<hbm>>
    tpu.wait_dma2 semaphore(%arg14 : memref<!tpu.dma_semaphore, #tpu.memory_space<semaphore_mem>>) src(%dma_wait3A_98 : memref<48x128xi32, #tpu.memory_space<hbm>>) dst(%arg8 : memref<48x128xi32, #tpu.memory_space<vmem>>)
    %barrier3A = arith.constant 0 : index
    tpu.barrier barrier_id(%barrier3A)
    %dma_start3A_99 = arith.constant 0 : i32
    %dma_start3A_100 = arith.constant 0 : i32
    %dma_start3A_101 = tpu.memref_slice %arg7[%dma_start3A_99, %dma_start3A_100] : memref<48x128xi32, #tpu.memory_space<vmem>> -> memref<1x128xi32, #tpu.memory_space<vmem>>
    %dma_start3A_102 = tpu.memref_squeeze %dma_start3A_101 : memref<1x128xi32, #tpu.memory_space<vmem>> -> memref<128xi32, #tpu.memory_space<vmem>>
    %dma_start3A_103 = arith.constant 0 : i32
    %dma_start3A_104 = arith.constant 0 : i32
    %dma_start3A_105 = tpu.memref_slice %arg11[%dma_start3A_103, %dma_start3A_104] : memref<5120x128xf32, #tpu.memory_space<vmem_shared>> -> memref<5120x128xf32, #tpu.memory_space<vmem_shared>>
    tpu.enqueue_indirect_dma source(%dma_start3A_105 : memref<5120x128xf32, #tpu.memory_space<vmem_shared>>) target(%arg9 : memref<128x128xf32, #tpu.memory_space<vmem>>) offsets(%dma_start3A_102 : memref<128xi32, #tpu.memory_space<vmem>>) semaphore(%arg16 : memref<!tpu.dma_semaphore, #tpu.memory_space<semaphore_mem>>)
    %scan3A = arith.constant 0 : i32
    %scan3A_106 = arith.constant 0 : i32
    %scan3A_107 = arith.constant 48 : i32
    %scan3A_108 = arith.addi %scan3A_106, %scan3A_107 : i32
    %scan3A_109 = arith.constant 1 : i32
    scf.for %scan3A_237 = %scan3A_106 to %scan3A_108 step %scan3A_109  : i32 {
      %jit3A = arith.constant 2 : i32
      %eq3A_238 = arith.constant 0 : i32
      %eq3A_239 = arith.cmpi eq, %jit3A, %eq3A_238 : i32
      %jit3A_240 = arith.constant 1 : i32
      %select_n3A = arith.select %eq3A_239, %jit3A_240, %jit3A : i32
      %rem3A = arith.remsi %scan3A_237, %select_n3A : i32
      %ne3A = arith.constant 0 : i32
      %ne3A_241 = arith.cmpi ne, %rem3A, %ne3A : i32
      %lt3A_242 = arith.constant 0 : i32
      %lt3A_243 = arith.cmpi slt, %rem3A, %lt3A_242 : i32
      %lt3A_244 = arith.constant 0 : i32
      %lt3A_245 = arith.cmpi slt, %select_n3A, %lt3A_244 : i32
      %ne3A_246 = arith.xori %lt3A_243, %lt3A_245 : i1
      %and3A = arith.andi %ne3A_246, %ne3A_241 : i1
      %add3A_247 = arith.addi %rem3A, %select_n3A : i32
      %select_n3A_248 = arith.select %and3A, %add3A_247, %rem3A : i32
      %eq3A_249 = arith.constant 0 : i32
      %eq3A_250 = arith.cmpi eq, %select_n3A_248, %eq3A_249 : i32
      %convert_element_type3A_251 = arith.extui %eq3A_250 : i1 to i32
      %cond3A_252 = arith.constant 0 : i32
      %cond3A_253 = arith.cmpi ne, %convert_element_type3A_251, %cond3A_252 : i32
      scf.if %cond3A_253 {
        %dma_wait3A_275 = arith.constant 0 : i32
        %dma_wait3A_276 = tpu.memref_slice %arg7[%scan3A_237, %dma_wait3A_275] : memref<48x128xi32, #tpu.memory_space<vmem>> -> memref<1x128xi32, #tpu.memory_space<vmem>>
        %dma_wait3A_277 = tpu.memref_squeeze %dma_wait3A_276 : memref<1x128xi32, #tpu.memory_space<vmem>> -> memref<128xi32, #tpu.memory_space<vmem>>
        %dma_wait3A_278 = arith.constant 0 : i32
        %dma_wait3A_279 = arith.constant 0 : i32
        %dma_wait3A_280 = tpu.memref_slice %arg11[%dma_wait3A_278, %dma_wait3A_279] : memref<5120x128xf32, #tpu.memory_space<vmem_shared>> -> memref<5120x128xf32, #tpu.memory_space<vmem_shared>>
        tpu.wait_indirect_dma semaphore(%arg16 : memref<!tpu.dma_semaphore, #tpu.memory_space<semaphore_mem>>) src(%dma_wait3A_280 : memref<5120x128xf32, #tpu.memory_space<vmem_shared>>) dst(%arg9 : memref<128x128xf32, #tpu.memory_space<vmem>>)
        %dma_start3A_281 = arith.constant 0 : i32
        %dma_start3A_282 = tpu.memref_slice %arg8[%scan3A_237, %dma_start3A_281] : memref<48x128xi32, #tpu.memory_space<vmem>> -> memref<1x128xi32, #tpu.memory_space<vmem>>
        %dma_start3A_283 = tpu.memref_squeeze %dma_start3A_282 : memref<1x128xi32, #tpu.memory_space<vmem>> -> memref<128xi32, #tpu.memory_space<vmem>>
        %dma_start3A_284 = arith.constant 0 : i32
        %dma_start3A_285 = arith.constant 0 : i32
        %dma_start3A_286 = tpu.memref_slice %arg12[%dma_start3A_284, %dma_start3A_285] : memref<5248x128xf32, #tpu.memory_space<vmem_shared>> -> memref<5248x128xf32, #tpu.memory_space<vmem_shared>>
        tpu.enqueue_indirect_dma source(%arg9 : memref<128x128xf32, #tpu.memory_space<vmem>>) target(%dma_start3A_286 : memref<5248x128xf32, #tpu.memory_space<vmem_shared>>) offsets(%dma_start3A_283 : memref<128xi32, #tpu.memory_space<vmem>>) semaphore(%arg18 : memref<!tpu.dma_semaphore, #tpu.memory_space<semaphore_mem>>) {add = true}
        %ge3A = arith.constant 1 : i32
        %ge3A_287 = arith.cmpi sge, %scan3A_237, %ge3A : i32
        %convert_element_type3A_288 = arith.extui %ge3A_287 : i1 to i32
        %cond3A_289 = arith.constant 0 : i32
        %cond3A_290 = arith.cmpi ne, %convert_element_type3A_288, %cond3A_289 : i32
        scf.if %cond3A_290 {
          %sub3A = arith.constant 1 : i32
          %sub3A_298 = arith.subi %scan3A_237, %sub3A : i32
          %dma_wait3A_299 = arith.constant 0 : i32
          %dma_wait3A_300 = tpu.memref_slice %arg8[%sub3A_298, %dma_wait3A_299] : memref<48x128xi32, #tpu.memory_space<vmem>> -> memref<1x128xi32, #tpu.memory_space<vmem>>
          %dma_wait3A_301 = tpu.memref_squeeze %dma_wait3A_300 : memref<1x128xi32, #tpu.memory_space<vmem>> -> memref<128xi32, #tpu.memory_space<vmem>>
          %dma_wait3A_302 = arith.constant 0 : i32
          %dma_wait3A_303 = arith.constant 0 : i32
          %dma_wait3A_304 = tpu.memref_slice %arg12[%dma_wait3A_302, %dma_wait3A_303] : memref<5248x128xf32, #tpu.memory_space<vmem_shared>> -> memref<5248x128xf32, #tpu.memory_space<vmem_shared>>
          tpu.wait_indirect_dma semaphore(%arg19 : memref<!tpu.dma_semaphore, #tpu.memory_space<semaphore_mem>>) src(%arg10 : memref<128x128xf32, #tpu.memory_space<vmem>>) dst(%dma_wait3A_304 : memref<5248x128xf32, #tpu.memory_space<vmem_shared>>)
        } else {
        }
        %add3A_291 = arith.constant 1 : i32
        %add3A_292 = arith.addi %scan3A_237, %add3A_291 : i32
        %lt3A_293 = arith.constant 48 : i32
        %lt3A_294 = arith.cmpi slt, %add3A_292, %lt3A_293 : i32
        %convert_element_type3A_295 = arith.extui %lt3A_294 : i1 to i32
        %cond3A_296 = arith.constant 0 : i32
        %cond3A_297 = arith.cmpi ne, %convert_element_type3A_295, %cond3A_296 : i32
        scf.if %cond3A_297 {
          %add3A_298 = arith.constant 1 : i32
          %add3A_299 = arith.addi %scan3A_237, %add3A_298 : i32
          %dma_start3A_300 = arith.constant 0 : i32
          %dma_start3A_301 = tpu.memref_slice %arg7[%add3A_299, %dma_start3A_300] : memref<48x128xi32, #tpu.memory_space<vmem>> -> memref<1x128xi32, #tpu.memory_space<vmem>>
          %dma_start3A_302 = tpu.memref_squeeze %dma_start3A_301 : memref<1x128xi32, #tpu.memory_space<vmem>> -> memref<128xi32, #tpu.memory_space<vmem>>
          %dma_start3A_303 = arith.constant 0 : i32
          %dma_start3A_304 = arith.constant 0 : i32
          %dma_start3A_305 = tpu.memref_slice %arg11[%dma_start3A_303, %dma_start3A_304] : memref<5120x128xf32, #tpu.memory_space<vmem_shared>> -> memref<5120x128xf32, #tpu.memory_space<vmem_shared>>
          tpu.enqueue_indirect_dma source(%dma_start3A_305 : memref<5120x128xf32, #tpu.memory_space<vmem_shared>>) target(%arg10 : memref<128x128xf32, #tpu.memory_space<vmem>>) offsets(%dma_start3A_302 : memref<128xi32, #tpu.memory_space<vmem>>) semaphore(%arg17 : memref<!tpu.dma_semaphore, #tpu.memory_space<semaphore_mem>>)
        } else {
        }
      } else {
      }
      %jit3A_254 = arith.constant 2 : i32
      %eq3A_255 = arith.constant 0 : i32
      %eq3A_256 = arith.cmpi eq, %jit3A_254, %eq3A_255 : i32
      %jit3A_257 = arith.constant 1 : i32
      %select_n3A_258 = arith.select %eq3A_256, %jit3A_257, %jit3A_254 : i32
      %rem3A_259 = arith.remsi %scan3A_237, %select_n3A_258 : i32
      %ne3A_260 = arith.constant 0 : i32
      %ne3A_261 = arith.cmpi ne, %rem3A_259, %ne3A_260 : i32
      %lt3A_262 = arith.constant 0 : i32
      %lt3A_263 = arith.cmpi slt, %rem3A_259, %lt3A_262 : i32
      %lt3A_264 = arith.constant 0 : i32
      %lt3A_265 = arith.cmpi slt, %select_n3A_258, %lt3A_264 : i32
      %ne3A_266 = arith.xori %lt3A_263, %lt3A_265 : i1
      %and3A_267 = arith.andi %ne3A_266, %ne3A_261 : i1
      %add3A_268 = arith.addi %rem3A_259, %select_n3A_258 : i32
      %select_n3A_269 = arith.select %and3A_267, %add3A_268, %rem3A_259 : i32
      %eq3A_270 = arith.constant 1 : i32
      %eq3A_271 = arith.cmpi eq, %select_n3A_269, %eq3A_270 : i32
      %convert_element_type3A_272 = arith.extui %eq3A_271 : i1 to i32
      %cond3A_273 = arith.constant 0 : i32
      %cond3A_274 = arith.cmpi ne, %convert_element_type3A_272, %cond3A_273 : i32
      scf.if %cond3A_274 {
        %dma_wait3A_275 = arith.constant 0 : i32
        %dma_wait3A_276 = tpu.memref_slice %arg7[%scan3A_237, %dma_wait3A_275] : memref<48x128xi32, #tpu.memory_space<vmem>> -> memref<1x128xi32, #tpu.memory_space<vmem>>
        %dma_wait3A_277 = tpu.memref_squeeze %dma_wait3A_276 : memref<1x128xi32, #tpu.memory_space<vmem>> -> memref<128xi32, #tpu.memory_space<vmem>>
        %dma_wait3A_278 = arith.constant 0 : i32
        %dma_wait3A_279 = arith.constant 0 : i32
        %dma_wait3A_280 = tpu.memref_slice %arg11[%dma_wait3A_278, %dma_wait3A_279] : memref<5120x128xf32, #tpu.memory_space<vmem_shared>> -> memref<5120x128xf32, #tpu.memory_space<vmem_shared>>
        tpu.wait_indirect_dma semaphore(%arg17 : memref<!tpu.dma_semaphore, #tpu.memory_space<semaphore_mem>>) src(%dma_wait3A_280 : memref<5120x128xf32, #tpu.memory_space<vmem_shared>>) dst(%arg10 : memref<128x128xf32, #tpu.memory_space<vmem>>)
        %dma_start3A_281 = arith.constant 0 : i32
        %dma_start3A_282 = tpu.memref_slice %arg8[%scan3A_237, %dma_start3A_281] : memref<48x128xi32, #tpu.memory_space<vmem>> -> memref<1x128xi32, #tpu.memory_space<vmem>>
        %dma_start3A_283 = tpu.memref_squeeze %dma_start3A_282 : memref<1x128xi32, #tpu.memory_space<vmem>> -> memref<128xi32, #tpu.memory_space<vmem>>
        %dma_start3A_284 = arith.constant 0 : i32
        %dma_start3A_285 = arith.constant 0 : i32
        %dma_start3A_286 = tpu.memref_slice %arg12[%dma_start3A_284, %dma_start3A_285] : memref<5248x128xf32, #tpu.memory_space<vmem_shared>> -> memref<5248x128xf32, #tpu.memory_space<vmem_shared>>
        tpu.enqueue_indirect_dma source(%arg10 : memref<128x128xf32, #tpu.memory_space<vmem>>) target(%dma_start3A_286 : memref<5248x128xf32, #tpu.memory_space<vmem_shared>>) offsets(%dma_start3A_283 : memref<128xi32, #tpu.memory_space<vmem>>) semaphore(%arg19 : memref<!tpu.dma_semaphore, #tpu.memory_space<semaphore_mem>>) {add = true}
        %ge3A = arith.constant 1 : i32
        %ge3A_287 = arith.cmpi sge, %scan3A_237, %ge3A : i32
        %convert_element_type3A_288 = arith.extui %ge3A_287 : i1 to i32
        %cond3A_289 = arith.constant 0 : i32
        %cond3A_290 = arith.cmpi ne, %convert_element_type3A_288, %cond3A_289 : i32
        scf.if %cond3A_290 {
          %sub3A = arith.constant 1 : i32
          %sub3A_298 = arith.subi %scan3A_237, %sub3A : i32
          %dma_wait3A_299 = arith.constant 0 : i32
          %dma_wait3A_300 = tpu.memref_slice %arg8[%sub3A_298, %dma_wait3A_299] : memref<48x128xi32, #tpu.memory_space<vmem>> -> memref<1x128xi32, #tpu.memory_space<vmem>>
          %dma_wait3A_301 = tpu.memref_squeeze %dma_wait3A_300 : memref<1x128xi32, #tpu.memory_space<vmem>> -> memref<128xi32, #tpu.memory_space<vmem>>
          %dma_wait3A_302 = arith.constant 0 : i32
          %dma_wait3A_303 = arith.constant 0 : i32
          %dma_wait3A_304 = tpu.memref_slice %arg12[%dma_wait3A_302, %dma_wait3A_303] : memref<5248x128xf32, #tpu.memory_space<vmem_shared>> -> memref<5248x128xf32, #tpu.memory_space<vmem_shared>>
          tpu.wait_indirect_dma semaphore(%arg18 : memref<!tpu.dma_semaphore, #tpu.memory_space<semaphore_mem>>) src(%arg9 : memref<128x128xf32, #tpu.memory_space<vmem>>) dst(%dma_wait3A_304 : memref<5248x128xf32, #tpu.memory_space<vmem_shared>>)
        } else {
        }
        %add3A_291 = arith.constant 1 : i32
        %add3A_292 = arith.addi %scan3A_237, %add3A_291 : i32
        %lt3A_293 = arith.constant 48 : i32
        %lt3A_294 = arith.cmpi slt, %add3A_292, %lt3A_293 : i32
        %convert_element_type3A_295 = arith.extui %lt3A_294 : i1 to i32
        %cond3A_296 = arith.constant 0 : i32
        %cond3A_297 = arith.cmpi ne, %convert_element_type3A_295, %cond3A_296 : i32
        scf.if %cond3A_297 {
          %add3A_298 = arith.constant 1 : i32
          %add3A_299 = arith.addi %scan3A_237, %add3A_298 : i32
          %dma_start3A_300 = arith.constant 0 : i32
          %dma_start3A_301 = tpu.memref_slice %arg7[%add3A_299, %dma_start3A_300] : memref<48x128xi32, #tpu.memory_space<vmem>> -> memref<1x128xi32, #tpu.memory_space<vmem>>
          %dma_start3A_302 = tpu.memref_squeeze %dma_start3A_301 : memref<1x128xi32, #tpu.memory_space<vmem>> -> memref<128xi32, #tpu.memory_space<vmem>>
          %dma_start3A_303 = arith.constant 0 : i32
          %dma_start3A_304 = arith.constant 0 : i32
          %dma_start3A_305 = tpu.memref_slice %arg11[%dma_start3A_303, %dma_start3A_304] : memref<5120x128xf32, #tpu.memory_space<vmem_shared>> -> memref<5120x128xf32, #tpu.memory_space<vmem_shared>>
          tpu.enqueue_indirect_dma source(%dma_start3A_305 : memref<5120x128xf32, #tpu.memory_space<vmem_shared>>) target(%arg9 : memref<128x128xf32, #tpu.memory_space<vmem>>) offsets(%dma_start3A_302 : memref<128xi32, #tpu.memory_space<vmem>>) semaphore(%arg16 : memref<!tpu.dma_semaphore, #tpu.memory_space<semaphore_mem>>)
        } else {
        }
      } else {
      }
    }
    %scan3A_110 = arith.constant 48 : i32
    %dma_wait3A_111 = arith.constant 47 : i32
    %dma_wait3A_112 = arith.constant 0 : i32
    %dma_wait3A_113 = tpu.memref_slice %arg8[%dma_wait3A_111, %dma_wait3A_112] : memref<48x128xi32, #tpu.memory_space<vmem>> -> memref<1x128xi32, #tpu.memory_space<vmem>>
    %dma_wait3A_114 = tpu.memref_squeeze %dma_wait3A_113 : memref<1x128xi32, #tpu.memory_space<vmem>> -> memref<128xi32, #tpu.memory_space<vmem>>
    %dma_wait3A_115 = arith.constant 0 : i32
    %dma_wait3A_116 = arith.constant 0 : i32
    %dma_wait3A_117 = tpu.memref_slice %arg12[%dma_wait3A_115, %dma_wait3A_116] : memref<5248x128xf32, #tpu.memory_space<vmem_shared>> -> memref<5248x128xf32, #tpu.memory_space<vmem_shared>>
    tpu.wait_indirect_dma semaphore(%arg19 : memref<!tpu.dma_semaphore, #tpu.memory_space<semaphore_mem>>) src(%arg10 : memref<128x128xf32, #tpu.memory_space<vmem>>) dst(%dma_wait3A_117 : memref<5248x128xf32, #tpu.memory_space<vmem_shared>>)
    %barrier3A_118 = arith.constant 0 : index
    tpu.barrier barrier_id(%barrier3A_118)
    %mul3A_119 = arith.constant 5248 : i32
    %mul3A_120 = arith.muli %add3A_22, %mul3A_119 : i32
    %mul3A_121 = arith.constant 328 : i32
    %mul3A_122 = arith.muli %arg1, %mul3A_121 : i32
    %add3A_123 = arith.addi %mul3A_120, %mul3A_122 : i32
    %mul3A_124 = arith.constant 328 : i32
    %mul3A_125 = arith.muli %arg1, %mul3A_124 : i32
    "tpu.region"() ({
      %run_scoped3A = tpu.sem_alloc : memref<!tpu.dma_semaphore, #tpu.memory_space<semaphore_mem>>
      %dma_start3A_237 = arith.constant 0 : i32
      %dma_start3A_238 = tpu.memref_slice %arg6[%add3A_123, %dma_start3A_237] : memref<20992x128xf32, #tpu.memory_space<hbm>> -> memref<328x128xf32, #tpu.memory_space<hbm>>
      %dma_start3A_239 = arith.constant 0 : i32
      %dma_start3A_240 = tpu.memref_slice %arg12[%mul3A_125, %dma_start3A_239] : memref<5248x128xf32, #tpu.memory_space<vmem_shared>> -> memref<328x128xf32, #tpu.memory_space<vmem_shared>>
      tpu.enqueue_dma source(%dma_start3A_240 : memref<328x128xf32, #tpu.memory_space<vmem_shared>>) target(%dma_start3A_238 : memref<328x128xf32, #tpu.memory_space<hbm>>) target_semaphore(%run_scoped3A : memref<!tpu.dma_semaphore, #tpu.memory_space<semaphore_mem>>)
      %dma_wait3A_241 = arith.constant 0 : i32
      %dma_wait3A_242 = tpu.memref_slice %arg6[%add3A_123, %dma_wait3A_241] : memref<20992x128xf32, #tpu.memory_space<hbm>> -> memref<328x128xf32, #tpu.memory_space<hbm>>
      %dma_wait3A_243 = arith.constant 0 : i32
      %dma_wait3A_244 = tpu.memref_slice %arg12[%mul3A_125, %dma_wait3A_243] : memref<5248x128xf32, #tpu.memory_space<vmem_shared>> -> memref<328x128xf32, #tpu.memory_space<vmem_shared>>
      tpu.wait_dma2 semaphore(%run_scoped3A : memref<!tpu.dma_semaphore, #tpu.memory_space<semaphore_mem>>) src(%dma_wait3A_244 : memref<328x128xf32, #tpu.memory_space<vmem_shared>>) dst(%dma_wait3A_242 : memref<328x128xf32, #tpu.memory_space<hbm>>)
      tpu.yield
    }) : () -> ()
    %mul3A_126 = arith.constant 2 : i32
    %mul3A_127 = arith.muli %arg0, %mul3A_126 : i32
    %add3A_128 = arith.constant 1 : i32
    %add3A_129 = arith.addi %mul3A_127, %add3A_128 : i32
    %mul3A_130 = arith.constant 328 : i32
    %mul3A_131 = arith.muli %arg1, %mul3A_130 : i32
    %dma_start3A_132 = arith.constant 0 : i32
    %dma_start3A_133 = tpu.memref_slice %arg12[%mul3A_131, %dma_start3A_132] : memref<5248x128xf32, #tpu.memory_space<vmem_shared>> -> memref<328x128xf32, #tpu.memory_space<vmem_shared>>
    tpu.enqueue_dma source(%arg5 : memref<328x128xf32, #tpu.memory_space<hbm>>) target(%dma_start3A_133 : memref<328x128xf32, #tpu.memory_space<vmem_shared>>) target_semaphore(%arg15 : memref<!tpu.dma_semaphore, #tpu.memory_space<semaphore_mem>>)
    %dma_start3A_134 = arith.constant 0 : i32
    %dma_start3A_135 = arith.constant 0 : i32
    %dma_start3A_136 = arith.constant 0 : i32
    %dma_start3A_137 = tpu.memref_slice %arg3[%add3A_129, %dma_start3A_134, %dma_start3A_135, %dma_start3A_136] : memref<4x16x48x128xi32, #tpu.memory_space<hbm>> -> memref<1x16x48x128xi32, #tpu.memory_space<hbm>>
    %dma_start3A_138 = tpu.memref_squeeze %dma_start3A_137 : memref<1x16x48x128xi32, #tpu.memory_space<hbm>> -> memref<16x48x128xi32, #tpu.memory_space<hbm>>
    %dma_start3A_139 = arith.constant 0 : i32
    %dma_start3A_140 = arith.constant 0 : i32
    %dma_start3A_141 = tpu.memref_slice %dma_start3A_138[%arg1, %dma_start3A_139, %dma_start3A_140] : memref<16x48x128xi32, #tpu.memory_space<hbm>> -> memref<1x48x128xi32, #tpu.memory_space<hbm>>
    %dma_start3A_142 = tpu.memref_squeeze %dma_start3A_141 : memref<1x48x128xi32, #tpu.memory_space<hbm>> -> memref<48x128xi32, #tpu.memory_space<hbm>>
    %dma_start3A_143 = arith.constant 0 : i32
    %dma_start3A_144 = arith.constant 0 : i32
    %dma_start3A_145 = arith.constant 0 : i32
    %dma_start3A_146 = tpu.memref_slice %arg3[%add3A_129, %dma_start3A_143, %dma_start3A_144, %dma_start3A_145] : memref<4x16x48x128xi32, #tpu.memory_space<hbm>> -> memref<1x16x48x128xi32, #tpu.memory_space<hbm>>
    %dma_start3A_147 = tpu.memref_squeeze %dma_start3A_146 : memref<1x16x48x128xi32, #tpu.memory_space<hbm>> -> memref<16x48x128xi32, #tpu.memory_space<hbm>>
    %dma_start3A_148 = arith.constant 0 : i32
    %dma_start3A_149 = arith.constant 0 : i32
    %dma_start3A_150 = tpu.memref_slice %dma_start3A_147[%arg1, %dma_start3A_148, %dma_start3A_149] : memref<16x48x128xi32, #tpu.memory_space<hbm>> -> memref<1x48x128xi32, #tpu.memory_space<hbm>>
    %dma_start3A_151 = tpu.memref_squeeze %dma_start3A_150 : memref<1x48x128xi32, #tpu.memory_space<hbm>> -> memref<48x128xi32, #tpu.memory_space<hbm>>
    tpu.enqueue_dma source(%dma_start3A_151 : memref<48x128xi32, #tpu.memory_space<hbm>>) target(%arg7 : memref<48x128xi32, #tpu.memory_space<vmem>>) target_semaphore(%arg14 : memref<!tpu.dma_semaphore, #tpu.memory_space<semaphore_mem>>)
    %dma_start3A_152 = arith.constant 0 : i32
    %dma_start3A_153 = arith.constant 0 : i32
    %dma_start3A_154 = arith.constant 0 : i32
    %dma_start3A_155 = tpu.memref_slice %arg4[%add3A_129, %dma_start3A_152, %dma_start3A_153, %dma_start3A_154] : memref<4x16x48x128xi32, #tpu.memory_space<hbm>> -> memref<1x16x48x128xi32, #tpu.memory_space<hbm>>
    %dma_start3A_156 = tpu.memref_squeeze %dma_start3A_155 : memref<1x16x48x128xi32, #tpu.memory_space<hbm>> -> memref<16x48x128xi32, #tpu.memory_space<hbm>>
    %dma_start3A_157 = arith.constant 0 : i32
    %dma_start3A_158 = arith.constant 0 : i32
    %dma_start3A_159 = tpu.memref_slice %dma_start3A_156[%arg1, %dma_start3A_157, %dma_start3A_158] : memref<16x48x128xi32, #tpu.memory_space<hbm>> -> memref<1x48x128xi32, #tpu.memory_space<hbm>>
    %dma_start3A_160 = tpu.memref_squeeze %dma_start3A_159 : memref<1x48x128xi32, #tpu.memory_space<hbm>> -> memref<48x128xi32, #tpu.memory_space<hbm>>
    %dma_start3A_161 = arith.constant 0 : i32
    %dma_start3A_162 = arith.constant 0 : i32
    %dma_start3A_163 = arith.constant 0 : i32
    %dma_start3A_164 = tpu.memref_slice %arg4[%add3A_129, %dma_start3A_161, %dma_start3A_162, %dma_start3A_163] : memref<4x16x48x128xi32, #tpu.memory_space<hbm>> -> memref<1x16x48x128xi32, #tpu.memory_space<hbm>>
    %dma_start3A_165 = tpu.memref_squeeze %dma_start3A_164 : memref<1x16x48x128xi32, #tpu.memory_space<hbm>> -> memref<16x48x128xi32, #tpu.memory_space<hbm>>
    %dma_start3A_166 = arith.constant 0 : i32
    %dma_start3A_167 = arith.constant 0 : i32
    %dma_start3A_168 = tpu.memref_slice %dma_start3A_165[%arg1, %dma_start3A_166, %dma_start3A_167] : memref<16x48x128xi32, #tpu.memory_space<hbm>> -> memref<1x48x128xi32, #tpu.memory_space<hbm>>
    %dma_start3A_169 = tpu.memref_squeeze %dma_start3A_168 : memref<1x48x128xi32, #tpu.memory_space<hbm>> -> memref<48x128xi32, #tpu.memory_space<hbm>>
    tpu.enqueue_dma source(%dma_start3A_169 : memref<48x128xi32, #tpu.memory_space<hbm>>) target(%arg8 : memref<48x128xi32, #tpu.memory_space<vmem>>) target_semaphore(%arg14 : memref<!tpu.dma_semaphore, #tpu.memory_space<semaphore_mem>>)
    %dma_wait3A_170 = arith.constant 0 : i32
    %dma_wait3A_171 = tpu.memref_slice %arg12[%mul3A_131, %dma_wait3A_170] : memref<5248x128xf32, #tpu.memory_space<vmem_shared>> -> memref<328x128xf32, #tpu.memory_space<vmem_shared>>
    tpu.wait_dma2 semaphore(%arg15 : memref<!tpu.dma_semaphore, #tpu.memory_space<semaphore_mem>>) src(%arg5 : memref<328x128xf32, #tpu.memory_space<hbm>>) dst(%dma_wait3A_171 : memref<328x128xf32, #tpu.memory_space<vmem_shared>>)
    %dma_wait3A_172 = arith.constant 0 : i32
    %dma_wait3A_173 = arith.constant 0 : i32
    %dma_wait3A_174 = arith.constant 0 : i32
    %dma_wait3A_175 = tpu.memref_slice %arg3[%add3A_129, %dma_wait3A_172, %dma_wait3A_173, %dma_wait3A_174] : memref<4x16x48x128xi32, #tpu.memory_space<hbm>> -> memref<1x16x48x128xi32, #tpu.memory_space<hbm>>
    %dma_wait3A_176 = tpu.memref_squeeze %dma_wait3A_175 : memref<1x16x48x128xi32, #tpu.memory_space<hbm>> -> memref<16x48x128xi32, #tpu.memory_space<hbm>>
    %dma_wait3A_177 = arith.constant 0 : i32
    %dma_wait3A_178 = arith.constant 0 : i32
    %dma_wait3A_179 = tpu.memref_slice %dma_wait3A_176[%arg1, %dma_wait3A_177, %dma_wait3A_178] : memref<16x48x128xi32, #tpu.memory_space<hbm>> -> memref<1x48x128xi32, #tpu.memory_space<hbm>>
    %dma_wait3A_180 = tpu.memref_squeeze %dma_wait3A_179 : memref<1x48x128xi32, #tpu.memory_space<hbm>> -> memref<48x128xi32, #tpu.memory_space<hbm>>
    %dma_wait3A_181 = arith.constant 0 : i32
    %dma_wait3A_182 = arith.constant 0 : i32
    %dma_wait3A_183 = arith.constant 0 : i32
    %dma_wait3A_184 = tpu.memref_slice %arg3[%add3A_129, %dma_wait3A_181, %dma_wait3A_182, %dma_wait3A_183] : memref<4x16x48x128xi32, #tpu.memory_space<hbm>> -> memref<1x16x48x128xi32, #tpu.memory_space<hbm>>
    %dma_wait3A_185 = tpu.memref_squeeze %dma_wait3A_184 : memref<1x16x48x128xi32, #tpu.memory_space<hbm>> -> memref<16x48x128xi32, #tpu.memory_space<hbm>>
    %dma_wait3A_186 = arith.constant 0 : i32
    %dma_wait3A_187 = arith.constant 0 : i32
    %dma_wait3A_188 = tpu.memref_slice %dma_wait3A_185[%arg1, %dma_wait3A_186, %dma_wait3A_187] : memref<16x48x128xi32, #tpu.memory_space<hbm>> -> memref<1x48x128xi32, #tpu.memory_space<hbm>>
    %dma_wait3A_189 = tpu.memref_squeeze %dma_wait3A_188 : memref<1x48x128xi32, #tpu.memory_space<hbm>> -> memref<48x128xi32, #tpu.memory_space<hbm>>
    tpu.wait_dma2 semaphore(%arg14 : memref<!tpu.dma_semaphore, #tpu.memory_space<semaphore_mem>>) src(%dma_wait3A_189 : memref<48x128xi32, #tpu.memory_space<hbm>>) dst(%arg7 : memref<48x128xi32, #tpu.memory_space<vmem>>)
    %dma_wait3A_190 = arith.constant 0 : i32
    %dma_wait3A_191 = arith.constant 0 : i32
    %dma_wait3A_192 = arith.constant 0 : i32
    %dma_wait3A_193 = tpu.memref_slice %arg4[%add3A_129, %dma_wait3A_190, %dma_wait3A_191, %dma_wait3A_192] : memref<4x16x48x128xi32, #tpu.memory_space<hbm>> -> memref<1x16x48x128xi32, #tpu.memory_space<hbm>>
    %dma_wait3A_194 = tpu.memref_squeeze %dma_wait3A_193 : memref<1x16x48x128xi32, #tpu.memory_space<hbm>> -> memref<16x48x128xi32, #tpu.memory_space<hbm>>
    %dma_wait3A_195 = arith.constant 0 : i32
    %dma_wait3A_196 = arith.constant 0 : i32
    %dma_wait3A_197 = tpu.memref_slice %dma_wait3A_194[%arg1, %dma_wait3A_195, %dma_wait3A_196] : memref<16x48x128xi32, #tpu.memory_space<hbm>> -> memref<1x48x128xi32, #tpu.memory_space<hbm>>
    %dma_wait3A_198 = tpu.memref_squeeze %dma_wait3A_197 : memref<1x48x128xi32, #tpu.memory_space<hbm>> -> memref<48x128xi32, #tpu.memory_space<hbm>>
    %dma_wait3A_199 = arith.constant 0 : i32
    %dma_wait3A_200 = arith.constant 0 : i32
    %dma_wait3A_201 = arith.constant 0 : i32
    %dma_wait3A_202 = tpu.memref_slice %arg4[%add3A_129, %dma_wait3A_199, %dma_wait3A_200, %dma_wait3A_201] : memref<4x16x48x128xi32, #tpu.memory_space<hbm>> -> memref<1x16x48x128xi32, #tpu.memory_space<hbm>>
    %dma_wait3A_203 = tpu.memref_squeeze %dma_wait3A_202 : memref<1x16x48x128xi32, #tpu.memory_space<hbm>> -> memref<16x48x128xi32, #tpu.memory_space<hbm>>
    %dma_wait3A_204 = arith.constant 0 : i32
    %dma_wait3A_205 = arith.constant 0 : i32
    %dma_wait3A_206 = tpu.memref_slice %dma_wait3A_203[%arg1, %dma_wait3A_204, %dma_wait3A_205] : memref<16x48x128xi32, #tpu.memory_space<hbm>> -> memref<1x48x128xi32, #tpu.memory_space<hbm>>
    %dma_wait3A_207 = tpu.memref_squeeze %dma_wait3A_206 : memref<1x48x128xi32, #tpu.memory_space<hbm>> -> memref<48x128xi32, #tpu.memory_space<hbm>>
    tpu.wait_dma2 semaphore(%arg14 : memref<!tpu.dma_semaphore, #tpu.memory_space<semaphore_mem>>) src(%dma_wait3A_207 : memref<48x128xi32, #tpu.memory_space<hbm>>) dst(%arg8 : memref<48x128xi32, #tpu.memory_space<vmem>>)
    %barrier3A_208 = arith.constant 0 : index
    tpu.barrier barrier_id(%barrier3A_208)
    %dma_start3A_209 = arith.constant 0 : i32
    %dma_start3A_210 = arith.constant 0 : i32
    %dma_start3A_211 = tpu.memref_slice %arg7[%dma_start3A_209, %dma_start3A_210] : memref<48x128xi32, #tpu.memory_space<vmem>> -> memref<1x128xi32, #tpu.memory_space<vmem>>
    %dma_start3A_212 = tpu.memref_squeeze %dma_start3A_211 : memref<1x128xi32, #tpu.memory_space<vmem>> -> memref<128xi32, #tpu.memory_space<vmem>>
    %dma_start3A_213 = arith.constant 0 : i32
    %dma_start3A_214 = arith.constant 0 : i32
    %dma_start3A_215 = tpu.memref_slice %arg11[%dma_start3A_213, %dma_start3A_214] : memref<5120x128xf32, #tpu.memory_space<vmem_shared>> -> memref<5120x128xf32, #tpu.memory_space<vmem_shared>>
    tpu.enqueue_indirect_dma source(%dma_start3A_215 : memref<5120x128xf32, #tpu.memory_space<vmem_shared>>) target(%arg9 : memref<128x128xf32, #tpu.memory_space<vmem>>) offsets(%dma_start3A_212 : memref<128xi32, #tpu.memory_space<vmem>>) semaphore(%arg16 : memref<!tpu.dma_semaphore, #tpu.memory_space<semaphore_mem>>)
    %scan3A_216 = arith.constant 0 : i32
    %scan3A_217 = arith.constant 0 : i32
    %scan3A_218 = arith.constant 48 : i32
    %scan3A_219 = arith.addi %scan3A_217, %scan3A_218 : i32
    %scan3A_220 = arith.constant 1 : i32
    scf.for %scan3A_237 = %scan3A_217 to %scan3A_219 step %scan3A_220  : i32 {
      %jit3A = arith.constant 2 : i32
      %eq3A_238 = arith.constant 0 : i32
      %eq3A_239 = arith.cmpi eq, %jit3A, %eq3A_238 : i32
      %jit3A_240 = arith.constant 1 : i32
      %select_n3A = arith.select %eq3A_239, %jit3A_240, %jit3A : i32
      %rem3A = arith.remsi %scan3A_237, %select_n3A : i32
      %ne3A = arith.constant 0 : i32
      %ne3A_241 = arith.cmpi ne, %rem3A, %ne3A : i32
      %lt3A_242 = arith.constant 0 : i32
      %lt3A_243 = arith.cmpi slt, %rem3A, %lt3A_242 : i32
      %lt3A_244 = arith.constant 0 : i32
      %lt3A_245 = arith.cmpi slt, %select_n3A, %lt3A_244 : i32
      %ne3A_246 = arith.xori %lt3A_243, %lt3A_245 : i1
      %and3A = arith.andi %ne3A_246, %ne3A_241 : i1
      %add3A_247 = arith.addi %rem3A, %select_n3A : i32
      %select_n3A_248 = arith.select %and3A, %add3A_247, %rem3A : i32
      %eq3A_249 = arith.constant 0 : i32
      %eq3A_250 = arith.cmpi eq, %select_n3A_248, %eq3A_249 : i32
      %convert_element_type3A_251 = arith.extui %eq3A_250 : i1 to i32
      %cond3A_252 = arith.constant 0 : i32
      %cond3A_253 = arith.cmpi ne, %convert_element_type3A_251, %cond3A_252 : i32
      scf.if %cond3A_253 {
        %dma_wait3A_275 = arith.constant 0 : i32
        %dma_wait3A_276 = tpu.memref_slice %arg7[%scan3A_237, %dma_wait3A_275] : memref<48x128xi32, #tpu.memory_space<vmem>> -> memref<1x128xi32, #tpu.memory_space<vmem>>
        %dma_wait3A_277 = tpu.memref_squeeze %dma_wait3A_276 : memref<1x128xi32, #tpu.memory_space<vmem>> -> memref<128xi32, #tpu.memory_space<vmem>>
        %dma_wait3A_278 = arith.constant 0 : i32
        %dma_wait3A_279 = arith.constant 0 : i32
        %dma_wait3A_280 = tpu.memref_slice %arg11[%dma_wait3A_278, %dma_wait3A_279] : memref<5120x128xf32, #tpu.memory_space<vmem_shared>> -> memref<5120x128xf32, #tpu.memory_space<vmem_shared>>
        tpu.wait_indirect_dma semaphore(%arg16 : memref<!tpu.dma_semaphore, #tpu.memory_space<semaphore_mem>>) src(%dma_wait3A_280 : memref<5120x128xf32, #tpu.memory_space<vmem_shared>>) dst(%arg9 : memref<128x128xf32, #tpu.memory_space<vmem>>)
        %dma_start3A_281 = arith.constant 0 : i32
        %dma_start3A_282 = tpu.memref_slice %arg8[%scan3A_237, %dma_start3A_281] : memref<48x128xi32, #tpu.memory_space<vmem>> -> memref<1x128xi32, #tpu.memory_space<vmem>>
        %dma_start3A_283 = tpu.memref_squeeze %dma_start3A_282 : memref<1x128xi32, #tpu.memory_space<vmem>> -> memref<128xi32, #tpu.memory_space<vmem>>
        %dma_start3A_284 = arith.constant 0 : i32
        %dma_start3A_285 = arith.constant 0 : i32
        %dma_start3A_286 = tpu.memref_slice %arg12[%dma_start3A_284, %dma_start3A_285] : memref<5248x128xf32, #tpu.memory_space<vmem_shared>> -> memref<5248x128xf32, #tpu.memory_space<vmem_shared>>
        tpu.enqueue_indirect_dma source(%arg9 : memref<128x128xf32, #tpu.memory_space<vmem>>) target(%dma_start3A_286 : memref<5248x128xf32, #tpu.memory_space<vmem_shared>>) offsets(%dma_start3A_283 : memref<128xi32, #tpu.memory_space<vmem>>) semaphore(%arg18 : memref<!tpu.dma_semaphore, #tpu.memory_space<semaphore_mem>>) {add = true}
        %ge3A = arith.constant 1 : i32
        %ge3A_287 = arith.cmpi sge, %scan3A_237, %ge3A : i32
        %convert_element_type3A_288 = arith.extui %ge3A_287 : i1 to i32
        %cond3A_289 = arith.constant 0 : i32
        %cond3A_290 = arith.cmpi ne, %convert_element_type3A_288, %cond3A_289 : i32
        scf.if %cond3A_290 {
          %sub3A = arith.constant 1 : i32
          %sub3A_298 = arith.subi %scan3A_237, %sub3A : i32
          %dma_wait3A_299 = arith.constant 0 : i32
          %dma_wait3A_300 = tpu.memref_slice %arg8[%sub3A_298, %dma_wait3A_299] : memref<48x128xi32, #tpu.memory_space<vmem>> -> memref<1x128xi32, #tpu.memory_space<vmem>>
          %dma_wait3A_301 = tpu.memref_squeeze %dma_wait3A_300 : memref<1x128xi32, #tpu.memory_space<vmem>> -> memref<128xi32, #tpu.memory_space<vmem>>
          %dma_wait3A_302 = arith.constant 0 : i32
          %dma_wait3A_303 = arith.constant 0 : i32
          %dma_wait3A_304 = tpu.memref_slice %arg12[%dma_wait3A_302, %dma_wait3A_303] : memref<5248x128xf32, #tpu.memory_space<vmem_shared>> -> memref<5248x128xf32, #tpu.memory_space<vmem_shared>>
          tpu.wait_indirect_dma semaphore(%arg19 : memref<!tpu.dma_semaphore, #tpu.memory_space<semaphore_mem>>) src(%arg10 : memref<128x128xf32, #tpu.memory_space<vmem>>) dst(%dma_wait3A_304 : memref<5248x128xf32, #tpu.memory_space<vmem_shared>>)
        } else {
        }
        %add3A_291 = arith.constant 1 : i32
        %add3A_292 = arith.addi %scan3A_237, %add3A_291 : i32
        %lt3A_293 = arith.constant 48 : i32
        %lt3A_294 = arith.cmpi slt, %add3A_292, %lt3A_293 : i32
        %convert_element_type3A_295 = arith.extui %lt3A_294 : i1 to i32
        %cond3A_296 = arith.constant 0 : i32
        %cond3A_297 = arith.cmpi ne, %convert_element_type3A_295, %cond3A_296 : i32
        scf.if %cond3A_297 {
          %add3A_298 = arith.constant 1 : i32
          %add3A_299 = arith.addi %scan3A_237, %add3A_298 : i32
          %dma_start3A_300 = arith.constant 0 : i32
          %dma_start3A_301 = tpu.memref_slice %arg7[%add3A_299, %dma_start3A_300] : memref<48x128xi32, #tpu.memory_space<vmem>> -> memref<1x128xi32, #tpu.memory_space<vmem>>
          %dma_start3A_302 = tpu.memref_squeeze %dma_start3A_301 : memref<1x128xi32, #tpu.memory_space<vmem>> -> memref<128xi32, #tpu.memory_space<vmem>>
          %dma_start3A_303 = arith.constant 0 : i32
          %dma_start3A_304 = arith.constant 0 : i32
          %dma_start3A_305 = tpu.memref_slice %arg11[%dma_start3A_303, %dma_start3A_304] : memref<5120x128xf32, #tpu.memory_space<vmem_shared>> -> memref<5120x128xf32, #tpu.memory_space<vmem_shared>>
          tpu.enqueue_indirect_dma source(%dma_start3A_305 : memref<5120x128xf32, #tpu.memory_space<vmem_shared>>) target(%arg10 : memref<128x128xf32, #tpu.memory_space<vmem>>) offsets(%dma_start3A_302 : memref<128xi32, #tpu.memory_space<vmem>>) semaphore(%arg17 : memref<!tpu.dma_semaphore, #tpu.memory_space<semaphore_mem>>)
        } else {
        }
      } else {
      }
      %jit3A_254 = arith.constant 2 : i32
      %eq3A_255 = arith.constant 0 : i32
      %eq3A_256 = arith.cmpi eq, %jit3A_254, %eq3A_255 : i32
      %jit3A_257 = arith.constant 1 : i32
      %select_n3A_258 = arith.select %eq3A_256, %jit3A_257, %jit3A_254 : i32
      %rem3A_259 = arith.remsi %scan3A_237, %select_n3A_258 : i32
      %ne3A_260 = arith.constant 0 : i32
      %ne3A_261 = arith.cmpi ne, %rem3A_259, %ne3A_260 : i32
      %lt3A_262 = arith.constant 0 : i32
      %lt3A_263 = arith.cmpi slt, %rem3A_259, %lt3A_262 : i32
      %lt3A_264 = arith.constant 0 : i32
      %lt3A_265 = arith.cmpi slt, %select_n3A_258, %lt3A_264 : i32
      %ne3A_266 = arith.xori %lt3A_263, %lt3A_265 : i1
      %and3A_267 = arith.andi %ne3A_266, %ne3A_261 : i1
      %add3A_268 = arith.addi %rem3A_259, %select_n3A_258 : i32
      %select_n3A_269 = arith.select %and3A_267, %add3A_268, %rem3A_259 : i32
      %eq3A_270 = arith.constant 1 : i32
      %eq3A_271 = arith.cmpi eq, %select_n3A_269, %eq3A_270 : i32
      %convert_element_type3A_272 = arith.extui %eq3A_271 : i1 to i32
      %cond3A_273 = arith.constant 0 : i32
      %cond3A_274 = arith.cmpi ne, %convert_element_type3A_272, %cond3A_273 : i32
      scf.if %cond3A_274 {
        %dma_wait3A_275 = arith.constant 0 : i32
        %dma_wait3A_276 = tpu.memref_slice %arg7[%scan3A_237, %dma_wait3A_275] : memref<48x128xi32, #tpu.memory_space<vmem>> -> memref<1x128xi32, #tpu.memory_space<vmem>>
        %dma_wait3A_277 = tpu.memref_squeeze %dma_wait3A_276 : memref<1x128xi32, #tpu.memory_space<vmem>> -> memref<128xi32, #tpu.memory_space<vmem>>
        %dma_wait3A_278 = arith.constant 0 : i32
        %dma_wait3A_279 = arith.constant 0 : i32
        %dma_wait3A_280 = tpu.memref_slice %arg11[%dma_wait3A_278, %dma_wait3A_279] : memref<5120x128xf32, #tpu.memory_space<vmem_shared>> -> memref<5120x128xf32, #tpu.memory_space<vmem_shared>>
        tpu.wait_indirect_dma semaphore(%arg17 : memref<!tpu.dma_semaphore, #tpu.memory_space<semaphore_mem>>) src(%dma_wait3A_280 : memref<5120x128xf32, #tpu.memory_space<vmem_shared>>) dst(%arg10 : memref<128x128xf32, #tpu.memory_space<vmem>>)
        %dma_start3A_281 = arith.constant 0 : i32
        %dma_start3A_282 = tpu.memref_slice %arg8[%scan3A_237, %dma_start3A_281] : memref<48x128xi32, #tpu.memory_space<vmem>> -> memref<1x128xi32, #tpu.memory_space<vmem>>
        %dma_start3A_283 = tpu.memref_squeeze %dma_start3A_282 : memref<1x128xi32, #tpu.memory_space<vmem>> -> memref<128xi32, #tpu.memory_space<vmem>>
        %dma_start3A_284 = arith.constant 0 : i32
        %dma_start3A_285 = arith.constant 0 : i32
        %dma_start3A_286 = tpu.memref_slice %arg12[%dma_start3A_284, %dma_start3A_285] : memref<5248x128xf32, #tpu.memory_space<vmem_shared>> -> memref<5248x128xf32, #tpu.memory_space<vmem_shared>>
        tpu.enqueue_indirect_dma source(%arg10 : memref<128x128xf32, #tpu.memory_space<vmem>>) target(%dma_start3A_286 : memref<5248x128xf32, #tpu.memory_space<vmem_shared>>) offsets(%dma_start3A_283 : memref<128xi32, #tpu.memory_space<vmem>>) semaphore(%arg19 : memref<!tpu.dma_semaphore, #tpu.memory_space<semaphore_mem>>) {add = true}
        %ge3A = arith.constant 1 : i32
        %ge3A_287 = arith.cmpi sge, %scan3A_237, %ge3A : i32
        %convert_element_type3A_288 = arith.extui %ge3A_287 : i1 to i32
        %cond3A_289 = arith.constant 0 : i32
        %cond3A_290 = arith.cmpi ne, %convert_element_type3A_288, %cond3A_289 : i32
        scf.if %cond3A_290 {
          %sub3A = arith.constant 1 : i32
          %sub3A_298 = arith.subi %scan3A_237, %sub3A : i32
          %dma_wait3A_299 = arith.constant 0 : i32
          %dma_wait3A_300 = tpu.memref_slice %arg8[%sub3A_298, %dma_wait3A_299] : memref<48x128xi32, #tpu.memory_space<vmem>> -> memref<1x128xi32, #tpu.memory_space<vmem>>
          %dma_wait3A_301 = tpu.memref_squeeze %dma_wait3A_300 : memref<1x128xi32, #tpu.memory_space<vmem>> -> memref<128xi32, #tpu.memory_space<vmem>>
          %dma_wait3A_302 = arith.constant 0 : i32
          %dma_wait3A_303 = arith.constant 0 : i32
          %dma_wait3A_304 = tpu.memref_slice %arg12[%dma_wait3A_302, %dma_wait3A_303] : memref<5248x128xf32, #tpu.memory_space<vmem_shared>> -> memref<5248x128xf32, #tpu.memory_space<vmem_shared>>
          tpu.wait_indirect_dma semaphore(%arg18 : memref<!tpu.dma_semaphore, #tpu.memory_space<semaphore_mem>>) src(%arg9 : memref<128x128xf32, #tpu.memory_space<vmem>>) dst(%dma_wait3A_304 : memref<5248x128xf32, #tpu.memory_space<vmem_shared>>)
        } else {
        }
        %add3A_291 = arith.constant 1 : i32
        %add3A_292 = arith.addi %scan3A_237, %add3A_291 : i32
        %lt3A_293 = arith.constant 48 : i32
        %lt3A_294 = arith.cmpi slt, %add3A_292, %lt3A_293 : i32
        %convert_element_type3A_295 = arith.extui %lt3A_294 : i1 to i32
        %cond3A_296 = arith.constant 0 : i32
        %cond3A_297 = arith.cmpi ne, %convert_element_type3A_295, %cond3A_296 : i32
        scf.if %cond3A_297 {
          %add3A_298 = arith.constant 1 : i32
          %add3A_299 = arith.addi %scan3A_237, %add3A_298 : i32
          %dma_start3A_300 = arith.constant 0 : i32
          %dma_start3A_301 = tpu.memref_slice %arg7[%add3A_299, %dma_start3A_300] : memref<48x128xi32, #tpu.memory_space<vmem>> -> memref<1x128xi32, #tpu.memory_space<vmem>>
          %dma_start3A_302 = tpu.memref_squeeze %dma_start3A_301 : memref<1x128xi32, #tpu.memory_space<vmem>> -> memref<128xi32, #tpu.memory_space<vmem>>
          %dma_start3A_303 = arith.constant 0 : i32
          %dma_start3A_304 = arith.constant 0 : i32
          %dma_start3A_305 = tpu.memref_slice %arg11[%dma_start3A_303, %dma_start3A_304] : memref<5120x128xf32, #tpu.memory_space<vmem_shared>> -> memref<5120x128xf32, #tpu.memory_space<vmem_shared>>
          tpu.enqueue_indirect_dma source(%dma_start3A_305 : memref<5120x128xf32, #tpu.memory_space<vmem_shared>>) target(%arg9 : memref<128x128xf32, #tpu.memory_space<vmem>>) offsets(%dma_start3A_302 : memref<128xi32, #tpu.memory_space<vmem>>) semaphore(%arg16 : memref<!tpu.dma_semaphore, #tpu.memory_space<semaphore_mem>>)
        } else {
        }
      } else {
      }
    }
    %scan3A_221 = arith.constant 48 : i32
    %dma_wait3A_222 = arith.constant 47 : i32
    %dma_wait3A_223 = arith.constant 0 : i32
    %dma_wait3A_224 = tpu.memref_slice %arg8[%dma_wait3A_222, %dma_wait3A_223] : memref<48x128xi32, #tpu.memory_space<vmem>> -> memref<1x128xi32, #tpu.memory_space<vmem>>
    %dma_wait3A_225 = tpu.memref_squeeze %dma_wait3A_224 : memref<1x128xi32, #tpu.memory_space<vmem>> -> memref<128xi32, #tpu.memory_space<vmem>>
    %dma_wait3A_226 = arith.constant 0 : i32
    %dma_wait3A_227 = arith.constant 0 : i32
    %dma_wait3A_228 = tpu.memref_slice %arg12[%dma_wait3A_226, %dma_wait3A_227] : memref<5248x128xf32, #tpu.memory_space<vmem_shared>> -> memref<5248x128xf32, #tpu.memory_space<vmem_shared>>
    tpu.wait_indirect_dma semaphore(%arg19 : memref<!tpu.dma_semaphore, #tpu.memory_space<semaphore_mem>>) src(%arg10 : memref<128x128xf32, #tpu.memory_space<vmem>>) dst(%dma_wait3A_228 : memref<5248x128xf32, #tpu.memory_space<vmem_shared>>)
    %barrier3A_229 = arith.constant 0 : index
    tpu.barrier barrier_id(%barrier3A_229)
    %mul3A_230 = arith.constant 5248 : i32
    %mul3A_231 = arith.muli %add3A_129, %mul3A_230 : i32
    %mul3A_232 = arith.constant 328 : i32
    %mul3A_233 = arith.muli %arg1, %mul3A_232 : i32
    %add3A_234 = arith.addi %mul3A_231, %mul3A_233 : i32
    %mul3A_235 = arith.constant 328 : i32
    %mul3A_236 = arith.muli %arg1, %mul3A_235 : i32
    "tpu.region"() ({
      %run_scoped3A = tpu.sem_alloc : memref<!tpu.dma_semaphore, #tpu.memory_space<semaphore_mem>>
      %dma_start3A_237 = arith.constant 0 : i32
      %dma_start3A_238 = tpu.memref_slice %arg6[%add3A_234, %dma_start3A_237] : memref<20992x128xf32, #tpu.memory_space<hbm>> -> memref<328x128xf32, #tpu.memory_space<hbm>>
      %dma_start3A_239 = arith.constant 0 : i32
      %dma_start3A_240 = tpu.memref_slice %arg12[%mul3A_236, %dma_start3A_239] : memref<5248x128xf32, #tpu.memory_space<vmem_shared>> -> memref<328x128xf32, #tpu.memory_space<vmem_shared>>
      tpu.enqueue_dma source(%dma_start3A_240 : memref<328x128xf32, #tpu.memory_space<vmem_shared>>) target(%dma_start3A_238 : memref<328x128xf32, #tpu.memory_space<hbm>>) target_semaphore(%run_scoped3A : memref<!tpu.dma_semaphore, #tpu.memory_space<semaphore_mem>>)
      %dma_wait3A_241 = arith.constant 0 : i32
      %dma_wait3A_242 = tpu.memref_slice %arg6[%add3A_234, %dma_wait3A_241] : memref<20992x128xf32, #tpu.memory_space<hbm>> -> memref<328x128xf32, #tpu.memory_space<hbm>>
      %dma_wait3A_243 = arith.constant 0 : i32
      %dma_wait3A_244 = tpu.memref_slice %arg12[%mul3A_236, %dma_wait3A_243] : memref<5248x128xf32, #tpu.memory_space<vmem_shared>> -> memref<328x128xf32, #tpu.memory_space<vmem_shared>>
      tpu.wait_dma2 semaphore(%run_scoped3A : memref<!tpu.dma_semaphore, #tpu.memory_space<semaphore_mem>>) src(%dma_wait3A_244 : memref<328x128xf32, #tpu.memory_space<vmem_shared>>) dst(%dma_wait3A_242 : memref<328x128xf32, #tpu.memory_space<hbm>>)
      tpu.yield
    }) : () -> ()
    return
  }
}

#map = affine_map<(d0, d1) -> (0, 0)>
#map1 = affine_map<(d0, d1) -> (0, 0, 0, 0)>
module attributes {stable_mosaic.version = 14 : i64} {
  func.func @_agg_body(%arg0: i32, %arg1: i32, %arg2: memref<10000x128xf32, #tpu.memory_space<hbm>>, %arg3: memref<4x16x48x128xi32, #tpu.memory_space<hbm>>, %arg4: memref<4x16x48x128xi32, #tpu.memory_space<hbm>>, %arg5: memref<328x128xf32, #tpu.memory_space<hbm>>, %arg6: memref<20992x128xf32, #tpu.memory_space<hbm>>, %arg7: memref<48x128xi32, #tpu.memory_space<vmem>>, %arg8: memref<48x128xi32, #tpu.memory_space<vmem>>, %arg9: memref<128x128xf32, #tpu.memory_space<vmem>>, %arg10: memref<128x128xf32, #tpu.memory_space<vmem>>, %arg11: memref<5120x128xf32, #tpu.memory_space<vmem_shared>>, %arg12: memref<5248x128xf32, #tpu.memory_space<vmem_shared>>, %arg13: memref<!tpu.dma_semaphore, #tpu.memory_space<semaphore_mem>>, %arg14: memref<!tpu.dma_semaphore, #tpu.memory_space<semaphore_mem>>, %arg15: memref<!tpu.dma_semaphore, #tpu.memory_space<semaphore_mem>>, %arg16: memref<!tpu.dma_semaphore, #tpu.memory_space<semaphore_mem>>, %arg17: memref<!tpu.dma_semaphore, #tpu.memory_space<semaphore_mem>>, %arg18: memref<!tpu.dma_semaphore, #tpu.memory_space<semaphore_mem>>, %arg19: memref<!tpu.dma_semaphore, #tpu.memory_space<semaphore_mem>>) attributes {dimension_semantics = [#tpu.dimension_semantics<core_parallel>, #tpu.dimension_semantics<subcore_parallel>], iteration_bounds = array<i64: 2, 16>, scalar_prefetch = 0 : i64, scratch_operands = 13 : i64, tpu.core_type = #tpu.core_type<sc_vector_subcore>, window_params = [{transform_indices = #map}, {transform_indices = #map1}, {transform_indices = #map1}, {transform_indices = #map}, {transform_indices = #map}]} {
    %mul3A = arith.constant 5000 : i32
    %mul3A_0 = arith.muli %arg0, %mul3A : i32
    %mul3A_1 = arith.constant 312 : i32
    %mul3A_2 = arith.muli %arg1, %mul3A_1 : i32
    %add3A = arith.addi %mul3A_0, %mul3A_2 : i32
    %lt3A = arith.constant 15 : i32
    %lt3A_3 = arith.cmpi slt, %arg1, %lt3A : i32
    %convert_element_type3A = arith.extui %lt3A_3 : i1 to i32
    %cond3A = arith.constant 0 : i32
    %cond3A_4 = arith.cmpi ne, %convert_element_type3A, %cond3A : i32
    scf.if %cond3A_4 {
      %mul3A_237 = arith.constant 312 : i32
      %mul3A_238 = arith.muli %arg1, %mul3A_237 : i32
      %dma_start3A_239 = arith.constant 0 : i32
      %dma_start3A_240 = tpu.memref_slice %arg11[%mul3A_238, %dma_start3A_239] : memref<5120x128xf32, #tpu.memory_space<vmem_shared>> -> memref<312x128xf32, #tpu.memory_space<vmem_shared>>
      %dma_start3A_241 = arith.constant 0 : i32
      %dma_start3A_242 = tpu.memref_slice %arg2[%add3A, %dma_start3A_241] : memref<10000x128xf32, #tpu.memory_space<hbm>> -> memref<312x128xf32, #tpu.memory_space<hbm>>
      tpu.enqueue_dma source(%dma_start3A_242 : memref<312x128xf32, #tpu.memory_space<hbm>>) target(%dma_start3A_240 : memref<312x128xf32, #tpu.memory_space<vmem_shared>>) target_semaphore(%arg13 : memref<!tpu.dma_semaphore, #tpu.memory_space<semaphore_mem>>)
    } else {
    }
    %eq3A = arith.constant 15 : i32
    %eq3A_5 = arith.cmpi eq, %arg1, %eq3A : i32
    %convert_element_type3A_6 = arith.extui %eq3A_5 : i1 to i32
    %cond3A_7 = arith.constant 0 : i32
    %cond3A_8 = arith.cmpi ne, %convert_element_type3A_6, %cond3A_7 : i32
    scf.if %cond3A_8 {
      %mul3A_237 = arith.constant 312 : i32
      %mul3A_238 = arith.muli %arg1, %mul3A_237 : i32
      %dma_start3A_239 = arith.constant 0 : i32
      %dma_start3A_240 = tpu.memref_slice %arg11[%mul3A_238, %dma_start3A_239] : memref<5120x128xf32, #tpu.memory_space<vmem_shared>> -> memref<320x128xf32, #tpu.memory_space<vmem_shared>>
      %dma_start3A_241 = arith.constant 0 : i32
      %dma_start3A_242 = tpu.memref_slice %arg2[%add3A, %dma_start3A_241] : memref<10000x128xf32, #tpu.memory_space<hbm>> -> memref<320x128xf32, #tpu.memory_space<hbm>>
      tpu.enqueue_dma source(%dma_start3A_242 : memref<320x128xf32, #tpu.memory_space<hbm>>) target(%dma_start3A_240 : memref<320x128xf32, #tpu.memory_space<vmem_shared>>) target_semaphore(%arg13 : memref<!tpu.dma_semaphore, #tpu.memory_space<semaphore_mem>>)
    } else {
    }
    %lt3A_9 = arith.constant 15 : i32
    %lt3A_10 = arith.cmpi slt, %arg1, %lt3A_9 : i32
    %convert_element_type3A_11 = arith.extui %lt3A_10 : i1 to i32
    %cond3A_12 = arith.constant 0 : i32
    %cond3A_13 = arith.cmpi ne, %convert_element_type3A_11, %cond3A_12 : i32
    scf.if %cond3A_13 {
      %mul3A_237 = arith.constant 312 : i32
      %mul3A_238 = arith.muli %arg1, %mul3A_237 : i32
      %dma_wait3A_239 = arith.constant 0 : i32
      %dma_wait3A_240 = tpu.memref_slice %arg11[%mul3A_238, %dma_wait3A_239] : memref<5120x128xf32, #tpu.memory_space<vmem_shared>> -> memref<312x128xf32, #tpu.memory_space<vmem_shared>>
      %dma_wait3A_241 = arith.constant 0 : i32
      %dma_wait3A_242 = tpu.memref_slice %arg2[%add3A, %dma_wait3A_241] : memref<10000x128xf32, #tpu.memory_space<hbm>> -> memref<312x128xf32, #tpu.memory_space<hbm>>
      tpu.wait_dma2 semaphore(%arg13 : memref<!tpu.dma_semaphore, #tpu.memory_space<semaphore_mem>>) src(%dma_wait3A_242 : memref<312x128xf32, #tpu.memory_space<hbm>>) dst(%dma_wait3A_240 : memref<312x128xf32, #tpu.memory_space<vmem_shared>>)
    } else {
    }
    %eq3A_14 = arith.constant 15 : i32
    %eq3A_15 = arith.cmpi eq, %arg1, %eq3A_14 : i32
    %convert_element_type3A_16 = arith.extui %eq3A_15 : i1 to i32
    %cond3A_17 = arith.constant 0 : i32
    %cond3A_18 = arith.cmpi ne, %convert_element_type3A_16, %cond3A_17 : i32
    scf.if %cond3A_18 {
      %mul3A_237 = arith.constant 312 : i32
      %mul3A_238 = arith.muli %arg1, %mul3A_237 : i32
      %dma_wait3A_239 = arith.constant 0 : i32
      %dma_wait3A_240 = tpu.memref_slice %arg11[%mul3A_238, %dma_wait3A_239] : memref<5120x128xf32, #tpu.memory_space<vmem_shared>> -> memref<320x128xf32, #tpu.memory_space<vmem_shared>>
      %dma_wait3A_241 = arith.constant 0 : i32
      %dma_wait3A_242 = tpu.memref_slice %arg2[%add3A, %dma_wait3A_241] : memref<10000x128xf32, #tpu.memory_space<hbm>> -> memref<320x128xf32, #tpu.memory_space<hbm>>
      tpu.wait_dma2 semaphore(%arg13 : memref<!tpu.dma_semaphore, #tpu.memory_space<semaphore_mem>>) src(%dma_wait3A_242 : memref<320x128xf32, #tpu.memory_space<hbm>>) dst(%dma_wait3A_240 : memref<320x128xf32, #tpu.memory_space<vmem_shared>>)
    } else {
    }
    %mul3A_19 = arith.constant 2 : i32
    %mul3A_20 = arith.muli %arg0, %mul3A_19 : i32
    %add3A_21 = arith.constant 0 : i32
    %add3A_22 = arith.addi %mul3A_20, %add3A_21 : i32
    %mul3A_23 = arith.constant 328 : i32
    %mul3A_24 = arith.muli %arg1, %mul3A_23 : i32
    %dma_start3A = arith.constant 0 : i32
    %dma_start3A_25 = tpu.memref_slice %arg12[%mul3A_24, %dma_start3A] : memref<5248x128xf32, #tpu.memory_space<vmem_shared>> -> memref<328x128xf32, #tpu.memory_space<vmem_shared>>
    tpu.enqueue_dma source(%arg5 : memref<328x128xf32, #tpu.memory_space<hbm>>) target(%dma_start3A_25 : memref<328x128xf32, #tpu.memory_space<vmem_shared>>) target_semaphore(%arg15 : memref<!tpu.dma_semaphore, #tpu.memory_space<semaphore_mem>>)
    %dma_start3A_26 = arith.constant 0 : i32
    %dma_start3A_27 = arith.constant 0 : i32
    %dma_start3A_28 = arith.constant 0 : i32
    %dma_start3A_29 = tpu.memref_slice %arg3[%add3A_22, %dma_start3A_26, %dma_start3A_27, %dma_start3A_28] : memref<4x16x48x128xi32, #tpu.memory_space<hbm>> -> memref<1x16x48x128xi32, #tpu.memory_space<hbm>>
    %dma_start3A_30 = tpu.memref_squeeze %dma_start3A_29 : memref<1x16x48x128xi32, #tpu.memory_space<hbm>> -> memref<16x48x128xi32, #tpu.memory_space<hbm>>
    %dma_start3A_31 = arith.constant 0 : i32
    %dma_start3A_32 = arith.constant 0 : i32
    %dma_start3A_33 = tpu.memref_slice %dma_start3A_30[%arg1, %dma_start3A_31, %dma_start3A_32] : memref<16x48x128xi32, #tpu.memory_space<hbm>> -> memref<1x48x128xi32, #tpu.memory_space<hbm>>
    %dma_start3A_34 = tpu.memref_squeeze %dma_start3A_33 : memref<1x48x128xi32, #tpu.memory_space<hbm>> -> memref<48x128xi32, #tpu.memory_space<hbm>>
    %dma_start3A_35 = arith.constant 0 : i32
    %dma_start3A_36 = arith.constant 0 : i32
    %dma_start3A_37 = arith.constant 0 : i32
    %dma_start3A_38 = tpu.memref_slice %arg3[%add3A_22, %dma_start3A_35, %dma_start3A_36, %dma_start3A_37] : memref<4x16x48x128xi32, #tpu.memory_space<hbm>> -> memref<1x16x48x128xi32, #tpu.memory_space<hbm>>
    %dma_start3A_39 = tpu.memref_squeeze %dma_start3A_38 : memref<1x16x48x128xi32, #tpu.memory_space<hbm>> -> memref<16x48x128xi32, #tpu.memory_space<hbm>>
    %dma_start3A_40 = arith.constant 0 : i32
    %dma_start3A_41 = arith.constant 0 : i32
    %dma_start3A_42 = tpu.memref_slice %dma_start3A_39[%arg1, %dma_start3A_40, %dma_start3A_41] : memref<16x48x128xi32, #tpu.memory_space<hbm>> -> memref<1x48x128xi32, #tpu.memory_space<hbm>>
    %dma_start3A_43 = tpu.memref_squeeze %dma_start3A_42 : memref<1x48x128xi32, #tpu.memory_space<hbm>> -> memref<48x128xi32, #tpu.memory_space<hbm>>
    tpu.enqueue_dma source(%dma_start3A_43 : memref<48x128xi32, #tpu.memory_space<hbm>>) target(%arg7 : memref<48x128xi32, #tpu.memory_space<vmem>>) target_semaphore(%arg14 : memref<!tpu.dma_semaphore, #tpu.memory_space<semaphore_mem>>)
    %dma_start3A_44 = arith.constant 0 : i32
    %dma_start3A_45 = arith.constant 0 : i32
    %dma_start3A_46 = arith.constant 0 : i32
    %dma_start3A_47 = tpu.memref_slice %arg4[%add3A_22, %dma_start3A_44, %dma_start3A_45, %dma_start3A_46] : memref<4x16x48x128xi32, #tpu.memory_space<hbm>> -> memref<1x16x48x128xi32, #tpu.memory_space<hbm>>
    %dma_start3A_48 = tpu.memref_squeeze %dma_start3A_47 : memref<1x16x48x128xi32, #tpu.memory_space<hbm>> -> memref<16x48x128xi32, #tpu.memory_space<hbm>>
    %dma_start3A_49 = arith.constant 0 : i32
    %dma_start3A_50 = arith.constant 0 : i32
    %dma_start3A_51 = tpu.memref_slice %dma_start3A_48[%arg1, %dma_start3A_49, %dma_start3A_50] : memref<16x48x128xi32, #tpu.memory_space<hbm>> -> memref<1x48x128xi32, #tpu.memory_space<hbm>>
    %dma_start3A_52 = tpu.memref_squeeze %dma_start3A_51 : memref<1x48x128xi32, #tpu.memory_space<hbm>> -> memref<48x128xi32, #tpu.memory_space<hbm>>
    %dma_start3A_53 = arith.constant 0 : i32
    %dma_start3A_54 = arith.constant 0 : i32
    %dma_start3A_55 = arith.constant 0 : i32
    %dma_start3A_56 = tpu.memref_slice %arg4[%add3A_22, %dma_start3A_53, %dma_start3A_54, %dma_start3A_55] : memref<4x16x48x128xi32, #tpu.memory_space<hbm>> -> memref<1x16x48x128xi32, #tpu.memory_space<hbm>>
    %dma_start3A_57 = tpu.memref_squeeze %dma_start3A_56 : memref<1x16x48x128xi32, #tpu.memory_space<hbm>> -> memref<16x48x128xi32, #tpu.memory_space<hbm>>
    %dma_start3A_58 = arith.constant 0 : i32
    %dma_start3A_59 = arith.constant 0 : i32
    %dma_start3A_60 = tpu.memref_slice %dma_start3A_57[%arg1, %dma_start3A_58, %dma_start3A_59] : memref<16x48x128xi32, #tpu.memory_space<hbm>> -> memref<1x48x128xi32, #tpu.memory_space<hbm>>
    %dma_start3A_61 = tpu.memref_squeeze %dma_start3A_60 : memref<1x48x128xi32, #tpu.memory_space<hbm>> -> memref<48x128xi32, #tpu.memory_space<hbm>>
    tpu.enqueue_dma source(%dma_start3A_61 : memref<48x128xi32, #tpu.memory_space<hbm>>) target(%arg8 : memref<48x128xi32, #tpu.memory_space<vmem>>) target_semaphore(%arg14 : memref<!tpu.dma_semaphore, #tpu.memory_space<semaphore_mem>>)
    %dma_wait3A = arith.constant 0 : i32
    %dma_wait3A_62 = tpu.memref_slice %arg12[%mul3A_24, %dma_wait3A] : memref<5248x128xf32, #tpu.memory_space<vmem_shared>> -> memref<328x128xf32, #tpu.memory_space<vmem_shared>>
    tpu.wait_dma2 semaphore(%arg15 : memref<!tpu.dma_semaphore, #tpu.memory_space<semaphore_mem>>) src(%arg5 : memref<328x128xf32, #tpu.memory_space<hbm>>) dst(%dma_wait3A_62 : memref<328x128xf32, #tpu.memory_space<vmem_shared>>)
    %dma_wait3A_63 = arith.constant 0 : i32
    %dma_wait3A_64 = arith.constant 0 : i32
    %dma_wait3A_65 = arith.constant 0 : i32
    %dma_wait3A_66 = tpu.memref_slice %arg3[%add3A_22, %dma_wait3A_63, %dma_wait3A_64, %dma_wait3A_65] : memref<4x16x48x128xi32, #tpu.memory_space<hbm>> -> memref<1x16x48x128xi32, #tpu.memory_space<hbm>>
    %dma_wait3A_67 = tpu.memref_squeeze %dma_wait3A_66 : memref<1x16x48x128xi32, #tpu.memory_space<hbm>> -> memref<16x48x128xi32, #tpu.memory_space<hbm>>
    %dma_wait3A_68 = arith.constant 0 : i32
    %dma_wait3A_69 = arith.constant 0 : i32
    %dma_wait3A_70 = tpu.memref_slice %dma_wait3A_67[%arg1, %dma_wait3A_68, %dma_wait3A_69] : memref<16x48x128xi32, #tpu.memory_space<hbm>> -> memref<1x48x128xi32, #tpu.memory_space<hbm>>
    %dma_wait3A_71 = tpu.memref_squeeze %dma_wait3A_70 : memref<1x48x128xi32, #tpu.memory_space<hbm>> -> memref<48x128xi32, #tpu.memory_space<hbm>>
    %dma_wait3A_72 = arith.constant 0 : i32
    %dma_wait3A_73 = arith.constant 0 : i32
    %dma_wait3A_74 = arith.constant 0 : i32
    %dma_wait3A_75 = tpu.memref_slice %arg3[%add3A_22, %dma_wait3A_72, %dma_wait3A_73, %dma_wait3A_74] : memref<4x16x48x128xi32, #tpu.memory_space<hbm>> -> memref<1x16x48x128xi32, #tpu.memory_space<hbm>>
    %dma_wait3A_76 = tpu.memref_squeeze %dma_wait3A_75 : memref<1x16x48x128xi32, #tpu.memory_space<hbm>> -> memref<16x48x128xi32, #tpu.memory_space<hbm>>
    %dma_wait3A_77 = arith.constant 0 : i32
    %dma_wait3A_78 = arith.constant 0 : i32
    %dma_wait3A_79 = tpu.memref_slice %dma_wait3A_76[%arg1, %dma_wait3A_77, %dma_wait3A_78] : memref<16x48x128xi32, #tpu.memory_space<hbm>> -> memref<1x48x128xi32, #tpu.memory_space<hbm>>
    %dma_wait3A_80 = tpu.memref_squeeze %dma_wait3A_79 : memref<1x48x128xi32, #tpu.memory_space<hbm>> -> memref<48x128xi32, #tpu.memory_space<hbm>>
    tpu.wait_dma2 semaphore(%arg14 : memref<!tpu.dma_semaphore, #tpu.memory_space<semaphore_mem>>) src(%dma_wait3A_80 : memref<48x128xi32, #tpu.memory_space<hbm>>) dst(%arg7 : memref<48x128xi32, #tpu.memory_space<vmem>>)
    %dma_wait3A_81 = arith.constant 0 : i32
    %dma_wait3A_82 = arith.constant 0 : i32
    %dma_wait3A_83 = arith.constant 0 : i32
    %dma_wait3A_84 = tpu.memref_slice %arg4[%add3A_22, %dma_wait3A_81, %dma_wait3A_82, %dma_wait3A_83] : memref<4x16x48x128xi32, #tpu.memory_space<hbm>> -> memref<1x16x48x128xi32, #tpu.memory_space<hbm>>
    %dma_wait3A_85 = tpu.memref_squeeze %dma_wait3A_84 : memref<1x16x48x128xi32, #tpu.memory_space<hbm>> -> memref<16x48x128xi32, #tpu.memory_space<hbm>>
    %dma_wait3A_86 = arith.constant 0 : i32
    %dma_wait3A_87 = arith.constant 0 : i32
    %dma_wait3A_88 = tpu.memref_slice %dma_wait3A_85[%arg1, %dma_wait3A_86, %dma_wait3A_87] : memref<16x48x128xi32, #tpu.memory_space<hbm>> -> memref<1x48x128xi32, #tpu.memory_space<hbm>>
    %dma_wait3A_89 = tpu.memref_squeeze %dma_wait3A_88 : memref<1x48x128xi32, #tpu.memory_space<hbm>> -> memref<48x128xi32, #tpu.memory_space<hbm>>
    %dma_wait3A_90 = arith.constant 0 : i32
    %dma_wait3A_91 = arith.constant 0 : i32
    %dma_wait3A_92 = arith.constant 0 : i32
    %dma_wait3A_93 = tpu.memref_slice %arg4[%add3A_22, %dma_wait3A_90, %dma_wait3A_91, %dma_wait3A_92] : memref<4x16x48x128xi32, #tpu.memory_space<hbm>> -> memref<1x16x48x128xi32, #tpu.memory_space<hbm>>
    %dma_wait3A_94 = tpu.memref_squeeze %dma_wait3A_93 : memref<1x16x48x128xi32, #tpu.memory_space<hbm>> -> memref<16x48x128xi32, #tpu.memory_space<hbm>>
    %dma_wait3A_95 = arith.constant 0 : i32
    %dma_wait3A_96 = arith.constant 0 : i32
    %dma_wait3A_97 = tpu.memref_slice %dma_wait3A_94[%arg1, %dma_wait3A_95, %dma_wait3A_96] : memref<16x48x128xi32, #tpu.memory_space<hbm>> -> memref<1x48x128xi32, #tpu.memory_space<hbm>>
    %dma_wait3A_98 = tpu.memref_squeeze %dma_wait3A_97 : memref<1x48x128xi32, #tpu.memory_space<hbm>> -> memref<48x128xi32, #tpu.memory_space<hbm>>
    tpu.wait_dma2 semaphore(%arg14 : memref<!tpu.dma_semaphore, #tpu.memory_space<semaphore_mem>>) src(%dma_wait3A_98 : memref<48x128xi32, #tpu.memory_space<hbm>>) dst(%arg8 : memref<48x128xi32, #tpu.memory_space<vmem>>)
    %barrier3A = arith.constant 0 : index
    tpu.barrier barrier_id(%barrier3A)
    %dma_start3A_99 = arith.constant 0 : i32
    %dma_start3A_100 = arith.constant 0 : i32
    %dma_start3A_101 = tpu.memref_slice %arg7[%dma_start3A_99, %dma_start3A_100] : memref<48x128xi32, #tpu.memory_space<vmem>> -> memref<1x128xi32, #tpu.memory_space<vmem>>
    %dma_start3A_102 = tpu.memref_squeeze %dma_start3A_101 : memref<1x128xi32, #tpu.memory_space<vmem>> -> memref<128xi32, #tpu.memory_space<vmem>>
    %dma_start3A_103 = arith.constant 0 : i32
    %dma_start3A_104 = arith.constant 0 : i32
    %dma_start3A_105 = tpu.memref_slice %arg11[%dma_start3A_103, %dma_start3A_104] : memref<5120x128xf32, #tpu.memory_space<vmem_shared>> -> memref<5120x128xf32, #tpu.memory_space<vmem_shared>>
    tpu.enqueue_indirect_dma source(%dma_start3A_105 : memref<5120x128xf32, #tpu.memory_space<vmem_shared>>) target(%arg9 : memref<128x128xf32, #tpu.memory_space<vmem>>) offsets(%dma_start3A_102 : memref<128xi32, #tpu.memory_space<vmem>>) semaphore(%arg16 : memref<!tpu.dma_semaphore, #tpu.memory_space<semaphore_mem>>)
    %scan3A = arith.constant 0 : i32
    %scan3A_106 = arith.constant 0 : i32
    %scan3A_107 = arith.constant 48 : i32
    %scan3A_108 = arith.addi %scan3A_106, %scan3A_107 : i32
    %scan3A_109 = arith.constant 1 : i32
    scf.for %scan3A_237 = %scan3A_106 to %scan3A_108 step %scan3A_109  : i32 {
      %jit3A = arith.constant 2 : i32
      %eq3A_238 = arith.constant 0 : i32
      %eq3A_239 = arith.cmpi eq, %jit3A, %eq3A_238 : i32
      %jit3A_240 = arith.constant 1 : i32
      %select_n3A = arith.select %eq3A_239, %jit3A_240, %jit3A : i32
      %rem3A = arith.remsi %scan3A_237, %select_n3A : i32
      %ne3A = arith.constant 0 : i32
      %ne3A_241 = arith.cmpi ne, %rem3A, %ne3A : i32
      %lt3A_242 = arith.constant 0 : i32
      %lt3A_243 = arith.cmpi slt, %rem3A, %lt3A_242 : i32
      %lt3A_244 = arith.constant 0 : i32
      %lt3A_245 = arith.cmpi slt, %select_n3A, %lt3A_244 : i32
      %ne3A_246 = arith.xori %lt3A_243, %lt3A_245 : i1
      %and3A = arith.andi %ne3A_246, %ne3A_241 : i1
      %add3A_247 = arith.addi %rem3A, %select_n3A : i32
      %select_n3A_248 = arith.select %and3A, %add3A_247, %rem3A : i32
      %eq3A_249 = arith.constant 0 : i32
      %eq3A_250 = arith.cmpi eq, %select_n3A_248, %eq3A_249 : i32
      %convert_element_type3A_251 = arith.extui %eq3A_250 : i1 to i32
      %cond3A_252 = arith.constant 0 : i32
      %cond3A_253 = arith.cmpi ne, %convert_element_type3A_251, %cond3A_252 : i32
      scf.if %cond3A_253 {
        %dma_wait3A_275 = arith.constant 0 : i32
        %dma_wait3A_276 = tpu.memref_slice %arg7[%scan3A_237, %dma_wait3A_275] : memref<48x128xi32, #tpu.memory_space<vmem>> -> memref<1x128xi32, #tpu.memory_space<vmem>>
        %dma_wait3A_277 = tpu.memref_squeeze %dma_wait3A_276 : memref<1x128xi32, #tpu.memory_space<vmem>> -> memref<128xi32, #tpu.memory_space<vmem>>
        %dma_wait3A_278 = arith.constant 0 : i32
        %dma_wait3A_279 = arith.constant 0 : i32
        %dma_wait3A_280 = tpu.memref_slice %arg11[%dma_wait3A_278, %dma_wait3A_279] : memref<5120x128xf32, #tpu.memory_space<vmem_shared>> -> memref<5120x128xf32, #tpu.memory_space<vmem_shared>>
        tpu.wait_indirect_dma semaphore(%arg16 : memref<!tpu.dma_semaphore, #tpu.memory_space<semaphore_mem>>) src(%dma_wait3A_280 : memref<5120x128xf32, #tpu.memory_space<vmem_shared>>) dst(%arg9 : memref<128x128xf32, #tpu.memory_space<vmem>>)
        %dma_start3A_281 = arith.constant 0 : i32
        %dma_start3A_282 = tpu.memref_slice %arg8[%scan3A_237, %dma_start3A_281] : memref<48x128xi32, #tpu.memory_space<vmem>> -> memref<1x128xi32, #tpu.memory_space<vmem>>
        %dma_start3A_283 = tpu.memref_squeeze %dma_start3A_282 : memref<1x128xi32, #tpu.memory_space<vmem>> -> memref<128xi32, #tpu.memory_space<vmem>>
        %dma_start3A_284 = arith.constant 0 : i32
        %dma_start3A_285 = arith.constant 0 : i32
        %dma_start3A_286 = tpu.memref_slice %arg12[%dma_start3A_284, %dma_start3A_285] : memref<5248x128xf32, #tpu.memory_space<vmem_shared>> -> memref<5248x128xf32, #tpu.memory_space<vmem_shared>>
        tpu.enqueue_indirect_dma source(%arg9 : memref<128x128xf32, #tpu.memory_space<vmem>>) target(%dma_start3A_286 : memref<5248x128xf32, #tpu.memory_space<vmem_shared>>) offsets(%dma_start3A_283 : memref<128xi32, #tpu.memory_space<vmem>>) semaphore(%arg18 : memref<!tpu.dma_semaphore, #tpu.memory_space<semaphore_mem>>) {add = true}
        %ge3A = arith.constant 1 : i32
        %ge3A_287 = arith.cmpi sge, %scan3A_237, %ge3A : i32
        %convert_element_type3A_288 = arith.extui %ge3A_287 : i1 to i32
        %cond3A_289 = arith.constant 0 : i32
        %cond3A_290 = arith.cmpi ne, %convert_element_type3A_288, %cond3A_289 : i32
        scf.if %cond3A_290 {
          %sub3A = arith.constant 1 : i32
          %sub3A_298 = arith.subi %scan3A_237, %sub3A : i32
          %dma_wait3A_299 = arith.constant 0 : i32
          %dma_wait3A_300 = tpu.memref_slice %arg8[%sub3A_298, %dma_wait3A_299] : memref<48x128xi32, #tpu.memory_space<vmem>> -> memref<1x128xi32, #tpu.memory_space<vmem>>
          %dma_wait3A_301 = tpu.memref_squeeze %dma_wait3A_300 : memref<1x128xi32, #tpu.memory_space<vmem>> -> memref<128xi32, #tpu.memory_space<vmem>>
          %dma_wait3A_302 = arith.constant 0 : i32
          %dma_wait3A_303 = arith.constant 0 : i32
          %dma_wait3A_304 = tpu.memref_slice %arg12[%dma_wait3A_302, %dma_wait3A_303] : memref<5248x128xf32, #tpu.memory_space<vmem_shared>> -> memref<5248x128xf32, #tpu.memory_space<vmem_shared>>
          tpu.wait_indirect_dma semaphore(%arg19 : memref<!tpu.dma_semaphore, #tpu.memory_space<semaphore_mem>>) src(%arg10 : memref<128x128xf32, #tpu.memory_space<vmem>>) dst(%dma_wait3A_304 : memref<5248x128xf32, #tpu.memory_space<vmem_shared>>)
        } else {
        }
        %add3A_291 = arith.constant 1 : i32
        %add3A_292 = arith.addi %scan3A_237, %add3A_291 : i32
        %lt3A_293 = arith.constant 48 : i32
        %lt3A_294 = arith.cmpi slt, %add3A_292, %lt3A_293 : i32
        %convert_element_type3A_295 = arith.extui %lt3A_294 : i1 to i32
        %cond3A_296 = arith.constant 0 : i32
        %cond3A_297 = arith.cmpi ne, %convert_element_type3A_295, %cond3A_296 : i32
        scf.if %cond3A_297 {
          %add3A_298 = arith.constant 1 : i32
          %add3A_299 = arith.addi %scan3A_237, %add3A_298 : i32
          %dma_start3A_300 = arith.constant 0 : i32
          %dma_start3A_301 = tpu.memref_slice %arg7[%add3A_299, %dma_start3A_300] : memref<48x128xi32, #tpu.memory_space<vmem>> -> memref<1x128xi32, #tpu.memory_space<vmem>>
          %dma_start3A_302 = tpu.memref_squeeze %dma_start3A_301 : memref<1x128xi32, #tpu.memory_space<vmem>> -> memref<128xi32, #tpu.memory_space<vmem>>
          %dma_start3A_303 = arith.constant 0 : i32
          %dma_start3A_304 = arith.constant 0 : i32
          %dma_start3A_305 = tpu.memref_slice %arg11[%dma_start3A_303, %dma_start3A_304] : memref<5120x128xf32, #tpu.memory_space<vmem_shared>> -> memref<5120x128xf32, #tpu.memory_space<vmem_shared>>
          tpu.enqueue_indirect_dma source(%dma_start3A_305 : memref<5120x128xf32, #tpu.memory_space<vmem_shared>>) target(%arg10 : memref<128x128xf32, #tpu.memory_space<vmem>>) offsets(%dma_start3A_302 : memref<128xi32, #tpu.memory_space<vmem>>) semaphore(%arg17 : memref<!tpu.dma_semaphore, #tpu.memory_space<semaphore_mem>>)
        } else {
        }
      } else {
      }
      %jit3A_254 = arith.constant 2 : i32
      %eq3A_255 = arith.constant 0 : i32
      %eq3A_256 = arith.cmpi eq, %jit3A_254, %eq3A_255 : i32
      %jit3A_257 = arith.constant 1 : i32
      %select_n3A_258 = arith.select %eq3A_256, %jit3A_257, %jit3A_254 : i32
      %rem3A_259 = arith.remsi %scan3A_237, %select_n3A_258 : i32
      %ne3A_260 = arith.constant 0 : i32
      %ne3A_261 = arith.cmpi ne, %rem3A_259, %ne3A_260 : i32
      %lt3A_262 = arith.constant 0 : i32
      %lt3A_263 = arith.cmpi slt, %rem3A_259, %lt3A_262 : i32
      %lt3A_264 = arith.constant 0 : i32
      %lt3A_265 = arith.cmpi slt, %select_n3A_258, %lt3A_264 : i32
      %ne3A_266 = arith.xori %lt3A_263, %lt3A_265 : i1
      %and3A_267 = arith.andi %ne3A_266, %ne3A_261 : i1
      %add3A_268 = arith.addi %rem3A_259, %select_n3A_258 : i32
      %select_n3A_269 = arith.select %and3A_267, %add3A_268, %rem3A_259 : i32
      %eq3A_270 = arith.constant 1 : i32
      %eq3A_271 = arith.cmpi eq, %select_n3A_269, %eq3A_270 : i32
      %convert_element_type3A_272 = arith.extui %eq3A_271 : i1 to i32
      %cond3A_273 = arith.constant 0 : i32
      %cond3A_274 = arith.cmpi ne, %convert_element_type3A_272, %cond3A_273 : i32
      scf.if %cond3A_274 {
        %dma_wait3A_275 = arith.constant 0 : i32
        %dma_wait3A_276 = tpu.memref_slice %arg7[%scan3A_237, %dma_wait3A_275] : memref<48x128xi32, #tpu.memory_space<vmem>> -> memref<1x128xi32, #tpu.memory_space<vmem>>
        %dma_wait3A_277 = tpu.memref_squeeze %dma_wait3A_276 : memref<1x128xi32, #tpu.memory_space<vmem>> -> memref<128xi32, #tpu.memory_space<vmem>>
        %dma_wait3A_278 = arith.constant 0 : i32
        %dma_wait3A_279 = arith.constant 0 : i32
        %dma_wait3A_280 = tpu.memref_slice %arg11[%dma_wait3A_278, %dma_wait3A_279] : memref<5120x128xf32, #tpu.memory_space<vmem_shared>> -> memref<5120x128xf32, #tpu.memory_space<vmem_shared>>
        tpu.wait_indirect_dma semaphore(%arg17 : memref<!tpu.dma_semaphore, #tpu.memory_space<semaphore_mem>>) src(%dma_wait3A_280 : memref<5120x128xf32, #tpu.memory_space<vmem_shared>>) dst(%arg10 : memref<128x128xf32, #tpu.memory_space<vmem>>)
        %dma_start3A_281 = arith.constant 0 : i32
        %dma_start3A_282 = tpu.memref_slice %arg8[%scan3A_237, %dma_start3A_281] : memref<48x128xi32, #tpu.memory_space<vmem>> -> memref<1x128xi32, #tpu.memory_space<vmem>>
        %dma_start3A_283 = tpu.memref_squeeze %dma_start3A_282 : memref<1x128xi32, #tpu.memory_space<vmem>> -> memref<128xi32, #tpu.memory_space<vmem>>
        %dma_start3A_284 = arith.constant 0 : i32
        %dma_start3A_285 = arith.constant 0 : i32
        %dma_start3A_286 = tpu.memref_slice %arg12[%dma_start3A_284, %dma_start3A_285] : memref<5248x128xf32, #tpu.memory_space<vmem_shared>> -> memref<5248x128xf32, #tpu.memory_space<vmem_shared>>
        tpu.enqueue_indirect_dma source(%arg10 : memref<128x128xf32, #tpu.memory_space<vmem>>) target(%dma_start3A_286 : memref<5248x128xf32, #tpu.memory_space<vmem_shared>>) offsets(%dma_start3A_283 : memref<128xi32, #tpu.memory_space<vmem>>) semaphore(%arg19 : memref<!tpu.dma_semaphore, #tpu.memory_space<semaphore_mem>>) {add = true}
        %ge3A = arith.constant 1 : i32
        %ge3A_287 = arith.cmpi sge, %scan3A_237, %ge3A : i32
        %convert_element_type3A_288 = arith.extui %ge3A_287 : i1 to i32
        %cond3A_289 = arith.constant 0 : i32
        %cond3A_290 = arith.cmpi ne, %convert_element_type3A_288, %cond3A_289 : i32
        scf.if %cond3A_290 {
          %sub3A = arith.constant 1 : i32
          %sub3A_298 = arith.subi %scan3A_237, %sub3A : i32
          %dma_wait3A_299 = arith.constant 0 : i32
          %dma_wait3A_300 = tpu.memref_slice %arg8[%sub3A_298, %dma_wait3A_299] : memref<48x128xi32, #tpu.memory_space<vmem>> -> memref<1x128xi32, #tpu.memory_space<vmem>>
          %dma_wait3A_301 = tpu.memref_squeeze %dma_wait3A_300 : memref<1x128xi32, #tpu.memory_space<vmem>> -> memref<128xi32, #tpu.memory_space<vmem>>
          %dma_wait3A_302 = arith.constant 0 : i32
          %dma_wait3A_303 = arith.constant 0 : i32
          %dma_wait3A_304 = tpu.memref_slice %arg12[%dma_wait3A_302, %dma_wait3A_303] : memref<5248x128xf32, #tpu.memory_space<vmem_shared>> -> memref<5248x128xf32, #tpu.memory_space<vmem_shared>>
          tpu.wait_indirect_dma semaphore(%arg18 : memref<!tpu.dma_semaphore, #tpu.memory_space<semaphore_mem>>) src(%arg9 : memref<128x128xf32, #tpu.memory_space<vmem>>) dst(%dma_wait3A_304 : memref<5248x128xf32, #tpu.memory_space<vmem_shared>>)
        } else {
        }
        %add3A_291 = arith.constant 1 : i32
        %add3A_292 = arith.addi %scan3A_237, %add3A_291 : i32
        %lt3A_293 = arith.constant 48 : i32
        %lt3A_294 = arith.cmpi slt, %add3A_292, %lt3A_293 : i32
        %convert_element_type3A_295 = arith.extui %lt3A_294 : i1 to i32
        %cond3A_296 = arith.constant 0 : i32
        %cond3A_297 = arith.cmpi ne, %convert_element_type3A_295, %cond3A_296 : i32
        scf.if %cond3A_297 {
          %add3A_298 = arith.constant 1 : i32
          %add3A_299 = arith.addi %scan3A_237, %add3A_298 : i32
          %dma_start3A_300 = arith.constant 0 : i32
          %dma_start3A_301 = tpu.memref_slice %arg7[%add3A_299, %dma_start3A_300] : memref<48x128xi32, #tpu.memory_space<vmem>> -> memref<1x128xi32, #tpu.memory_space<vmem>>
          %dma_start3A_302 = tpu.memref_squeeze %dma_start3A_301 : memref<1x128xi32, #tpu.memory_space<vmem>> -> memref<128xi32, #tpu.memory_space<vmem>>
          %dma_start3A_303 = arith.constant 0 : i32
          %dma_start3A_304 = arith.constant 0 : i32
          %dma_start3A_305 = tpu.memref_slice %arg11[%dma_start3A_303, %dma_start3A_304] : memref<5120x128xf32, #tpu.memory_space<vmem_shared>> -> memref<5120x128xf32, #tpu.memory_space<vmem_shared>>
          tpu.enqueue_indirect_dma source(%dma_start3A_305 : memref<5120x128xf32, #tpu.memory_space<vmem_shared>>) target(%arg9 : memref<128x128xf32, #tpu.memory_space<vmem>>) offsets(%dma_start3A_302 : memref<128xi32, #tpu.memory_space<vmem>>) semaphore(%arg16 : memref<!tpu.dma_semaphore, #tpu.memory_space<semaphore_mem>>)
        } else {
        }
      } else {
      }
    }
    %scan3A_110 = arith.constant 48 : i32
    %dma_wait3A_111 = arith.constant 47 : i32
    %dma_wait3A_112 = arith.constant 0 : i32
    %dma_wait3A_113 = tpu.memref_slice %arg8[%dma_wait3A_111, %dma_wait3A_112] : memref<48x128xi32, #tpu.memory_space<vmem>> -> memref<1x128xi32, #tpu.memory_space<vmem>>
    %dma_wait3A_114 = tpu.memref_squeeze %dma_wait3A_113 : memref<1x128xi32, #tpu.memory_space<vmem>> -> memref<128xi32, #tpu.memory_space<vmem>>
    %dma_wait3A_115 = arith.constant 0 : i32
    %dma_wait3A_116 = arith.constant 0 : i32
    %dma_wait3A_117 = tpu.memref_slice %arg12[%dma_wait3A_115, %dma_wait3A_116] : memref<5248x128xf32, #tpu.memory_space<vmem_shared>> -> memref<5248x128xf32, #tpu.memory_space<vmem_shared>>
    tpu.wait_indirect_dma semaphore(%arg19 : memref<!tpu.dma_semaphore, #tpu.memory_space<semaphore_mem>>) src(%arg10 : memref<128x128xf32, #tpu.memory_space<vmem>>) dst(%dma_wait3A_117 : memref<5248x128xf32, #tpu.memory_space<vmem_shared>>)
    %barrier3A_118 = arith.constant 0 : index
    tpu.barrier barrier_id(%barrier3A_118)
    %mul3A_119 = arith.constant 5248 : i32
    %mul3A_120 = arith.muli %add3A_22, %mul3A_119 : i32
    %mul3A_121 = arith.constant 328 : i32
    %mul3A_122 = arith.muli %arg1, %mul3A_121 : i32
    %add3A_123 = arith.addi %mul3A_120, %mul3A_122 : i32
    %mul3A_124 = arith.constant 328 : i32
    %mul3A_125 = arith.muli %arg1, %mul3A_124 : i32
    "tpu.region"() ({
      %run_scoped3A = tpu.sem_alloc : memref<!tpu.dma_semaphore, #tpu.memory_space<semaphore_mem>>
      %dma_start3A_237 = arith.constant 0 : i32
      %dma_start3A_238 = tpu.memref_slice %arg6[%add3A_123, %dma_start3A_237] : memref<20992x128xf32, #tpu.memory_space<hbm>> -> memref<328x128xf32, #tpu.memory_space<hbm>>
      %dma_start3A_239 = arith.constant 0 : i32
      %dma_start3A_240 = tpu.memref_slice %arg12[%mul3A_125, %dma_start3A_239] : memref<5248x128xf32, #tpu.memory_space<vmem_shared>> -> memref<328x128xf32, #tpu.memory_space<vmem_shared>>
      tpu.enqueue_dma source(%dma_start3A_240 : memref<328x128xf32, #tpu.memory_space<vmem_shared>>) target(%dma_start3A_238 : memref<328x128xf32, #tpu.memory_space<hbm>>) target_semaphore(%run_scoped3A : memref<!tpu.dma_semaphore, #tpu.memory_space<semaphore_mem>>)
      %dma_wait3A_241 = arith.constant 0 : i32
      %dma_wait3A_242 = tpu.memref_slice %arg6[%add3A_123, %dma_wait3A_241] : memref<20992x128xf32, #tpu.memory_space<hbm>> -> memref<328x128xf32, #tpu.memory_space<hbm>>
      %dma_wait3A_243 = arith.constant 0 : i32
      %dma_wait3A_244 = tpu.memref_slice %arg12[%mul3A_125, %dma_wait3A_243] : memref<5248x128xf32, #tpu.memory_space<vmem_shared>> -> memref<328x128xf32, #tpu.memory_space<vmem_shared>>
      tpu.wait_dma2 semaphore(%run_scoped3A : memref<!tpu.dma_semaphore, #tpu.memory_space<semaphore_mem>>) src(%dma_wait3A_244 : memref<328x128xf32, #tpu.memory_space<vmem_shared>>) dst(%dma_wait3A_242 : memref<328x128xf32, #tpu.memory_space<hbm>>)
      tpu.yield
    }) : () -> ()
    %mul3A_126 = arith.constant 2 : i32
    %mul3A_127 = arith.muli %arg0, %mul3A_126 : i32
    %add3A_128 = arith.constant 1 : i32
    %add3A_129 = arith.addi %mul3A_127, %add3A_128 : i32
    %mul3A_130 = arith.constant 328 : i32
    %mul3A_131 = arith.muli %arg1, %mul3A_130 : i32
    %dma_start3A_132 = arith.constant 0 : i32
    %dma_start3A_133 = tpu.memref_slice %arg12[%mul3A_131, %dma_start3A_132] : memref<5248x128xf32, #tpu.memory_space<vmem_shared>> -> memref<328x128xf32, #tpu.memory_space<vmem_shared>>
    tpu.enqueue_dma source(%arg5 : memref<328x128xf32, #tpu.memory_space<hbm>>) target(%dma_start3A_133 : memref<328x128xf32, #tpu.memory_space<vmem_shared>>) target_semaphore(%arg15 : memref<!tpu.dma_semaphore, #tpu.memory_space<semaphore_mem>>)
    %dma_start3A_134 = arith.constant 0 : i32
    %dma_start3A_135 = arith.constant 0 : i32
    %dma_start3A_136 = arith.constant 0 : i32
    %dma_start3A_137 = tpu.memref_slice %arg3[%add3A_129, %dma_start3A_134, %dma_start3A_135, %dma_start3A_136] : memref<4x16x48x128xi32, #tpu.memory_space<hbm>> -> memref<1x16x48x128xi32, #tpu.memory_space<hbm>>
    %dma_start3A_138 = tpu.memref_squeeze %dma_start3A_137 : memref<1x16x48x128xi32, #tpu.memory_space<hbm>> -> memref<16x48x128xi32, #tpu.memory_space<hbm>>
    %dma_start3A_139 = arith.constant 0 : i32
    %dma_start3A_140 = arith.constant 0 : i32
    %dma_start3A_141 = tpu.memref_slice %dma_start3A_138[%arg1, %dma_start3A_139, %dma_start3A_140] : memref<16x48x128xi32, #tpu.memory_space<hbm>> -> memref<1x48x128xi32, #tpu.memory_space<hbm>>
    %dma_start3A_142 = tpu.memref_squeeze %dma_start3A_141 : memref<1x48x128xi32, #tpu.memory_space<hbm>> -> memref<48x128xi32, #tpu.memory_space<hbm>>
    %dma_start3A_143 = arith.constant 0 : i32
    %dma_start3A_144 = arith.constant 0 : i32
    %dma_start3A_145 = arith.constant 0 : i32
    %dma_start3A_146 = tpu.memref_slice %arg3[%add3A_129, %dma_start3A_143, %dma_start3A_144, %dma_start3A_145] : memref<4x16x48x128xi32, #tpu.memory_space<hbm>> -> memref<1x16x48x128xi32, #tpu.memory_space<hbm>>
    %dma_start3A_147 = tpu.memref_squeeze %dma_start3A_146 : memref<1x16x48x128xi32, #tpu.memory_space<hbm>> -> memref<16x48x128xi32, #tpu.memory_space<hbm>>
    %dma_start3A_148 = arith.constant 0 : i32
    %dma_start3A_149 = arith.constant 0 : i32
    %dma_start3A_150 = tpu.memref_slice %dma_start3A_147[%arg1, %dma_start3A_148, %dma_start3A_149] : memref<16x48x128xi32, #tpu.memory_space<hbm>> -> memref<1x48x128xi32, #tpu.memory_space<hbm>>
    %dma_start3A_151 = tpu.memref_squeeze %dma_start3A_150 : memref<1x48x128xi32, #tpu.memory_space<hbm>> -> memref<48x128xi32, #tpu.memory_space<hbm>>
    tpu.enqueue_dma source(%dma_start3A_151 : memref<48x128xi32, #tpu.memory_space<hbm>>) target(%arg7 : memref<48x128xi32, #tpu.memory_space<vmem>>) target_semaphore(%arg14 : memref<!tpu.dma_semaphore, #tpu.memory_space<semaphore_mem>>)
    %dma_start3A_152 = arith.constant 0 : i32
    %dma_start3A_153 = arith.constant 0 : i32
    %dma_start3A_154 = arith.constant 0 : i32
    %dma_start3A_155 = tpu.memref_slice %arg4[%add3A_129, %dma_start3A_152, %dma_start3A_153, %dma_start3A_154] : memref<4x16x48x128xi32, #tpu.memory_space<hbm>> -> memref<1x16x48x128xi32, #tpu.memory_space<hbm>>
    %dma_start3A_156 = tpu.memref_squeeze %dma_start3A_155 : memref<1x16x48x128xi32, #tpu.memory_space<hbm>> -> memref<16x48x128xi32, #tpu.memory_space<hbm>>
    %dma_start3A_157 = arith.constant 0 : i32
    %dma_start3A_158 = arith.constant 0 : i32
    %dma_start3A_159 = tpu.memref_slice %dma_start3A_156[%arg1, %dma_start3A_157, %dma_start3A_158] : memref<16x48x128xi32, #tpu.memory_space<hbm>> -> memref<1x48x128xi32, #tpu.memory_space<hbm>>
    %dma_start3A_160 = tpu.memref_squeeze %dma_start3A_159 : memref<1x48x128xi32, #tpu.memory_space<hbm>> -> memref<48x128xi32, #tpu.memory_space<hbm>>
    %dma_start3A_161 = arith.constant 0 : i32
    %dma_start3A_162 = arith.constant 0 : i32
    %dma_start3A_163 = arith.constant 0 : i32
    %dma_start3A_164 = tpu.memref_slice %arg4[%add3A_129, %dma_start3A_161, %dma_start3A_162, %dma_start3A_163] : memref<4x16x48x128xi32, #tpu.memory_space<hbm>> -> memref<1x16x48x128xi32, #tpu.memory_space<hbm>>
    %dma_start3A_165 = tpu.memref_squeeze %dma_start3A_164 : memref<1x16x48x128xi32, #tpu.memory_space<hbm>> -> memref<16x48x128xi32, #tpu.memory_space<hbm>>
    %dma_start3A_166 = arith.constant 0 : i32
    %dma_start3A_167 = arith.constant 0 : i32
    %dma_start3A_168 = tpu.memref_slice %dma_start3A_165[%arg1, %dma_start3A_166, %dma_start3A_167] : memref<16x48x128xi32, #tpu.memory_space<hbm>> -> memref<1x48x128xi32, #tpu.memory_space<hbm>>
    %dma_start3A_169 = tpu.memref_squeeze %dma_start3A_168 : memref<1x48x128xi32, #tpu.memory_space<hbm>> -> memref<48x128xi32, #tpu.memory_space<hbm>>
    tpu.enqueue_dma source(%dma_start3A_169 : memref<48x128xi32, #tpu.memory_space<hbm>>) target(%arg8 : memref<48x128xi32, #tpu.memory_space<vmem>>) target_semaphore(%arg14 : memref<!tpu.dma_semaphore, #tpu.memory_space<semaphore_mem>>)
    %dma_wait3A_170 = arith.constant 0 : i32
    %dma_wait3A_171 = tpu.memref_slice %arg12[%mul3A_131, %dma_wait3A_170] : memref<5248x128xf32, #tpu.memory_space<vmem_shared>> -> memref<328x128xf32, #tpu.memory_space<vmem_shared>>
    tpu.wait_dma2 semaphore(%arg15 : memref<!tpu.dma_semaphore, #tpu.memory_space<semaphore_mem>>) src(%arg5 : memref<328x128xf32, #tpu.memory_space<hbm>>) dst(%dma_wait3A_171 : memref<328x128xf32, #tpu.memory_space<vmem_shared>>)
    %dma_wait3A_172 = arith.constant 0 : i32
    %dma_wait3A_173 = arith.constant 0 : i32
    %dma_wait3A_174 = arith.constant 0 : i32
    %dma_wait3A_175 = tpu.memref_slice %arg3[%add3A_129, %dma_wait3A_172, %dma_wait3A_173, %dma_wait3A_174] : memref<4x16x48x128xi32, #tpu.memory_space<hbm>> -> memref<1x16x48x128xi32, #tpu.memory_space<hbm>>
    %dma_wait3A_176 = tpu.memref_squeeze %dma_wait3A_175 : memref<1x16x48x128xi32, #tpu.memory_space<hbm>> -> memref<16x48x128xi32, #tpu.memory_space<hbm>>
    %dma_wait3A_177 = arith.constant 0 : i32
    %dma_wait3A_178 = arith.constant 0 : i32
    %dma_wait3A_179 = tpu.memref_slice %dma_wait3A_176[%arg1, %dma_wait3A_177, %dma_wait3A_178] : memref<16x48x128xi32, #tpu.memory_space<hbm>> -> memref<1x48x128xi32, #tpu.memory_space<hbm>>
    %dma_wait3A_180 = tpu.memref_squeeze %dma_wait3A_179 : memref<1x48x128xi32, #tpu.memory_space<hbm>> -> memref<48x128xi32, #tpu.memory_space<hbm>>
    %dma_wait3A_181 = arith.constant 0 : i32
    %dma_wait3A_182 = arith.constant 0 : i32
    %dma_wait3A_183 = arith.constant 0 : i32
    %dma_wait3A_184 = tpu.memref_slice %arg3[%add3A_129, %dma_wait3A_181, %dma_wait3A_182, %dma_wait3A_183] : memref<4x16x48x128xi32, #tpu.memory_space<hbm>> -> memref<1x16x48x128xi32, #tpu.memory_space<hbm>>
    %dma_wait3A_185 = tpu.memref_squeeze %dma_wait3A_184 : memref<1x16x48x128xi32, #tpu.memory_space<hbm>> -> memref<16x48x128xi32, #tpu.memory_space<hbm>>
    %dma_wait3A_186 = arith.constant 0 : i32
    %dma_wait3A_187 = arith.constant 0 : i32
    %dma_wait3A_188 = tpu.memref_slice %dma_wait3A_185[%arg1, %dma_wait3A_186, %dma_wait3A_187] : memref<16x48x128xi32, #tpu.memory_space<hbm>> -> memref<1x48x128xi32, #tpu.memory_space<hbm>>
    %dma_wait3A_189 = tpu.memref_squeeze %dma_wait3A_188 : memref<1x48x128xi32, #tpu.memory_space<hbm>> -> memref<48x128xi32, #tpu.memory_space<hbm>>
    tpu.wait_dma2 semaphore(%arg14 : memref<!tpu.dma_semaphore, #tpu.memory_space<semaphore_mem>>) src(%dma_wait3A_189 : memref<48x128xi32, #tpu.memory_space<hbm>>) dst(%arg7 : memref<48x128xi32, #tpu.memory_space<vmem>>)
    %dma_wait3A_190 = arith.constant 0 : i32
    %dma_wait3A_191 = arith.constant 0 : i32
    %dma_wait3A_192 = arith.constant 0 : i32
    %dma_wait3A_193 = tpu.memref_slice %arg4[%add3A_129, %dma_wait3A_190, %dma_wait3A_191, %dma_wait3A_192] : memref<4x16x48x128xi32, #tpu.memory_space<hbm>> -> memref<1x16x48x128xi32, #tpu.memory_space<hbm>>
    %dma_wait3A_194 = tpu.memref_squeeze %dma_wait3A_193 : memref<1x16x48x128xi32, #tpu.memory_space<hbm>> -> memref<16x48x128xi32, #tpu.memory_space<hbm>>
    %dma_wait3A_195 = arith.constant 0 : i32
    %dma_wait3A_196 = arith.constant 0 : i32
    %dma_wait3A_197 = tpu.memref_slice %dma_wait3A_194[%arg1, %dma_wait3A_195, %dma_wait3A_196] : memref<16x48x128xi32, #tpu.memory_space<hbm>> -> memref<1x48x128xi32, #tpu.memory_space<hbm>>
    %dma_wait3A_198 = tpu.memref_squeeze %dma_wait3A_197 : memref<1x48x128xi32, #tpu.memory_space<hbm>> -> memref<48x128xi32, #tpu.memory_space<hbm>>
    %dma_wait3A_199 = arith.constant 0 : i32
    %dma_wait3A_200 = arith.constant 0 : i32
    %dma_wait3A_201 = arith.constant 0 : i32
    %dma_wait3A_202 = tpu.memref_slice %arg4[%add3A_129, %dma_wait3A_199, %dma_wait3A_200, %dma_wait3A_201] : memref<4x16x48x128xi32, #tpu.memory_space<hbm>> -> memref<1x16x48x128xi32, #tpu.memory_space<hbm>>
    %dma_wait3A_203 = tpu.memref_squeeze %dma_wait3A_202 : memref<1x16x48x128xi32, #tpu.memory_space<hbm>> -> memref<16x48x128xi32, #tpu.memory_space<hbm>>
    %dma_wait3A_204 = arith.constant 0 : i32
    %dma_wait3A_205 = arith.constant 0 : i32
    %dma_wait3A_206 = tpu.memref_slice %dma_wait3A_203[%arg1, %dma_wait3A_204, %dma_wait3A_205] : memref<16x48x128xi32, #tpu.memory_space<hbm>> -> memref<1x48x128xi32, #tpu.memory_space<hbm>>
    %dma_wait3A_207 = tpu.memref_squeeze %dma_wait3A_206 : memref<1x48x128xi32, #tpu.memory_space<hbm>> -> memref<48x128xi32, #tpu.memory_space<hbm>>
    tpu.wait_dma2 semaphore(%arg14 : memref<!tpu.dma_semaphore, #tpu.memory_space<semaphore_mem>>) src(%dma_wait3A_207 : memref<48x128xi32, #tpu.memory_space<hbm>>) dst(%arg8 : memref<48x128xi32, #tpu.memory_space<vmem>>)
    %barrier3A_208 = arith.constant 0 : index
    tpu.barrier barrier_id(%barrier3A_208)
    %dma_start3A_209 = arith.constant 0 : i32
    %dma_start3A_210 = arith.constant 0 : i32
    %dma_start3A_211 = tpu.memref_slice %arg7[%dma_start3A_209, %dma_start3A_210] : memref<48x128xi32, #tpu.memory_space<vmem>> -> memref<1x128xi32, #tpu.memory_space<vmem>>
    %dma_start3A_212 = tpu.memref_squeeze %dma_start3A_211 : memref<1x128xi32, #tpu.memory_space<vmem>> -> memref<128xi32, #tpu.memory_space<vmem>>
    %dma_start3A_213 = arith.constant 0 : i32
    %dma_start3A_214 = arith.constant 0 : i32
    %dma_start3A_215 = tpu.memref_slice %arg11[%dma_start3A_213, %dma_start3A_214] : memref<5120x128xf32, #tpu.memory_space<vmem_shared>> -> memref<5120x128xf32, #tpu.memory_space<vmem_shared>>
    tpu.enqueue_indirect_dma source(%dma_start3A_215 : memref<5120x128xf32, #tpu.memory_space<vmem_shared>>) target(%arg9 : memref<128x128xf32, #tpu.memory_space<vmem>>) offsets(%dma_start3A_212 : memref<128xi32, #tpu.memory_space<vmem>>) semaphore(%arg16 : memref<!tpu.dma_semaphore, #tpu.memory_space<semaphore_mem>>)
    %scan3A_216 = arith.constant 0 : i32
    %scan3A_217 = arith.constant 0 : i32
    %scan3A_218 = arith.constant 48 : i32
    %scan3A_219 = arith.addi %scan3A_217, %scan3A_218 : i32
    %scan3A_220 = arith.constant 1 : i32
    scf.for %scan3A_237 = %scan3A_217 to %scan3A_219 step %scan3A_220  : i32 {
      %jit3A = arith.constant 2 : i32
      %eq3A_238 = arith.constant 0 : i32
      %eq3A_239 = arith.cmpi eq, %jit3A, %eq3A_238 : i32
      %jit3A_240 = arith.constant 1 : i32
      %select_n3A = arith.select %eq3A_239, %jit3A_240, %jit3A : i32
      %rem3A = arith.remsi %scan3A_237, %select_n3A : i32
      %ne3A = arith.constant 0 : i32
      %ne3A_241 = arith.cmpi ne, %rem3A, %ne3A : i32
      %lt3A_242 = arith.constant 0 : i32
      %lt3A_243 = arith.cmpi slt, %rem3A, %lt3A_242 : i32
      %lt3A_244 = arith.constant 0 : i32
      %lt3A_245 = arith.cmpi slt, %select_n3A, %lt3A_244 : i32
      %ne3A_246 = arith.xori %lt3A_243, %lt3A_245 : i1
      %and3A = arith.andi %ne3A_246, %ne3A_241 : i1
      %add3A_247 = arith.addi %rem3A, %select_n3A : i32
      %select_n3A_248 = arith.select %and3A, %add3A_247, %rem3A : i32
      %eq3A_249 = arith.constant 0 : i32
      %eq3A_250 = arith.cmpi eq, %select_n3A_248, %eq3A_249 : i32
      %convert_element_type3A_251 = arith.extui %eq3A_250 : i1 to i32
      %cond3A_252 = arith.constant 0 : i32
      %cond3A_253 = arith.cmpi ne, %convert_element_type3A_251, %cond3A_252 : i32
      scf.if %cond3A_253 {
        %dma_wait3A_275 = arith.constant 0 : i32
        %dma_wait3A_276 = tpu.memref_slice %arg7[%scan3A_237, %dma_wait3A_275] : memref<48x128xi32, #tpu.memory_space<vmem>> -> memref<1x128xi32, #tpu.memory_space<vmem>>
        %dma_wait3A_277 = tpu.memref_squeeze %dma_wait3A_276 : memref<1x128xi32, #tpu.memory_space<vmem>> -> memref<128xi32, #tpu.memory_space<vmem>>
        %dma_wait3A_278 = arith.constant 0 : i32
        %dma_wait3A_279 = arith.constant 0 : i32
        %dma_wait3A_280 = tpu.memref_slice %arg11[%dma_wait3A_278, %dma_wait3A_279] : memref<5120x128xf32, #tpu.memory_space<vmem_shared>> -> memref<5120x128xf32, #tpu.memory_space<vmem_shared>>
        tpu.wait_indirect_dma semaphore(%arg16 : memref<!tpu.dma_semaphore, #tpu.memory_space<semaphore_mem>>) src(%dma_wait3A_280 : memref<5120x128xf32, #tpu.memory_space<vmem_shared>>) dst(%arg9 : memref<128x128xf32, #tpu.memory_space<vmem>>)
        %dma_start3A_281 = arith.constant 0 : i32
        %dma_start3A_282 = tpu.memref_slice %arg8[%scan3A_237, %dma_start3A_281] : memref<48x128xi32, #tpu.memory_space<vmem>> -> memref<1x128xi32, #tpu.memory_space<vmem>>
        %dma_start3A_283 = tpu.memref_squeeze %dma_start3A_282 : memref<1x128xi32, #tpu.memory_space<vmem>> -> memref<128xi32, #tpu.memory_space<vmem>>
        %dma_start3A_284 = arith.constant 0 : i32
        %dma_start3A_285 = arith.constant 0 : i32
        %dma_start3A_286 = tpu.memref_slice %arg12[%dma_start3A_284, %dma_start3A_285] : memref<5248x128xf32, #tpu.memory_space<vmem_shared>> -> memref<5248x128xf32, #tpu.memory_space<vmem_shared>>
        tpu.enqueue_indirect_dma source(%arg9 : memref<128x128xf32, #tpu.memory_space<vmem>>) target(%dma_start3A_286 : memref<5248x128xf32, #tpu.memory_space<vmem_shared>>) offsets(%dma_start3A_283 : memref<128xi32, #tpu.memory_space<vmem>>) semaphore(%arg18 : memref<!tpu.dma_semaphore, #tpu.memory_space<semaphore_mem>>) {add = true}
        %ge3A = arith.constant 1 : i32
        %ge3A_287 = arith.cmpi sge, %scan3A_237, %ge3A : i32
        %convert_element_type3A_288 = arith.extui %ge3A_287 : i1 to i32
        %cond3A_289 = arith.constant 0 : i32
        %cond3A_290 = arith.cmpi ne, %convert_element_type3A_288, %cond3A_289 : i32
        scf.if %cond3A_290 {
          %sub3A = arith.constant 1 : i32
          %sub3A_298 = arith.subi %scan3A_237, %sub3A : i32
          %dma_wait3A_299 = arith.constant 0 : i32
          %dma_wait3A_300 = tpu.memref_slice %arg8[%sub3A_298, %dma_wait3A_299] : memref<48x128xi32, #tpu.memory_space<vmem>> -> memref<1x128xi32, #tpu.memory_space<vmem>>
          %dma_wait3A_301 = tpu.memref_squeeze %dma_wait3A_300 : memref<1x128xi32, #tpu.memory_space<vmem>> -> memref<128xi32, #tpu.memory_space<vmem>>
          %dma_wait3A_302 = arith.constant 0 : i32
          %dma_wait3A_303 = arith.constant 0 : i32
          %dma_wait3A_304 = tpu.memref_slice %arg12[%dma_wait3A_302, %dma_wait3A_303] : memref<5248x128xf32, #tpu.memory_space<vmem_shared>> -> memref<5248x128xf32, #tpu.memory_space<vmem_shared>>
          tpu.wait_indirect_dma semaphore(%arg19 : memref<!tpu.dma_semaphore, #tpu.memory_space<semaphore_mem>>) src(%arg10 : memref<128x128xf32, #tpu.memory_space<vmem>>) dst(%dma_wait3A_304 : memref<5248x128xf32, #tpu.memory_space<vmem_shared>>)
        } else {
        }
        %add3A_291 = arith.constant 1 : i32
        %add3A_292 = arith.addi %scan3A_237, %add3A_291 : i32
        %lt3A_293 = arith.constant 48 : i32
        %lt3A_294 = arith.cmpi slt, %add3A_292, %lt3A_293 : i32
        %convert_element_type3A_295 = arith.extui %lt3A_294 : i1 to i32
        %cond3A_296 = arith.constant 0 : i32
        %cond3A_297 = arith.cmpi ne, %convert_element_type3A_295, %cond3A_296 : i32
        scf.if %cond3A_297 {
          %add3A_298 = arith.constant 1 : i32
          %add3A_299 = arith.addi %scan3A_237, %add3A_298 : i32
          %dma_start3A_300 = arith.constant 0 : i32
          %dma_start3A_301 = tpu.memref_slice %arg7[%add3A_299, %dma_start3A_300] : memref<48x128xi32, #tpu.memory_space<vmem>> -> memref<1x128xi32, #tpu.memory_space<vmem>>
          %dma_start3A_302 = tpu.memref_squeeze %dma_start3A_301 : memref<1x128xi32, #tpu.memory_space<vmem>> -> memref<128xi32, #tpu.memory_space<vmem>>
          %dma_start3A_303 = arith.constant 0 : i32
          %dma_start3A_304 = arith.constant 0 : i32
          %dma_start3A_305 = tpu.memref_slice %arg11[%dma_start3A_303, %dma_start3A_304] : memref<5120x128xf32, #tpu.memory_space<vmem_shared>> -> memref<5120x128xf32, #tpu.memory_space<vmem_shared>>
          tpu.enqueue_indirect_dma source(%dma_start3A_305 : memref<5120x128xf32, #tpu.memory_space<vmem_shared>>) target(%arg10 : memref<128x128xf32, #tpu.memory_space<vmem>>) offsets(%dma_start3A_302 : memref<128xi32, #tpu.memory_space<vmem>>) semaphore(%arg17 : memref<!tpu.dma_semaphore, #tpu.memory_space<semaphore_mem>>)
        } else {
        }
      } else {
      }
      %jit3A_254 = arith.constant 2 : i32
      %eq3A_255 = arith.constant 0 : i32
      %eq3A_256 = arith.cmpi eq, %jit3A_254, %eq3A_255 : i32
      %jit3A_257 = arith.constant 1 : i32
      %select_n3A_258 = arith.select %eq3A_256, %jit3A_257, %jit3A_254 : i32
      %rem3A_259 = arith.remsi %scan3A_237, %select_n3A_258 : i32
      %ne3A_260 = arith.constant 0 : i32
      %ne3A_261 = arith.cmpi ne, %rem3A_259, %ne3A_260 : i32
      %lt3A_262 = arith.constant 0 : i32
      %lt3A_263 = arith.cmpi slt, %rem3A_259, %lt3A_262 : i32
      %lt3A_264 = arith.constant 0 : i32
      %lt3A_265 = arith.cmpi slt, %select_n3A_258, %lt3A_264 : i32
      %ne3A_266 = arith.xori %lt3A_263, %lt3A_265 : i1
      %and3A_267 = arith.andi %ne3A_266, %ne3A_261 : i1
      %add3A_268 = arith.addi %rem3A_259, %select_n3A_258 : i32
      %select_n3A_269 = arith.select %and3A_267, %add3A_268, %rem3A_259 : i32
      %eq3A_270 = arith.constant 1 : i32
      %eq3A_271 = arith.cmpi eq, %select_n3A_269, %eq3A_270 : i32
      %convert_element_type3A_272 = arith.extui %eq3A_271 : i1 to i32
      %cond3A_273 = arith.constant 0 : i32
      %cond3A_274 = arith.cmpi ne, %convert_element_type3A_272, %cond3A_273 : i32
      scf.if %cond3A_274 {
        %dma_wait3A_275 = arith.constant 0 : i32
        %dma_wait3A_276 = tpu.memref_slice %arg7[%scan3A_237, %dma_wait3A_275] : memref<48x128xi32, #tpu.memory_space<vmem>> -> memref<1x128xi32, #tpu.memory_space<vmem>>
        %dma_wait3A_277 = tpu.memref_squeeze %dma_wait3A_276 : memref<1x128xi32, #tpu.memory_space<vmem>> -> memref<128xi32, #tpu.memory_space<vmem>>
        %dma_wait3A_278 = arith.constant 0 : i32
        %dma_wait3A_279 = arith.constant 0 : i32
        %dma_wait3A_280 = tpu.memref_slice %arg11[%dma_wait3A_278, %dma_wait3A_279] : memref<5120x128xf32, #tpu.memory_space<vmem_shared>> -> memref<5120x128xf32, #tpu.memory_space<vmem_shared>>
        tpu.wait_indirect_dma semaphore(%arg17 : memref<!tpu.dma_semaphore, #tpu.memory_space<semaphore_mem>>) src(%dma_wait3A_280 : memref<5120x128xf32, #tpu.memory_space<vmem_shared>>) dst(%arg10 : memref<128x128xf32, #tpu.memory_space<vmem>>)
        %dma_start3A_281 = arith.constant 0 : i32
        %dma_start3A_282 = tpu.memref_slice %arg8[%scan3A_237, %dma_start3A_281] : memref<48x128xi32, #tpu.memory_space<vmem>> -> memref<1x128xi32, #tpu.memory_space<vmem>>
        %dma_start3A_283 = tpu.memref_squeeze %dma_start3A_282 : memref<1x128xi32, #tpu.memory_space<vmem>> -> memref<128xi32, #tpu.memory_space<vmem>>
        %dma_start3A_284 = arith.constant 0 : i32
        %dma_start3A_285 = arith.constant 0 : i32
        %dma_start3A_286 = tpu.memref_slice %arg12[%dma_start3A_284, %dma_start3A_285] : memref<5248x128xf32, #tpu.memory_space<vmem_shared>> -> memref<5248x128xf32, #tpu.memory_space<vmem_shared>>
        tpu.enqueue_indirect_dma source(%arg10 : memref<128x128xf32, #tpu.memory_space<vmem>>) target(%dma_start3A_286 : memref<5248x128xf32, #tpu.memory_space<vmem_shared>>) offsets(%dma_start3A_283 : memref<128xi32, #tpu.memory_space<vmem>>) semaphore(%arg19 : memref<!tpu.dma_semaphore, #tpu.memory_space<semaphore_mem>>) {add = true}
        %ge3A = arith.constant 1 : i32
        %ge3A_287 = arith.cmpi sge, %scan3A_237, %ge3A : i32
        %convert_element_type3A_288 = arith.extui %ge3A_287 : i1 to i32
        %cond3A_289 = arith.constant 0 : i32
        %cond3A_290 = arith.cmpi ne, %convert_element_type3A_288, %cond3A_289 : i32
        scf.if %cond3A_290 {
          %sub3A = arith.constant 1 : i32
          %sub3A_298 = arith.subi %scan3A_237, %sub3A : i32
          %dma_wait3A_299 = arith.constant 0 : i32
          %dma_wait3A_300 = tpu.memref_slice %arg8[%sub3A_298, %dma_wait3A_299] : memref<48x128xi32, #tpu.memory_space<vmem>> -> memref<1x128xi32, #tpu.memory_space<vmem>>
          %dma_wait3A_301 = tpu.memref_squeeze %dma_wait3A_300 : memref<1x128xi32, #tpu.memory_space<vmem>> -> memref<128xi32, #tpu.memory_space<vmem>>
          %dma_wait3A_302 = arith.constant 0 : i32
          %dma_wait3A_303 = arith.constant 0 : i32
          %dma_wait3A_304 = tpu.memref_slice %arg12[%dma_wait3A_302, %dma_wait3A_303] : memref<5248x128xf32, #tpu.memory_space<vmem_shared>> -> memref<5248x128xf32, #tpu.memory_space<vmem_shared>>
          tpu.wait_indirect_dma semaphore(%arg18 : memref<!tpu.dma_semaphore, #tpu.memory_space<semaphore_mem>>) src(%arg9 : memref<128x128xf32, #tpu.memory_space<vmem>>) dst(%dma_wait3A_304 : memref<5248x128xf32, #tpu.memory_space<vmem_shared>>)
        } else {
        }
        %add3A_291 = arith.constant 1 : i32
        %add3A_292 = arith.addi %scan3A_237, %add3A_291 : i32
        %lt3A_293 = arith.constant 48 : i32
        %lt3A_294 = arith.cmpi slt, %add3A_292, %lt3A_293 : i32
        %convert_element_type3A_295 = arith.extui %lt3A_294 : i1 to i32
        %cond3A_296 = arith.constant 0 : i32
        %cond3A_297 = arith.cmpi ne, %convert_element_type3A_295, %cond3A_296 : i32
        scf.if %cond3A_297 {
          %add3A_298 = arith.constant 1 : i32
          %add3A_299 = arith.addi %scan3A_237, %add3A_298 : i32
          %dma_start3A_300 = arith.constant 0 : i32
          %dma_start3A_301 = tpu.memref_slice %arg7[%add3A_299, %dma_start3A_300] : memref<48x128xi32, #tpu.memory_space<vmem>> -> memref<1x128xi32, #tpu.memory_space<vmem>>
          %dma_start3A_302 = tpu.memref_squeeze %dma_start3A_301 : memref<1x128xi32, #tpu.memory_space<vmem>> -> memref<128xi32, #tpu.memory_space<vmem>>
          %dma_start3A_303 = arith.constant 0 : i32
          %dma_start3A_304 = arith.constant 0 : i32
          %dma_start3A_305 = tpu.memref_slice %arg11[%dma_start3A_303, %dma_start3A_304] : memref<5120x128xf32, #tpu.memory_space<vmem_shared>> -> memref<5120x128xf32, #tpu.memory_space<vmem_shared>>
          tpu.enqueue_indirect_dma source(%dma_start3A_305 : memref<5120x128xf32, #tpu.memory_space<vmem_shared>>) target(%arg9 : memref<128x128xf32, #tpu.memory_space<vmem>>) offsets(%dma_start3A_302 : memref<128xi32, #tpu.memory_space<vmem>>) semaphore(%arg16 : memref<!tpu.dma_semaphore, #tpu.memory_space<semaphore_mem>>)
        } else {
        }
      } else {
      }
    }
    %scan3A_221 = arith.constant 48 : i32
    %dma_wait3A_222 = arith.constant 47 : i32
    %dma_wait3A_223 = arith.constant 0 : i32
    %dma_wait3A_224 = tpu.memref_slice %arg8[%dma_wait3A_222, %dma_wait3A_223] : memref<48x128xi32, #tpu.memory_space<vmem>> -> memref<1x128xi32, #tpu.memory_space<vmem>>
    %dma_wait3A_225 = tpu.memref_squeeze %dma_wait3A_224 : memref<1x128xi32, #tpu.memory_space<vmem>> -> memref<128xi32, #tpu.memory_space<vmem>>
    %dma_wait3A_226 = arith.constant 0 : i32
    %dma_wait3A_227 = arith.constant 0 : i32
    %dma_wait3A_228 = tpu.memref_slice %arg12[%dma_wait3A_226, %dma_wait3A_227] : memref<5248x128xf32, #tpu.memory_space<vmem_shared>> -> memref<5248x128xf32, #tpu.memory_space<vmem_shared>>
    tpu.wait_indirect_dma semaphore(%arg19 : memref<!tpu.dma_semaphore, #tpu.memory_space<semaphore_mem>>) src(%arg10 : memref<128x128xf32, #tpu.memory_space<vmem>>) dst(%dma_wait3A_228 : memref<5248x128xf32, #tpu.memory_space<vmem_shared>>)
    %barrier3A_229 = arith.constant 0 : index
    tpu.barrier barrier_id(%barrier3A_229)
    %mul3A_230 = arith.constant 5248 : i32
    %mul3A_231 = arith.muli %add3A_129, %mul3A_230 : i32
    %mul3A_232 = arith.constant 328 : i32
    %mul3A_233 = arith.muli %arg1, %mul3A_232 : i32
    %add3A_234 = arith.addi %mul3A_231, %mul3A_233 : i32
    %mul3A_235 = arith.constant 328 : i32
    %mul3A_236 = arith.muli %arg1, %mul3A_235 : i32
    "tpu.region"() ({
      %run_scoped3A = tpu.sem_alloc : memref<!tpu.dma_semaphore, #tpu.memory_space<semaphore_mem>>
      %dma_start3A_237 = arith.constant 0 : i32
      %dma_start3A_238 = tpu.memref_slice %arg6[%add3A_234, %dma_start3A_237] : memref<20992x128xf32, #tpu.memory_space<hbm>> -> memref<328x128xf32, #tpu.memory_space<hbm>>
      %dma_start3A_239 = arith.constant 0 : i32
      %dma_start3A_240 = tpu.memref_slice %arg12[%mul3A_236, %dma_start3A_239] : memref<5248x128xf32, #tpu.memory_space<vmem_shared>> -> memref<328x128xf32, #tpu.memory_space<vmem_shared>>
      tpu.enqueue_dma source(%dma_start3A_240 : memref<328x128xf32, #tpu.memory_space<vmem_shared>>) target(%dma_start3A_238 : memref<328x128xf32, #tpu.memory_space<hbm>>) target_semaphore(%run_scoped3A : memref<!tpu.dma_semaphore, #tpu.memory_space<semaphore_mem>>)
      %dma_wait3A_241 = arith.constant 0 : i32
      %dma_wait3A_242 = tpu.memref_slice %arg6[%add3A_234, %dma_wait3A_241] : memref<20992x128xf32, #tpu.memory_space<hbm>> -> memref<328x128xf32, #tpu.memory_space<hbm>>
      %dma_wait3A_243 = arith.constant 0 : i32
      %dma_wait3A_244 = tpu.memref_slice %arg12[%mul3A_236, %dma_wait3A_243] : memref<5248x128xf32, #tpu.memory_space<vmem_shared>> -> memref<328x128xf32, #tpu.memory_space<vmem_shared>>
      tpu.wait_dma2 semaphore(%run_scoped3A : memref<!tpu.dma_semaphore, #tpu.memory_space<semaphore_mem>>) src(%dma_wait3A_244 : memref<328x128xf32, #tpu.memory_space<vmem_shared>>) dst(%dma_wait3A_242 : memref<328x128xf32, #tpu.memory_space<hbm>>)
      tpu.yield
    }) : () -> ()
    return
  }
}

module attributes {stable_mosaic.version = 14 : i64} {
  func.func @_lin_body(%arg0: i32, %arg1: memref<1000x128xf32, #tpu.memory_space<vmem>>, %arg2: memref<128x128xf32, #tpu.memory_space<vmem>>, %arg3: memref<1x128xf32, #tpu.memory_space<vmem>>, %arg4: memref<1000x128xf32, #tpu.memory_space<vmem>>) attributes {dimension_semantics = [#tpu.dimension_semantics<arbitrary>], iteration_bounds = array<i64: 10>, scalar_prefetch = 0 : i64, scratch_operands = 0 : i64, tpu.core_type = #tpu.core_type<tc>, window_params = [{transform_indices = @transform_0, window_bounds = array<i64: 1000, 128>}, {pipeline_mode = #tpu.pipeline_mode<synchronous>, transform_indices = @transform_1, window_bounds = array<i64: 128, 128>}, {pipeline_mode = #tpu.pipeline_mode<synchronous>, transform_indices = @transform_2, window_bounds = array<i64: 1, 128>}, {transform_indices = @transform_3, window_bounds = array<i64: 1000, 128>}]} {
    %get3A = arith.constant 0 : index
    %get3A_0 = arith.constant 0 : index
    %get3A_1 = vector.load %arg1[%get3A, %get3A_0] : memref<1000x128xf32, #tpu.memory_space<vmem>>, vector<1000x128xf32>
    %get3A_2 = arith.constant 0 : index
    %get3A_3 = arith.constant 0 : index
    %get3A_4 = vector.load %arg2[%get3A_2, %get3A_3] : memref<128x128xf32, #tpu.memory_space<vmem>>, vector<128x128xf32>
    %dot_general3A = arith.constant dense<0.000000e+00> : vector<1000x128xf32>
    %dot_general3A_5 = tpu.matmul %get3A_1, %get3A_4, %dot_general3A {dimension_numbers = #tpu.dot_dimension_numbers<[1], [0], [0], [1], [0, 0, 1, 1], [], []>, transpose_lhs_hint = false} : vector<1000x128xf32>, vector<128x128xf32>, vector<1000x128xf32> -> vector<1000x128xf32>
    %get3A_6 = arith.constant 0 : index
    %get3A_7 = arith.constant 0 : index
    %get3A_8 = vector.load %arg3[%get3A_6, %get3A_7] : memref<1x128xf32, #tpu.memory_space<vmem>>, vector<1x128xf32>
    %add3A = vector.broadcast %get3A_8 : vector<1x128xf32> to vector<1000x128xf32>
    %add3A_9 = arith.addf %dot_general3A_5, %add3A : vector<1000x128xf32>
    %swap3A = arith.constant 0 : index
    %swap3A_10 = arith.constant 0 : index
    %swap3A_11 = vector.load %arg4[%swap3A, %swap3A_10] : memref<1000x128xf32, #tpu.memory_space<vmem>>, vector<1000x128xf32>
    tpu.vector_store %arg4[%swap3A, %swap3A_10], %add3A_9 {strides = array<i32>} : memref<1000x128xf32, #tpu.memory_space<vmem>>, vector<1000x128xf32>,
    return
  }
  func.func @transform_0(%arg0: i32) -> (i32, i32) {
    %c0_i32 = arith.constant 0 : i32
    %c0_i32_0 = arith.constant 0 : i32
    return %arg0, %c0_i32 : i32, i32
  }
  func.func @transform_1(%arg0: i32) -> (i32, i32) {
    %c0_i32 = arith.constant 0 : i32
    %c0_i32_0 = arith.constant 0 : i32
    %c0_i32_1 = arith.constant 0 : i32
    return %c0_i32, %c0_i32_0 : i32, i32
  }
  func.func @transform_2(%arg0: i32) -> (i32, i32) {
    %c0_i32 = arith.constant 0 : i32
    %c0_i32_0 = arith.constant 0 : i32
    %c0_i32_1 = arith.constant 0 : i32
    return %c0_i32, %c0_i32_0 : i32, i32
  }
  func.func @transform_3(%arg0: i32) -> (i32, i32) {
    %c0_i32 = arith.constant 0 : i32
    %c0_i32_0 = arith.constant 0 : i32
    return %arg0, %c0_i32 : i32, i32
  }
}

module attributes {stable_mosaic.version = 14 : i64} {
  func.func @_mlp_body(%arg0: i32, %arg1: memref<1000x128xf32, #tpu.memory_space<vmem>>, %arg2: memref<2x1x1000x128xf32, #tpu.memory_space<vmem>>, %arg3: memref<128x128xf32, #tpu.memory_space<vmem>>, %arg4: memref<1x128xf32, #tpu.memory_space<vmem>>, %arg5: memref<128x128xf32, #tpu.memory_space<vmem>>, %arg6: memref<1x128xf32, #tpu.memory_space<vmem>>, %arg7: memref<1000x128xf32, #tpu.memory_space<vmem>>, %arg8: memref<2x128xf32, #tpu.memory_space<vmem>>, %arg9: memref<2x128xf32, #tpu.memory_space<vmem>>) attributes {dimension_semantics = [#tpu.dimension_semantics<arbitrary>], iteration_bounds = array<i64: 10>, scalar_prefetch = 0 : i64, scratch_operands = 1 : i64, tpu.core_type = #tpu.core_type<tc>, window_params = [{transform_indices = @transform_0, window_bounds = array<i64: 1000, 128>}, {transform_indices = @transform_1, window_bounds = array<i64: 2, 1, 1000, 128>}, {pipeline_mode = #tpu.pipeline_mode<synchronous>, transform_indices = @transform_2, window_bounds = array<i64: 128, 128>}, {pipeline_mode = #tpu.pipeline_mode<synchronous>, transform_indices = @transform_3, window_bounds = array<i64: 1, 128>}, {pipeline_mode = #tpu.pipeline_mode<synchronous>, transform_indices = @transform_4, window_bounds = array<i64: 128, 128>}, {pipeline_mode = #tpu.pipeline_mode<synchronous>, transform_indices = @transform_5, window_bounds = array<i64: 1, 128>}, {transform_indices = @transform_6, window_bounds = array<i64: 1000, 128>}, {pipeline_mode = #tpu.pipeline_mode<synchronous>, transform_indices = @transform_7, window_bounds = array<i64: 2, 128>}]} {
    %get3A = arith.constant 0 : index
    %get3A_0 = arith.constant 0 : index
    %get3A_1 = vector.load %arg1[%get3A, %get3A_0] : memref<1000x128xf32, #tpu.memory_space<vmem>>, vector<1000x128xf32>
    %get3A_2 = arith.constant 0 : index
    %get3A_3 = arith.constant 0 : index
    %get3A_4 = arith.constant 0 : index
    %get3A_5 = arith.constant 0 : index
    %get3A_6 = vector.load %arg2[%get3A_2, %get3A_3, %get3A_4, %get3A_5] : memref<2x1x1000x128xf32, #tpu.memory_space<vmem>>, vector<1x1x1000x128xf32>
    %get3A_7 = vector.shape_cast %get3A_6 : vector<1x1x1000x128xf32> to vector<1000x128xf32>
    %add3A = arith.addf %get3A_1, %get3A_7 : vector<1000x128xf32>
    %get3A_8 = arith.constant 1 : index
    %get3A_9 = arith.constant 0 : index
    %get3A_10 = arith.constant 0 : index
    %get3A_11 = arith.constant 0 : index
    %get3A_12 = vector.load %arg2[%get3A_8, %get3A_9, %get3A_10, %get3A_11] : memref<2x1x1000x128xf32, #tpu.memory_space<vmem>>, vector<1x1x1000x128xf32>
    %get3A_13 = vector.shape_cast %get3A_12 : vector<1x1x1000x128xf32> to vector<1000x128xf32>
    %add3A_14 = arith.addf %add3A, %get3A_13 : vector<1000x128xf32>
    %get3A_15 = arith.constant 0 : index
    %get3A_16 = arith.constant 0 : index
    %get3A_17 = vector.load %arg3[%get3A_15, %get3A_16] : memref<128x128xf32, #tpu.memory_space<vmem>>, vector<128x128xf32>
    %dot_general3A = arith.constant dense<0.000000e+00> : vector<1000x128xf32>
    %dot_general3A_18 = tpu.matmul %add3A_14, %get3A_17, %dot_general3A {dimension_numbers = #tpu.dot_dimension_numbers<[1], [0], [0], [1], [0, 0, 1, 1], [], []>, transpose_lhs_hint = false} : vector<1000x128xf32>, vector<128x128xf32>, vector<1000x128xf32> -> vector<1000x128xf32>
    %get3A_19 = arith.constant 0 : index
    %get3A_20 = arith.constant 0 : index
    %get3A_21 = vector.load %arg4[%get3A_19, %get3A_20] : memref<1x128xf32, #tpu.memory_space<vmem>>, vector<1x128xf32>
    %add3A_22 = vector.broadcast %get3A_21 : vector<1x128xf32> to vector<1000x128xf32>
    %add3A_23 = arith.addf %dot_general3A_18, %add3A_22 : vector<1000x128xf32>
    %max3A = arith.constant 0.000000e+00 : f32
    %max3A_24 = vector.broadcast %max3A : f32 to vector<1000x128xf32>
    %max3A_25 = arith.maximumf %add3A_23, %max3A_24 : vector<1000x128xf32>
    %get3A_26 = arith.constant 0 : index
    %get3A_27 = arith.constant 0 : index
    %get3A_28 = vector.load %arg5[%get3A_26, %get3A_27] : memref<128x128xf32, #tpu.memory_space<vmem>>, vector<128x128xf32>
    %dot_general3A_29 = arith.constant dense<0.000000e+00> : vector<1000x128xf32>
    %dot_general3A_30 = tpu.matmul %max3A_25, %get3A_28, %dot_general3A_29 {dimension_numbers = #tpu.dot_dimension_numbers<[1], [0], [0], [1], [0, 0, 1, 1], [], []>, transpose_lhs_hint = false} : vector<1000x128xf32>, vector<128x128xf32>, vector<1000x128xf32> -> vector<1000x128xf32>
    %get3A_31 = arith.constant 0 : index
    %get3A_32 = arith.constant 0 : index
    %get3A_33 = vector.load %arg6[%get3A_31, %get3A_32] : memref<1x128xf32, #tpu.memory_space<vmem>>, vector<1x128xf32>
    %add3A_34 = vector.broadcast %get3A_33 : vector<1x128xf32> to vector<1000x128xf32>
    %add3A_35 = arith.addf %dot_general3A_30, %add3A_34 : vector<1000x128xf32>
    %max3A_36 = arith.constant 0.000000e+00 : f32
    %max3A_37 = vector.broadcast %max3A_36 : f32 to vector<1000x128xf32>
    %max3A_38 = arith.maximumf %add3A_35, %max3A_37 : vector<1000x128xf32>
    %swap3A = arith.constant 0 : index
    %swap3A_39 = arith.constant 0 : index
    %swap3A_40 = vector.load %arg7[%swap3A, %swap3A_39] : memref<1000x128xf32, #tpu.memory_space<vmem>>, vector<1000x128xf32>
    tpu.vector_store %arg7[%swap3A, %swap3A_39], %max3A_38 {strides = array<i32>} : memref<1000x128xf32, #tpu.memory_space<vmem>>, vector<1000x128xf32>,
    %eq3A = arith.constant 0 : i32
    %eq3A_41 = arith.cmpi eq, %arg0, %eq3A : i32
    %convert_element_type3A = arith.extui %eq3A_41 : i1 to i32
    %cond3A = arith.constant 0 : i32
    %cond3A_42 = arith.cmpi ne, %convert_element_type3A, %cond3A : i32
    scf.if %cond3A_42 {
      %broadcast_in_dim3A_67 = arith.constant 0.000000e+00 : f32
      %broadcast_in_dim3A_68 = vector.broadcast %broadcast_in_dim3A_67 : f32 to vector<2x128xf32>
      %swap3A_69 = arith.constant 0 : index
      %swap3A_70 = arith.constant 0 : index
      %swap3A_71 = vector.load %arg9[%swap3A_69, %swap3A_70] : memref<2x128xf32, #tpu.memory_space<vmem>>, vector<2x128xf32>
      tpu.vector_store %arg9[%swap3A_69, %swap3A_70], %broadcast_in_dim3A_68 {strides = array<i32>} : memref<2x128xf32, #tpu.memory_space<vmem>>, vector<2x128xf32>,
    } else {
    }
    %get3A_43 = arith.constant 0 : index
    %get3A_44 = arith.constant 0 : index
    %get3A_45 = vector.load %arg9[%get3A_43, %get3A_44] : memref<2x128xf32, #tpu.memory_space<vmem>>, vector<1x128xf32>
    %reduce_sum3A = arith.constant dense<0.000000e+00> : vector<128xf32>
    %reduce_sum3A_46 = vector.multi_reduction <add>, %max3A_38, %reduce_sum3A [0] : vector<1000x128xf32> to vector<128xf32>
    %broadcast_in_dim3A = vector.shape_cast %reduce_sum3A_46 : vector<128xf32> to vector<1x128xf32>
    %add3A_47 = arith.addf %get3A_45, %broadcast_in_dim3A : vector<1x128xf32>
    %swap3A_48 = arith.constant 0 : index
    %swap3A_49 = arith.constant 0 : index
    %swap3A_50 = vector.load %arg9[%swap3A_48, %swap3A_49] : memref<2x128xf32, #tpu.memory_space<vmem>>, vector<1x128xf32>
    tpu.vector_store %arg9[%swap3A_48, %swap3A_49], %add3A_47 {strides = array<i32>} : memref<2x128xf32, #tpu.memory_space<vmem>>, vector<1x128xf32>,
    %get3A_51 = arith.constant 1 : index
    %get3A_52 = arith.constant 0 : index
    %get3A_53 = vector.load %arg9[%get3A_51, %get3A_52] : memref<2x128xf32, #tpu.memory_space<vmem>>, vector<1x128xf32>
    %mul3A = arith.mulf %max3A_38, %max3A_38 : vector<1000x128xf32>
    %reduce_sum3A_54 = arith.constant dense<0.000000e+00> : vector<128xf32>
    %reduce_sum3A_55 = vector.multi_reduction <add>, %mul3A, %reduce_sum3A_54 [0] : vector<1000x128xf32> to vector<128xf32>
    %broadcast_in_dim3A_56 = vector.shape_cast %reduce_sum3A_55 : vector<128xf32> to vector<1x128xf32>
    %add3A_57 = arith.addf %get3A_53, %broadcast_in_dim3A_56 : vector<1x128xf32>
    %swap3A_58 = arith.constant 1 : index
    %swap3A_59 = arith.constant 0 : index
    %swap3A_60 = vector.load %arg9[%swap3A_58, %swap3A_59] : memref<2x128xf32, #tpu.memory_space<vmem>>, vector<1x128xf32>
    tpu.vector_store %arg9[%swap3A_58, %swap3A_59], %add3A_57 {strides = array<i32>} : memref<2x128xf32, #tpu.memory_space<vmem>>, vector<1x128xf32>,
    %get3A_61 = arith.constant 0 : index
    %get3A_62 = arith.constant 0 : index
    %get3A_63 = vector.load %arg9[%get3A_61, %get3A_62] : memref<2x128xf32, #tpu.memory_space<vmem>>, vector<2x128xf32>
    %swap3A_64 = arith.constant 0 : index
    %swap3A_65 = arith.constant 0 : index
    %swap3A_66 = vector.load %arg8[%swap3A_64, %swap3A_65] : memref<2x128xf32, #tpu.memory_space<vmem>>, vector<2x128xf32>
    tpu.vector_store %arg8[%swap3A_64, %swap3A_65], %get3A_63 {strides = array<i32>} : memref<2x128xf32, #tpu.memory_space<vmem>>, vector<2x128xf32>,
    return
  }
  func.func @transform_0(%arg0: i32) -> (i32, i32) {
    %c0_i32 = arith.constant 0 : i32
    %c0_i32_0 = arith.constant 0 : i32
    return %arg0, %c0_i32 : i32, i32
  }
  func.func @transform_1(%arg0: i32) -> (i32, i32, i32, i32) {
    %jit3A = arith.constant 5 : i32
    %div3A = arith.divsi %arg0, %jit3A : i32
    %sign3A = arith.constant 0 : i32
    %sign3A_0 = arith.cmpi sgt, %arg0, %sign3A : i32
    %sign3A_1 = arith.extui %sign3A_0 : i1 to i32
    %sign3A_2 = arith.constant 0 : i32
    %sign3A_3 = arith.cmpi slt, %arg0, %sign3A_2 : i32
    %sign3A_4 = arith.extui %sign3A_3 : i1 to i32
    %sign3A_5 = arith.subi %sign3A_1, %sign3A_4 : i32
    %sign3A_6 = arith.constant 0 : i32
    %sign3A_7 = arith.cmpi sgt, %jit3A, %sign3A_6 : i32
    %sign3A_8 = arith.extui %sign3A_7 : i1 to i32
    %sign3A_9 = arith.constant 0 : i32
    %sign3A_10 = arith.cmpi slt, %jit3A, %sign3A_9 : i32
    %sign3A_11 = arith.extui %sign3A_10 : i1 to i32
    %sign3A_12 = arith.subi %sign3A_8, %sign3A_11 : i32
    %ne3A = arith.cmpi ne, %sign3A_5, %sign3A_12 : i32
    %rem3A = arith.remsi %arg0, %jit3A : i32
    %ne3A_13 = arith.constant 0 : i32
    %ne3A_14 = arith.cmpi ne, %rem3A, %ne3A_13 : i32
    %and3A = arith.andi %ne3A, %ne3A_14 : i1
    %sub3A = arith.constant 1 : i32
    %sub3A_15 = arith.subi %div3A, %sub3A : i32
    %select_n3A = arith.select %and3A, %sub3A_15, %div3A : i32
    %jit3A_16 = arith.constant 5 : i32
    %eq3A = arith.constant 0 : i32
    %eq3A_17 = arith.cmpi eq, %jit3A_16, %eq3A : i32
    %jit3A_18 = arith.constant 1 : i32
    %select_n3A_19 = arith.select %eq3A_17, %jit3A_18, %jit3A_16 : i32
    %rem3A_20 = arith.remsi %arg0, %select_n3A_19 : i32
    %ne3A_21 = arith.constant 0 : i32
    %ne3A_22 = arith.cmpi ne, %rem3A_20, %ne3A_21 : i32
    %lt3A = arith.constant 0 : i32
    %lt3A_23 = arith.cmpi slt, %rem3A_20, %lt3A : i32
    %lt3A_24 = arith.constant 0 : i32
    %lt3A_25 = arith.cmpi slt, %select_n3A_19, %lt3A_24 : i32
    %ne3A_26 = arith.xori %lt3A_23, %lt3A_25 : i1
    %and3A_27 = arith.andi %ne3A_26, %ne3A_22 : i1
    %add3A = arith.addi %rem3A_20, %select_n3A_19 : i32
    %select_n3A_28 = arith.select %and3A_27, %add3A, %rem3A_20 : i32
    %c0_i32 = arith.constant 0 : i32
    %c0_i32_29 = arith.constant 0 : i32
    %c0_i32_30 = arith.constant 0 : i32
    return %c0_i32, %select_n3A, %select_n3A_28, %c0_i32_29 : i32, i32, i32, i32
  }
  func.func @transform_2(%arg0: i32) -> (i32, i32) {
    %c0_i32 = arith.constant 0 : i32
    %c0_i32_0 = arith.constant 0 : i32
    %c0_i32_1 = arith.constant 0 : i32
    return %c0_i32, %c0_i32_0 : i32, i32
  }
  func.func @transform_3(%arg0: i32) -> (i32, i32) {
    %c0_i32 = arith.constant 0 : i32
    %c0_i32_0 = arith.constant 0 : i32
    %c0_i32_1 = arith.constant 0 : i32
    return %c0_i32, %c0_i32_0 : i32, i32
  }
  func.func @transform_4(%arg0: i32) -> (i32, i32) {
    %c0_i32 = arith.constant 0 : i32
    %c0_i32_0 = arith.constant 0 : i32
    %c0_i32_1 = arith.constant 0 : i32
    return %c0_i32, %c0_i32_0 : i32, i32
  }
  func.func @transform_5(%arg0: i32) -> (i32, i32) {
    %c0_i32 = arith.constant 0 : i32
    %c0_i32_0 = arith.constant 0 : i32
    %c0_i32_1 = arith.constant 0 : i32
    return %c0_i32, %c0_i32_0 : i32, i32
  }
  func.func @transform_6(%arg0: i32) -> (i32, i32) {
    %c0_i32 = arith.constant 0 : i32
    %c0_i32_0 = arith.constant 0 : i32
    return %arg0, %c0_i32 : i32, i32
  }
  func.func @transform_7(%arg0: i32) -> (i32, i32) {
    %c0_i32 = arith.constant 0 : i32
    %c0_i32_0 = arith.constant 0 : i32
    %c0_i32_1 = arith.constant 0 : i32
    return %c0_i32, %c0_i32_0 : i32, i32
  }
}

module attributes {stable_mosaic.version = 14 : i64} {
  func.func @_bn_body(%arg0: i32, %arg1: memref<1000x128xf32, #tpu.memory_space<vmem>>, %arg2: memref<2x128xf32, #tpu.memory_space<vmem>>, %arg3: memref<1x128xf32, #tpu.memory_space<vmem>>, %arg4: memref<1x128xf32, #tpu.memory_space<vmem>>, %arg5: memref<1000x128xf32, #tpu.memory_space<vmem>>) attributes {dimension_semantics = [#tpu.dimension_semantics<arbitrary>], iteration_bounds = array<i64: 10>, scalar_prefetch = 0 : i64, scratch_operands = 0 : i64, tpu.core_type = #tpu.core_type<tc>, window_params = [{transform_indices = @transform_0, window_bounds = array<i64: 1000, 128>}, {pipeline_mode = #tpu.pipeline_mode<synchronous>, transform_indices = @transform_1, window_bounds = array<i64: 2, 128>}, {pipeline_mode = #tpu.pipeline_mode<synchronous>, transform_indices = @transform_2, window_bounds = array<i64: 1, 128>}, {pipeline_mode = #tpu.pipeline_mode<synchronous>, transform_indices = @transform_3, window_bounds = array<i64: 1, 128>}, {transform_indices = @transform_4, window_bounds = array<i64: 1000, 128>}]} {
    %get3A = arith.constant 0 : index
    %get3A_0 = arith.constant 0 : index
    %get3A_1 = vector.load %arg2[%get3A, %get3A_0] : memref<2x128xf32, #tpu.memory_space<vmem>>, vector<1x128xf32>
    %mul3A = arith.constant 9.99999974E-5 : f32
    %mul3A_2 = vector.broadcast %mul3A : f32 to vector<1x128xf32>
    %mul3A_3 = arith.mulf %get3A_1, %mul3A_2 : vector<1x128xf32>
    %get3A_4 = arith.constant 1 : index
    %get3A_5 = arith.constant 0 : index
    %get3A_6 = vector.load %arg2[%get3A_4, %get3A_5] : memref<2x128xf32, #tpu.memory_space<vmem>>, vector<1x128xf32>
    %mul3A_7 = arith.constant 9.99999974E-5 : f32
    %mul3A_8 = vector.broadcast %mul3A_7 : f32 to vector<1x128xf32>
    %mul3A_9 = arith.mulf %get3A_6, %mul3A_8 : vector<1x128xf32>
    %mul3A_10 = arith.mulf %mul3A_3, %mul3A_3 : vector<1x128xf32>
    %sub3A = arith.subf %mul3A_9, %mul3A_10 : vector<1x128xf32>
    %get3A_11 = arith.constant 0 : index
    %get3A_12 = arith.constant 0 : index
    %get3A_13 = vector.load %arg3[%get3A_11, %get3A_12] : memref<1x128xf32, #tpu.memory_space<vmem>>, vector<1x128xf32>
    %add3A = arith.constant 9.99999974E-6 : f32
    %add3A_14 = vector.broadcast %add3A : f32 to vector<1x128xf32>
    %add3A_15 = arith.addf %sub3A, %add3A_14 : vector<1x128xf32>
    %rsqrt3A = math.rsqrt %add3A_15 : vector<1x128xf32>
    %mul3A_16 = arith.mulf %get3A_13, %rsqrt3A : vector<1x128xf32>
    %get3A_17 = arith.constant 0 : index
    %get3A_18 = arith.constant 0 : index
    %get3A_19 = vector.load %arg1[%get3A_17, %get3A_18] : memref<1000x128xf32, #tpu.memory_space<vmem>>, vector<1000x128xf32>
    %sub3A_20 = vector.broadcast %mul3A_3 : vector<1x128xf32> to vector<1000x128xf32>
    %sub3A_21 = arith.subf %get3A_19, %sub3A_20 : vector<1000x128xf32>
    %mul3A_22 = vector.broadcast %mul3A_16 : vector<1x128xf32> to vector<1000x128xf32>
    %mul3A_23 = arith.mulf %sub3A_21, %mul3A_22 : vector<1000x128xf32>
    %get3A_24 = arith.constant 0 : index
    %get3A_25 = arith.constant 0 : index
    %get3A_26 = vector.load %arg4[%get3A_24, %get3A_25] : memref<1x128xf32, #tpu.memory_space<vmem>>, vector<1x128xf32>
    %add3A_27 = vector.broadcast %get3A_26 : vector<1x128xf32> to vector<1000x128xf32>
    %add3A_28 = arith.addf %mul3A_23, %add3A_27 : vector<1000x128xf32>
    %tanh3A = math.tanh %add3A_28 : vector<1000x128xf32>
    %swap3A = arith.constant 0 : index
    %swap3A_29 = arith.constant 0 : index
    %swap3A_30 = vector.load %arg5[%swap3A, %swap3A_29] : memref<1000x128xf32, #tpu.memory_space<vmem>>, vector<1000x128xf32>
    tpu.vector_store %arg5[%swap3A, %swap3A_29], %tanh3A {strides = array<i32>} : memref<1000x128xf32, #tpu.memory_space<vmem>>, vector<1000x128xf32>,
    return
  }
  func.func @transform_0(%arg0: i32) -> (i32, i32) {
    %c0_i32 = arith.constant 0 : i32
    %c0_i32_0 = arith.constant 0 : i32
    return %arg0, %c0_i32 : i32, i32
  }
  func.func @transform_1(%arg0: i32) -> (i32, i32) {
    %c0_i32 = arith.constant 0 : i32
    %c0_i32_0 = arith.constant 0 : i32
    %c0_i32_1 = arith.constant 0 : i32
    return %c0_i32, %c0_i32_0 : i32, i32
  }
  func.func @transform_2(%arg0: i32) -> (i32, i32) {
    %c0_i32 = arith.constant 0 : i32
    %c0_i32_0 = arith.constant 0 : i32
    %c0_i32_1 = arith.constant 0 : i32
    return %c0_i32, %c0_i32_0 : i32, i32
  }
  func.func @transform_3(%arg0: i32) -> (i32, i32) {
    %c0_i32 = arith.constant 0 : i32
    %c0_i32_0 = arith.constant 0 : i32
    %c0_i32_1 = arith.constant 0 : i32
    return %c0_i32, %c0_i32_0 : i32, i32
  }
  func.func @transform_4(%arg0: i32) -> (i32, i32) {
    %c0_i32 = arith.constant 0 : i32
    %c0_i32_0 = arith.constant 0 : i32
    return %arg0, %c0_i32 : i32, i32
  }
}

</mosaic_0001>

<sc_bundles>
// kernel: kernel.12.cloned.1.call-start
scs
__scs_entry_jumppad:
0x0: {  	(pc) =	sbr.rel $0x88, $3  }
0x1: {  	(tag) =	ssettag $0x0;
	lr =	simm.s32 $0x1  }
0x2: {  	[smem:$0x3F97] =	sst lr;
	_ =	strace $0xD0000000  }
0x3: {  	_ = 	snop  }
0x4: {  	_ = 	snop  }
0x5: {  	_ = 	snop  }
0x6: {  	_ = 	snop  }
0x7: {  	_ = 	snop  }
__scs_overlays_trampoline_lowered:
0x8: {  	[smem:$0x3FA6] =	sst s0  }
0x9: {  	[smem:$0x3FA7] =	sst s1  }
0xa: {  	[smem:$0x3FA8] =	sst s2  }
0xb: {  	[smem:$0x3FA9] =	sst s3  }
0xc: {  	[smem:$0x3FAA] =	sst s4  }
0xd: {  	[smem:$0x3FAB] =	sst s5  }
0xe: {  	[smem:$0x3FAC] =	sst s6  }
0xf: {  	[smem:$0x3FAD] =	sst s7  }
0x10: {  	[smem:$0x3FAE] =	sst s8  }
0x11: {  	[smem:$0x3FAF] =	sst s9;
	s0 =	simm.s32 @!p0 $0x0  }
0x12: {  	s1 =	sld [smem:$0x3F95];
	s0 =	simm.s32 @p0 $0x1  }
0x13: {  	[smem:$0x3FB0] =	sst s0;
	s0 =	simm.s32 @!p1 $0x0  }
0x14: {  	s2 =	sld [smem:$0x3F94];
	s0 =	simm.s32 @p1 $0x1  }
0x15: {  	[smem:$0x3FB1] =	sst s0;
	s0 =	simm.s32 @!p2 $0x0  }
0x16: {  	s3 =	sld [smem:$0x3FDB];
	s0 =	simm.s32 @p2 $0x1  }
0x17: {  	s4 =	simm.s32 $0x1BF5;
	[smem:$0x3FB3] =	sst s0  }
0x18: {  	s0 =	sld [smem:$0x3F96];
	_ =	swait.ge [sflag:s4], $0x0  }
0x19: {  	s7 =	sld [smem:$0x3F97]  }
0x1a: {  	s8 =	sadd.s32 $0xFFFFE003, lr  }
0x1b: {  	s9 =	sadd.s32 $0xFFFFFEF7, lr;
	s5 =	simm.s32 $0xFFFFFFFF;
	p2 =	slt.u32 s8, $0xFFFFF086  }
0x1c: {  	p1 =	slt.u32 s9, $0xF7A;
	s5 =	simm.s32 @!p2 $0x0  }
0x1d: {  	s5 =	simm.s32 @p1 $0x1;
	p0 =	seq.s32 s7, s2  }
0x1e: {  	s7 =	smul.u32 @!p0 $0xF7A, s2;
	p2 =	seq.s32 @!p0 s5, $0x0  }
0x1f: {  	s9 =	smul.u32 $0xF7A, s1;
	s8 =	simm.s32 @!p0 $0x1BF5;
	p2 =	por !p2, p0  }
0x20: {  	[sflag:s8] =	ssyncset.s32 @!p0 $0xFFFFF086;
	s6 =	sadd.s32 @!p0 s3, s7;
	s7 =	simm.s32 @!p0 $0x108  }
0x21: {  	s3 =	sadd.s32 s3, s9;
	s6 =	sadd.s32 @!p0 $0x88, s6;
	s7 =	simm.s32 @p2 $0x1082  }
0x22: {  	[simem:s7], [sflag:s8] =	dma.local @!p0 [hbm:s6], $0xF7A  }
0x23: {  	s9 =	sor.u32 $0xD0000000, s2;
	s6 =	simm.s32 $0x108;
	_ =	swait.ge @!p0 [sflag:s8], $0x0  }
0x24: {  	s3 =	sadd.s32 $0x88, s3;
	s6 =	simm.s32 @!p1 $0x1082;
	[sflag:s4] =	ssyncset.s32 $0xFFFFF086  }
0x25: {  	[simem:s6], [sflag:s4] =	dma.local [hbm:s3], $0xF7A  }
0x26: {  	[smem:$0x3F97] =	sst s1;
	(tag) =	ssettag s2;
	_ =	strace s9  }
0x27: {  	s1 =	sld [smem:$0x3FA7]  }
0x28: {  	s2 =	sld [smem:$0x3FA8]  }
0x29: {  	s4 =	sld [smem:$0x3FAA]  }
0x2a: {  	p0 =	seq.s32 s5, $0x0;
	s5 =	sld [smem:$0x3FAB]  }
0x2b: {  	s6 =	sld [smem:$0x3FAC]  }
0x2c: {  	s7 =	sld [smem:$0x3FAD]  }
0x2d: {  	s3 =	simm.s32 $0x108;
	s8 =	sld [smem:$0x3FAE]  }
0x2e: {  	s3 =	simm.s32 @!p0 $0x1082;
	s9 =	sld [smem:$0x3FAF]  }
0x2f: {  	lr =	sadd.s32 s0, s3;
	s0 =	sld [smem:$0x3FA6]  }
0x30: {  	s3 =	sld [smem:$0x3FA9]  }
0x31: {  	[smem:$0x3FB2] =	sst s10  }
0x32: {  	s10 =	sld [smem:$0x3FB0];
	_ =	sdelay $0x3  }
0x33: {  	p0 =	seq.s32 s10, $0x1;
	s10 =	sld [smem:$0x3FB2];
	_ =	sdelay $0x3  }
0x34: {  	[smem:$0x3FB2] =	sst s10  }
0x35: {  	s10 =	sld [smem:$0x3FB1];
	_ =	sdelay $0x3  }
0x36: {  	p1 =	seq.s32 s10, $0x1;
	s10 =	sld [smem:$0x3FB2];
	_ =	sdelay $0x3  }
0x37: {  	[smem:$0x3FB2] =	sst s10  }
0x38: {  	s10 =	sld [smem:$0x3FB3]  }
0x39: {  	_ = 	snop;
	(pc) =	sbr.ind lr, $3  }
0x3a: {  	_ = 	snop  }
0x3b: {  	_ = 	snop  }
0x3c: {  	p2 =	seq.s32 s10, $0x1;
	s10 =	sld [smem:$0x3FB2]  }
0x3d: {  	_ =	shalt  }
0x3e: {  	_ =	shalt  }
0x3f: {  	_ =	shalt  }
0x40: {  	_ =	shalt  }
0x41: {  	_ =	shalt  }
0x42: {  	_ =	shalt  }
0x43: {  	_ =	shalt  }
0x44: {  	_ =	shalt  }
0x45: {  	_ =	shalt  }
0x46: {  	_ =	shalt  }
0x47: {  	_ =	shalt  }
0x48: {  	_ =	shalt  }
0x49: {  	_ =	shalt  }
0x4a: {  	_ =	shalt  }
0x4b: {  	_ =	shalt  }
0x4c: {  	_ =	shalt  }
0x4d: {  	_ =	shalt  }
0x4e: {  	_ =	shalt  }
0x4f: {  	_ =	shalt  }
0x50: {  	_ =	shalt  }
0x51: {  	_ =	shalt  }
0x52: {  	_ =	shalt  }
0x53: {  	_ =	shalt  }
0x54: {  	_ =	shalt  }
0x55: {  	_ =	shalt  }
0x56: {  	_ =	shalt  }
0x57: {  	_ =	shalt  }
0x58: {  	_ =	shalt  }
0x59: {  	_ =	shalt  }
0x5a: {  	_ =	shalt  }
0x5b: {  	_ =	shalt  }
0x5c: {  	_ =	shalt  }
0x5d: {  	_ =	shalt  }
0x5e: {  	_ =	shalt  }
0x5f: {  	_ =	shalt  }
0x60: {  	_ =	shalt  }
0x61: {  	_ =	shalt  }
0x62: {  	_ =	shalt  }
0x63: {  	_ =	shalt  }
0x64: {  	_ =	shalt  }
0x65: {  	_ =	shalt  }
0x66: {  	_ =	shalt  }
0x67: {  	_ =	shalt  }
0x68: {  	_ =	shalt  }
0x69: {  	_ =	shalt  }
0x6a: {  	_ =	shalt  }
0x6b: {  	_ =	shalt  }
0x6c: {  	_ =	shalt  }
0x6d: {  	_ =	shalt  }
0x6e: {  	_ =	shalt  }
0x6f: {  	_ =	shalt  }
0x70: {  	_ =	shalt  }
0x71: {  	_ =	shalt  }
0x72: {  	_ =	shalt  }
0x73: {  	_ =	shalt  }
0x74: {  	_ =	shalt  }
0x75: {  	_ =	shalt  }
0x76: {  	_ =	shalt  }
0x77: {  	_ =	shalt  }
0x78: {  	_ =	shalt  }
0x79: {  	_ =	shalt  }
0x7a: {  	_ =	shalt  }
0x7b: {  	_ =	shalt  }
0x7c: {  	_ =	shalt  }
0x7d: {  	_ =	shalt  }
0x7e: {  	_ =	shalt  }
0x7f: {  	_ =	shalt  }
0x80: {  	_ =	shalt  }
0x81: {  	_ =	shalt  }
0x82: {  	_ =	shalt  }
0x83: {  	_ =	shalt  }
0x84: {  	_ =	shalt  }
0x85: {  	_ =	shalt  }
0x86: {  	_ =	shalt  }
0x87: {  	_ =	shalt  }
.Lfunc_end0:
.L_simem_size_0:
called_computation_lowered:
.L_overlay_start_0:
0x88: {  	s2 =	sld [smem:$0x3FD9]  }
0x89: {  	s3 =	sld [smem:$0x3FFE];
	_ =	sdelay $0x1  }
0x8a: {  	s1 =	srdreg.scid  }
0x8b: {  	s0 =	sand.u32 $0x1, s1  }
0x8c: {  	s14 =	sshll.u32 s0, $0xA;
	s2 =	sadd.s32 s3, s2  }
0x8d: {  	s2 =	sadd.s32 s2, s14  }
0x8e: {  	[smem:$0x3FBE] =	sst s2  }
0x8f: {  	_ = 	snop  }
0x90: {  	s2 =	sld [smem:$0x3FD0];
	_ =	sdelay $0x2  }
0x91: {  	s15 =	simm.s32 $0xA;
	s4 =	simm.s32 $0x10  }
0x92: {  	[smem:s4], [sflag:s15] =	dma.local [hbm:s2], $0x1  }
0x93: {  	_ =	swait.eq [sflag:s15], $0x1  }
0x94: {  	[sflag:s15] =	ssyncset.done $0x0  }
0x95: {  	s16 =	sld [smem:$0x10];
	[sflag:s15] =	ssyncadd.s32 $0xFFFFFFFF  }
0x96: {  	s17 =	sld [smem:$0x13];
	(tm) =	ssettm $0x1  }
0x97: {  	s18 =	sld [smem:$0x3FFB];
	_ =	sdelay $0x3  }
0x98: {  	_ =	strace s18  }
0x99: {  	s4 =	sld [smem:$0x3FFC];
	_ =	sdelay $0x3  }
0x9a: {  	_ =	strace s4  }
0x9b: {  	s4 =	sld [smem:$0x3FFD];
	_ =	sdelay $0x3  }
0x9c: {  	_ =	strace s4  }
0x9d: {  	_ =	strace $0x8FFFFFFF  }
0x9e: {  	s19 =	sld [smem:$0x3FDB];
	_ =	sdelay $0x1  }
0x9f: {  	s5 =	simm.s32 $_scs_section_size  }
0xa0: {  	s6 =	simm.s32 $_size__tile_overlayer_lowered;
	s7 =	simm.s32 $_tile_overlayer_lowered  }
0xa1: {  	s22 =	simm.s32 $0x1BFF;
	s21 =	sshll.u32 s7, $0x1;
	s4 =	sadd.s32 s5, s19  }
0xa2: {  	s8 =	simm.s32 $0x0;
	s20 =	sshll.u32 s6, $0x1;
	s6 =	sadd.s32 s21, s4  }
0xa3: {  	[timem:s8], [sflag:s22] =	dma.local [hbm:s6], s20  }
0xa4: {  	_ =	swait.ge [sflag:s22], s20  }
0xa5: {  	s5 =	ssub.s32 $0x0, s20;
	[sflag:s22] =	ssyncset.done $0x0  }
0xa6: {  	[sflag:s22] =	ssyncadd.s32 s5;
	_ =	sdelay $0x1  }
0xa7: {  	s23 =	simm.s32 $0x1B8B  }
0xa8: {  	_ =	swait.ge [sflag:s23], $0x1  }
0xa9: {  	[sflag:s23] =	ssyncset.done $0x0  }
0xaa: {  	s25 =	simm.s32 $0x1B8E;
	s24 =	sld [smem:$0x3FFE];
	[sflag:s23] =	ssyncadd.s32 $0xFFFFFFFF  }
0xab: {  	s26 =	simm.s32 $execute0_lowered;
	[smem:$0x3FD2] =	sst s25  }
0xac: {  	s6 =	sshll.u32 s26, $0x1;
	_ =	strace $0x80000046;
	[dreg:$0x1] =	wrdreg $0xFFFFFFFF  }
0xad: {  	s28 =	simm.s32 $_size_execute0_lowered;
	s4 =	sadd.s32 s4, s6;
	[dreg:$0x0] =	wrdreg $0x0  }
0xae: {  	s6 =	sshll.u32 s28, $0x1;
	[dreg:$0x2] =	wrdreg s4  }
0xaf: {  	[dreg:$0x3] =	wrdreg s6  }
0xb0: {  	[dreg:$0x4] =	wrdreg $0xC0  }
0xb1: {  	_ =	task [dreg:s8], $0x5FFFF  }
0xb2: {  	[dreg:$0x1] =	wrdreg $0xFFFFFFFF  }
0xb3: {  	[dreg:$0x0] =	wrdreg $0x60  }
0xb4: {  	[dreg:$0x2] =	wrdreg s17  }
0xb5: {  	[dreg:$0x3] =	wrdreg s16  }
0xb6: {  	[dreg:$0x4] =	wrdreg s24  }
0xb7: {  	[dreg:$0x5] =	wrdreg $0xB0000  }
0xb8: {  	[dreg:$0x6] =	wrdreg $0x150000  }
0xb9: {  	[dreg:$0x7] =	wrdreg $0x9  }
0xba: {  	_ =	task.clear_ibuf [dreg:s8], $0x8FFFF;
	_ =	strace $0x90000046  }
0xbb: {  	s29 =	simm.s32 $0x9;
	_ =	strace $0x80000048  }
0xbc: {  	_ =	swait.ge [sflag:s29], $0x1  }
0xbd: {  	[sflag:s29] =	ssyncadd.s32 $0xFFFFFFFF  }
0xbe: {  	_ =	strace $0x90000048  }
0xbf: {  	_ =	sfence  }
0xc0: {  	s30 =	sld [smem:$0x0];
	_ =	sdelay $0x2  }
0xc1: {  	s31 =	sshll.u32 s1, $0xD;
	s1 =	sshrl.u32 s1, $0x2  }
0xc2: {  	s3 =	sand.u32 $0x4000, s31;
	s1 =	sadd.s32 s1, s30  }
0xc3: {  	s0 =	sor.u32 s3, s0;
	s1 =	sshll.u32 s1, $0x11  }
0xc4: {  	s0 =	sor.u32 s1, s0  }
0xc5: {  	s0 =	sadd.s32 $0x8F2B, s0  }
0xc6: {  	[sflag:s0] =	ssyncadd.remote.s32 $0x1  }
0xc7: {  	_ =	sfence.sel $0xFFFF  }
0xc8: {  	[dreg:$0x0] =	wrdreg $0xFFFFFFFF;
	(pc) =	sbr.abs _section_cstart, $3  }
0xc9: {  	[dreg:$0x1] =	wrdreg $0xFFFFFFFF  }
0xca: {  	_ =	task.clear_ibuf [dreg:s8], $0x2FFFF;
	_ =	strace $0x9FFFFFFF  }
0xcb: {  	(tm) =	ssettm $0x7FFFFFFF  }
tec
execute0_lowered:
.L_overlay_start_1:
0x0: {  	(tag) =	ssettag $0x1  }
0x1: {  	s0 =	rddreg [dreg:$0x0]  }
0x2: {  	s3 =	rddreg [dreg:$0x1]  }
0x3: {  	s6 =	rddreg [dreg:$0x2]  }
0x4: {  	s1 =	rddreg [dreg:$0x3]  }
0x5: {  	s2 =	rddreg [dreg:$0x4];
	s4 =	simm.s32 $0x0;
	s20 =	stileid.u32  }
0x6: {  	s5 =	srdreg.scid;
	s28 =	simm.s32 $0x5;
	s10 =	smul.u32 $0x138, s20  }
0x7: {  	s29 =	simm.s32 $0x6;
	s30 =	simm.s32 $0x7;
	s12 =	smul.u32 $0x27000, s20  }
0x8: {  	s31 =	simm.s32 $0x8;
	[smem:$0x7FF] =	sst s4;
	s14 =	smul.u32 $0x148, s20  }
0x9: {  	s7 =	sand.u32 $0x1, s5;
	s9 =	sadd.s32 $0x3600, s6;
	s18 =	smul.u32 $0x29000, s20  }
0xa: {  	s5 =	sadd.s32 $0xF600, s6;
	s13 =	sadd.s32 $0x10C00, s6;
	s8 =	smul.u32 $0x1388, s7  }
0xb: {  	p0 =	seq.s32 s20, $0xF;
	s11 =	ssub.s32 $0x2, s7;
	s21 =	smul.u32 $0x6000, s7  }
0xc: {  	_ =	strace $0x80000047;
	s22 =	smul.u32 $0x2900, s7;
	s16 =	sshrl.u32 s11, $0x1  }
0xd: {  	s7 =	sshllo.u32 s7, $0x1;
	s19 =	sshrl.u32 s12, $0x2;
	s11 =	ssub.s32 s11, s16  }
0xe: {  	s17 =	sadd.s32 s10, s8;
	s15 =	sadd.s32 s19, s1;
	s8 =	sshrl.u32 s18, $0x2  }
0xf: {  	s16 =	sadd.s32 $0x92400, s1;
	s18 =	sadd.s32 s3, s21;
	s10 =	sadd.s32 s14, s22  }
0x10: {  	s19 =	sadd.s32 s9, s21;
	s21 =	simm.s32 $0x80;
	s22 =	simm.s32 $0x3000  }
0x11: {  	s6 =	sshll.u32 s17, $0x4;
	s8 =	sadd.s32 s8, s2;
	s17 =	smul.u32 $0x1480, s7  }
0x12: {  	s7 =	smul.u32 $0x3000, s7;
	s10 =	sshll.u32 s10, $0x4;
	s26 =	smax.u32 s11, $0x1  }
0x13: {  	s12 =	sshrl.u32 @!p0 s15, $0x3;
	s6 =	sadd.s32 s0, s6;
	s0 =	smul.u32 $0x300, s20  }
0x14: {  	s10 =	sadd.s32 s13, s10;
	[dreg:$0x8] =	wrdreg s26;
	s15 =	sshrl.u32 s8, $0x3  }
0x15: {  	s26 =	simm.s32 $0x7000;
	s23 =	sadd.s32 s14, s17;
	[dreg:$0x6] =	wrdreg s10  }
0x16: {  	s3 =	sadd.s32 s3, s7;
	s7 =	sadd.s32 s9, s7;
	s9 =	sshrl.u32 @p0 s16, $0x3  }
0x17: {  	s24 =	sshll.u32 s23, $0x4;
	[dreg:$0x9] =	wrdreg s9;
	s9 =	sshll.u32 @!p0 s20, $0x6  }
.Ltmp0:
0x18: {  	s16 =	sadd.s32 s0, s18;
	s17 =	sadd.s32 s0, s19;
	(pc) =	sbr.rel .LBB2_1-.Ltmp0, $4  }
0x19: {  	s18 =	simm.s32 $0x1800;
	s19 =	simm.s32 $0x3;
	s23 =	sadd.s32 s0, s3  }
0x1a: {  	s25 =	sadd.s32 s13, s24;
	s11 =	sor.u32 @!p0 $0x1C01, s9;
	s13 =	sshll.u32 s20, $0x6  }
0x1b: {  	s20 =	simm.s32 $0x2;
	s24 =	sadd.s32 s0, s7;
	s0 =	simm.s32 $0x0  }
0x1c: {  	[dreg:$0x7] =	wrdreg s25;
	s14 =	sor.u32 $0x1C03, s13;
	s25 =	simm.s32 $0x4  }
.LBB2_11:
0x1d: {  	_ =	swait.ge [sflag:s30], $0x4000  }
0x1e: {  	[sflag:s30] =	ssyncset.done $0x0  }
0x1f: {  	[sflag:s30] =	ssyncadd.s32 $0xFFFFC000  }
0x20: {  	[bflag:$0x0] =	sbarrier.arrive $0xFFFF  }
0x21: {  	s7 =	rddreg [dreg:$0x7]  }
0x22: {  	[hbm:s7], [sflag:s3] =	dma.local [spmem:s15], $0x1480  }
0x23: {  	_ =	swait.ge [sflag:s31], $0x1480  }
0x24: {  	s0 =	sadd.s32 $0x1, s0;
	s10 =	rddreg [dreg:$0x8]  }
0x25: {  	p1 =	sne.s32 s0, s10  }
.Ltmp1:
0x26: {  	_ = 	snop;
	(pc) =	sbr.rel @!p1 .LBB2_12-.Ltmp1, $3  }
0x27: {  	_ =	sdelay $0x1  }
0x28: {  	[sflag:s31] =	ssyncset.done $0x0  }
0x29: {  	[sflag:s31] =	ssyncadd.s32 $0xFFFFEB80  }
.LBB2_1:
0x2a: {  	s3 =	simm.s32 @p0 $0x1FC1;
	s7 =	rddreg [dreg:$0x9]  }
0x2b: {  	[spmem:s7], [sflag:s3] =	dma.local @p0 [hbm:s6], $0x1400  }
0x2c: {  	s3 =	simm.s32 @p0 $0x1  }
0x2d: {  	_ =	swait.ge @p0 [sflag:s3], $0x1400  }
0x2e: {  	[sflag:s3] =	ssyncset.done @p0 $0x0  }
0x2f: {  	[sflag:s3] =	ssyncadd.s32 @p0 $0xFFFFEC00;
	s3 =	simm.s32 @!p0 $0x1  }
0x30: {  	[spmem:s12], [sflag:s11] =	dma.local @!p0 [hbm:s6], $0x1380  }
0x31: {  	_ =	swait.ge @!p0 [sflag:s3], $0x1380  }
0x32: {  	[sflag:s3] =	ssyncset.done @!p0 $0x0  }
0x33: {  	[sflag:s3] =	ssyncadd.s32 @!p0 $0xFFFFEC80  }
0x34: {  	[spmem:s15], [sflag:s14] =	dma.local [hbm:s5], $0x1480  }
0x35: {  	[tilespmem:s4], [sflag:$0x2] =	stream.linear.gather [hbm4b:s16+s4], $0x1800, $0x38;
	[tilespmem:$0x1F400] =	vst v63  }
0x36: {  	_ = 	snop  }
0x37: {  	[tilespmem:s18], [sflag:$0x2] =	stream.linear.gather [hbm4b:s17+s4], $0x1800, $0x38;
	[tilespmem:$0x1F400] =	vst v63  }
0x38: {  	_ =	swait.ge [sflag:s19], $0x1480  }
0x39: {  	[sflag:s19] =	ssyncset.done $0x0  }
0x3a: {  	[sflag:s19] =	ssyncadd.s32 $0xFFFFEB80  }
0x3b: {  	_ =	swait.ge [sflag:s20], $0x1800  }
0x3c: {  	[sflag:s20] =	ssyncset.done $0x0  }
0x3d: {  	[sflag:s20] =	ssyncadd.s32 $0xFFFFE800  }
0x3e: {  	_ =	swait.ge [sflag:s20], $0x1800  }
0x3f: {  	[sflag:s20] =	ssyncset.done $0x0  }
0x40: {  	[sflag:s20] =	ssyncadd.s32 $0xFFFFE800  }
0x41: {  	[bflag:$0x0] =	sbarrier.arrive $0xFFFF  }
0x42: {  	[tilespmem:s22], [sflag:$0x4] =	stream.indirect.gather [spmem:s1], $0x80, s4, s21, $0xb8;
	[tilespmem:$0x1F400] =	vst v63  }
0x43: {  	_ =	swait.ge [sflag:s25], $0x4000  }
.Ltmp2:
0x44: {  	[sflag:s25] =	ssyncset.done $0x0;
	(pc) =	sbr.rel .LBB2_2-.Ltmp2, $4  }
0x45: {  	[sflag:s25] =	ssyncadd.s32 $0xFFFFC000  }
0x46: {  	[spmem:s2] =	stream.indirect.scatter.add.f32 [tilespmem:s22], [sflag:$0x6], $0x80, s18, s21, $0xb8;
	[tilespmem:$0x1F400] =	vst v63  }
0x47: {  	s8 =	simm.s32 $0xFFFFFFD1;
	s7 =	simm.s32 $0x1880;
	s3 =	simm.s32 $0x100  }
0x48: {  	[tilespmem:s26], [sflag:$0x5] =	stream.indirect.gather [spmem:s1], $0x80, s21, s21, $0xb8;
	[tilespmem:$0x1F400] =	vst v63  }
.LBB2_13:
0x49: {  	_ =	swait.ge [sflag:s25], $0x4000  }
0x4a: {  	[sflag:s25] =	ssyncset.done $0x0  }
0x4b: {  	[sflag:s25] =	ssyncadd.s32 $0xFFFFC000  }
0x4c: {  	[spmem:s2] =	stream.indirect.scatter.add.f32 [tilespmem:s22], [sflag:$0x6], $0x80, s7, s21, $0xb8;
	[tilespmem:$0x1F400] =	vst v63  }
0x4d: {  	_ =	swait.ge [sflag:s30], $0x4000  }
0x4e: {  	[sflag:s30] =	ssyncset.done $0x0  }
0x4f: {  	[sflag:s30] =	ssyncadd.s32 $0xFFFFC000  }
0x50: {  	[tilespmem:s26], [sflag:$0x5] =	stream.indirect.gather [spmem:s1], $0x80, s3, s21, $0xb8;
	[tilespmem:$0x1F400] =	vst v63  }
.LBB2_5:
0x51: {  	s8 =	sadd.s32 $0x1, s8  }
0x52: {  	p1 =	seq.s32 s8, $0x0  }
.Ltmp3:
0x53: {  	_ = 	snop;
	(pc) =	sbr.rel @p1 .LBB2_6-.Ltmp3, $2  }
0x54: {  	_ =	sdelay $0x2  }
0x55: {  	s3 =	sadd.s32 $0x80, s3;
	s7 =	sadd.s32 $0x80, s7  }
.LBB2_2:
0x56: {  	s9 =	sand.u32 $0x1, s8  }
0x57: {  	p1 =	seq.s32 s9, $0x0  }
.Ltmp4:
0x58: {  	_ = 	snop;
	(pc) =	sbr.rel @p1 .LBB2_13-.Ltmp4, $1  }
0x59: {  	_ =	sdelay $0x3  }
0x5a: {  	_ =	swait.ge [sflag:s28], $0x4000  }
0x5b: {  	p1 =	seq.s32 s8, $0xFFFFFFFF;
	[sflag:s28] =	ssyncset.done $0x0  }
.Ltmp5:
0x5c: {  	[sflag:s28] =	ssyncadd.s32 $0xFFFFC000;
	(pc) =	sbr.rel @p1 .LBB2_6-.Ltmp5, $4  }
0x5d: {  	[spmem:s2] =	stream.indirect.scatter.add.f32 [tilespmem:s26], [sflag:$0x7], $0x80, s7, s21, $0xb8;
	[tilespmem:$0x1F400] =	vst v63  }
0x5e: {  	_ =	swait.ge [sflag:s29], $0x4000  }
0x5f: {  	[sflag:s29] =	ssyncset.done $0x0  }
0x60: {  	[sflag:s29] =	ssyncadd.s32 $0xFFFFC000  }
.Ltmp6:
0x61: {  	(pc) =	sbr.rel .LBB2_5-.Ltmp6, $2  }
0x62: {  	_ =	sdelay $0x2  }
0x63: {  	[tilespmem:s22], [sflag:$0x4] =	stream.indirect.gather [spmem:s1], $0x80, s3, s21, $0xb8;
	[tilespmem:$0x1F400] =	vst v63  }
.LBB2_6:
0x64: {  	_ =	swait.ge [sflag:s30], $0x4000  }
0x65: {  	[sflag:s30] =	ssyncset.done $0x0  }
0x66: {  	[sflag:s30] =	ssyncadd.s32 $0xFFFFC000  }
0x67: {  	[bflag:$0x0] =	sbarrier.arrive $0xFFFF  }
0x68: {  	s3 =	sor.u32 $0x1C08, s13;
	s7 =	rddreg [dreg:$0x6]  }
0x69: {  	[hbm:s7], [sflag:s3] =	dma.local [spmem:s15], $0x1480  }
0x6a: {  	_ =	swait.ge [sflag:s31], $0x1480  }
0x6b: {  	[sflag:s31] =	ssyncset.done $0x0  }
0x6c: {  	[sflag:s31] =	ssyncadd.s32 $0xFFFFEB80  }
0x6d: {  	[spmem:s15], [sflag:s14] =	dma.local [hbm:s5], $0x1480  }
0x6e: {  	[tilespmem:s4], [sflag:$0x2] =	stream.linear.gather [hbm4b:s23+s4], $0x1800, $0x38;
	[tilespmem:$0x1F400] =	vst v63  }
0x6f: {  	_ = 	snop  }
0x70: {  	[tilespmem:s18], [sflag:$0x2] =	stream.linear.gather [hbm4b:s24+s4], $0x1800, $0x38;
	[tilespmem:$0x1F400] =	vst v63  }
0x71: {  	_ =	swait.ge [sflag:s19], $0x1480  }
0x72: {  	[sflag:s19] =	ssyncset.done $0x0  }
0x73: {  	[sflag:s19] =	ssyncadd.s32 $0xFFFFEB80  }
0x74: {  	_ =	swait.ge [sflag:s20], $0x1800  }
0x75: {  	[sflag:s20] =	ssyncset.done $0x0  }
0x76: {  	[sflag:s20] =	ssyncadd.s32 $0xFFFFE800  }
0x77: {  	_ =	swait.ge [sflag:s20], $0x1800  }
0x78: {  	[sflag:s20] =	ssyncset.done $0x0  }
0x79: {  	[sflag:s20] =	ssyncadd.s32 $0xFFFFE800  }
0x7a: {  	[bflag:$0x0] =	sbarrier.arrive $0xFFFF  }
0x7b: {  	[tilespmem:s22], [sflag:$0x4] =	stream.indirect.gather [spmem:s1], $0x80, s4, s21, $0xb8;
	[tilespmem:$0x1F400] =	vst v63  }
0x7c: {  	_ =	swait.ge [sflag:s25], $0x4000  }
.Ltmp7:
0x7d: {  	[sflag:s25] =	ssyncset.done $0x0;
	(pc) =	sbr.rel .LBB2_7-.Ltmp7, $4  }
0x7e: {  	[sflag:s25] =	ssyncadd.s32 $0xFFFFC000  }
0x7f: {  	[spmem:s2] =	stream.indirect.scatter.add.f32 [tilespmem:s22], [sflag:$0x6], $0x80, s18, s21, $0xb8;
	[tilespmem:$0x1F400] =	vst v63  }
0x80: {  	s8 =	simm.s32 $0x1880;
	s9 =	simm.s32 $0xFFFFFFD1;
	s7 =	simm.s32 $0x100  }
0x81: {  	[tilespmem:s26], [sflag:$0x5] =	stream.indirect.gather [spmem:s1], $0x80, s21, s21, $0xb8;
	[tilespmem:$0x1F400] =	vst v63  }
.LBB2_14:
0x82: {  	_ =	swait.ge [sflag:s25], $0x4000  }
0x83: {  	[sflag:s25] =	ssyncset.done $0x0  }
0x84: {  	[sflag:s25] =	ssyncadd.s32 $0xFFFFC000  }
0x85: {  	[spmem:s2] =	stream.indirect.scatter.add.f32 [tilespmem:s22], [sflag:$0x6], $0x80, s8, s21, $0xb8;
	[tilespmem:$0x1F400] =	vst v63  }
0x86: {  	_ =	swait.ge [sflag:s30], $0x4000  }
0x87: {  	[sflag:s30] =	ssyncset.done $0x0  }
0x88: {  	[sflag:s30] =	ssyncadd.s32 $0xFFFFC000  }
0x89: {  	[tilespmem:s26], [sflag:$0x5] =	stream.indirect.gather [spmem:s1], $0x80, s7, s21, $0xb8;
	[tilespmem:$0x1F400] =	vst v63  }
.LBB2_10:
0x8a: {  	s9 =	sadd.s32 $0x1, s9  }
0x8b: {  	p1 =	seq.s32 s9, $0x0  }
.Ltmp8:
0x8c: {  	_ = 	snop;
	(pc) =	sbr.rel @p1 .LBB2_11-.Ltmp8, $2  }
0x8d: {  	_ =	sdelay $0x2  }
0x8e: {  	s7 =	sadd.s32 $0x80, s7;
	s8 =	sadd.s32 $0x80, s8  }
.LBB2_7:
0x8f: {  	s10 =	sand.u32 $0x1, s9  }
0x90: {  	p1 =	seq.s32 s10, $0x0  }
.Ltmp9:
0x91: {  	_ = 	snop;
	(pc) =	sbr.rel @p1 .LBB2_14-.Ltmp9, $1  }
0x92: {  	_ =	sdelay $0x3  }
0x93: {  	_ =	swait.ge [sflag:s28], $0x4000  }
0x94: {  	p1 =	seq.s32 s9, $0xFFFFFFFF;
	[sflag:s28] =	ssyncset.done $0x0  }
.Ltmp10:
0x95: {  	[sflag:s28] =	ssyncadd.s32 $0xFFFFC000;
	(pc) =	sbr.rel @p1 .LBB2_11-.Ltmp10, $4  }
0x96: {  	[spmem:s2] =	stream.indirect.scatter.add.f32 [tilespmem:s26], [sflag:$0x7], $0x80, s8, s21, $0xb8;
	[tilespmem:$0x1F400] =	vst v63  }
0x97: {  	_ =	swait.ge [sflag:s29], $0x4000  }
0x98: {  	[sflag:s29] =	ssyncset.done $0x0  }
0x99: {  	[sflag:s29] =	ssyncadd.s32 $0xFFFFC000  }
.Ltmp11:
0x9a: {  	(pc) =	sbr.rel .LBB2_10-.Ltmp11, $2  }
0x9b: {  	_ =	sdelay $0x2  }
0x9c: {  	[tilespmem:s22], [sflag:$0x4] =	stream.indirect.gather [spmem:s1], $0x80, s7, s21, $0xb8;
	[tilespmem:$0x1F400] =	vst v63  }
.LBB2_12:
0x9d: {  	_ =	sfence.sel $0x180000  }
0x9e: {  	[bflag:$0x0] =	sbarrier.arrive $0xFFFF  }
0x9f: {  	_ =	strace $0x90000047  }
0xa0: {  	s0 =	stileid.u32;
	[bflag:$0x2] =	sbarrier.arrive $0xFFFF  }
0xa1: {  	p0 =	sne.s32 s0, $0x0;
	s0 =	rddreg [dreg:$0x5]  }
0xa2: {  	s0 =	sadd.s32 @!p0 $0x100000, s0  }
0xa3: {  	[sflag:s0] =	ssyncadd.tile.s32 @!p0 $0x1;
	_ =	shalt  }
.Lfunc_end2:
_tile_overlayer_lowered:
.L_overlay_start_2:
0xa4: {  	(tag) =	ssettag $0x2  }
0xa5: {  	s0 =	rddreg [dreg:$0x0];
	s2 =	stileid.u32  }
0xa6: {  	s1 =	rddreg [dreg:$0x1];
	p0 =	sne.s32 s2, $0x0  }
0xa7: {  	s3 =	rddreg [dreg:$0x2];
	[bflag:$0x3] =	sbarrier.arrive $0xFFFF;
	s2 =	simm.s32 @!p0 $0x1C08  }
0xa8: {  	[timem:s3], [sflag:s2] =	dma.local @!p0 [hbm:s0], s1  }
0xa9: {  	s0 =	simm.s32 @!p0 $0x8  }
0xaa: {  	_ =	swait.ge @!p0 [sflag:s0], s1  }
0xab: {  	s1 =	ssub.s32 @!p0 $0x0, s1;
	[sflag:s0] =	ssyncset.done @!p0 $0x0  }
0xac: {  	[sflag:s0] =	ssyncadd.s32 @!p0 s1  }
0xad: {  	[bflag:$0x3] =	sbarrier.arrive $0xFFFF  }
0xae: {  	_ =	shalt  }

// kernel: kernel.15.cloned.1.call-start
scs
__scs_entry_jumppad:
0x0: {  	(pc) =	sbr.rel $0x88, $3  }
0x1: {  	(tag) =	ssettag $0x0;
	lr =	simm.s32 $0x1  }
0x2: {  	[smem:$0x3F97] =	sst lr;
	_ =	strace $0xD0000000  }
0x3: {  	_ = 	snop  }
0x4: {  	_ = 	snop  }
0x5: {  	_ = 	snop  }
0x6: {  	_ = 	snop  }
0x7: {  	_ = 	snop  }
__scs_overlays_trampoline_lowered:
0x8: {  	[smem:$0x3FA6] =	sst s0  }
0x9: {  	[smem:$0x3FA7] =	sst s1  }
0xa: {  	[smem:$0x3FA8] =	sst s2  }
0xb: {  	[smem:$0x3FA9] =	sst s3  }
0xc: {  	[smem:$0x3FAA] =	sst s4  }
0xd: {  	[smem:$0x3FAB] =	sst s5  }
0xe: {  	[smem:$0x3FAC] =	sst s6  }
0xf: {  	[smem:$0x3FAD] =	sst s7  }
0x10: {  	[smem:$0x3FAE] =	sst s8  }
0x11: {  	[smem:$0x3FAF] =	sst s9;
	s0 =	simm.s32 @!p0 $0x0  }
0x12: {  	s1 =	sld [smem:$0x3F95];
	s0 =	simm.s32 @p0 $0x1  }
0x13: {  	[smem:$0x3FB0] =	sst s0;
	s0 =	simm.s32 @!p1 $0x0  }
0x14: {  	s2 =	sld [smem:$0x3F94];
	s0 =	simm.s32 @p1 $0x1  }
0x15: {  	[smem:$0x3FB1] =	sst s0;
	s0 =	simm.s32 @!p2 $0x0  }
0x16: {  	s3 =	sld [smem:$0x3FDB];
	s0 =	simm.s32 @p2 $0x1  }
0x17: {  	s4 =	simm.s32 $0x1BF5;
	[smem:$0x3FB3] =	sst s0  }
0x18: {  	s0 =	sld [smem:$0x3F96];
	_ =	swait.ge [sflag:s4], $0x0  }
0x19: {  	s7 =	sld [smem:$0x3F97]  }
0x1a: {  	s8 =	sadd.s32 $0xFFFFE003, lr  }
0x1b: {  	s9 =	sadd.s32 $0xFFFFFEF7, lr;
	s5 =	simm.s32 $0xFFFFFFFF;
	p2 =	slt.u32 s8, $0xFFFFF086  }
0x1c: {  	p1 =	slt.u32 s9, $0xF7A;
	s5 =	simm.s32 @!p2 $0x0  }
0x1d: {  	s5 =	simm.s32 @p1 $0x1;
	p0 =	seq.s32 s7, s2  }
0x1e: {  	s7 =	smul.u32 @!p0 $0xF7A, s2;
	p2 =	seq.s32 @!p0 s5, $0x0  }
0x1f: {  	s9 =	smul.u32 $0xF7A, s1;
	s8 =	simm.s32 @!p0 $0x1BF5;
	p2 =	por !p2, p0  }
0x20: {  	[sflag:s8] =	ssyncset.s32 @!p0 $0xFFFFF086;
	s6 =	sadd.s32 @!p0 s3, s7;
	s7 =	simm.s32 @!p0 $0x108  }
0x21: {  	s3 =	sadd.s32 s3, s9;
	s6 =	sadd.s32 @!p0 $0x88, s6;
	s7 =	simm.s32 @p2 $0x1082  }
0x22: {  	[simem:s7], [sflag:s8] =	dma.local @!p0 [hbm:s6], $0xF7A  }
0x23: {  	s9 =	sor.u32 $0xD0000000, s2;
	s6 =	simm.s32 $0x108;
	_ =	swait.ge @!p0 [sflag:s8], $0x0  }
0x24: {  	s3 =	sadd.s32 $0x88, s3;
	s6 =	simm.s32 @!p1 $0x1082;
	[sflag:s4] =	ssyncset.s32 $0xFFFFF086  }
0x25: {  	[simem:s6], [sflag:s4] =	dma.local [hbm:s3], $0xF7A  }
0x26: {  	[smem:$0x3F97] =	sst s1;
	(tag) =	ssettag s2;
	_ =	strace s9  }
0x27: {  	s1 =	sld [smem:$0x3FA7]  }
0x28: {  	s2 =	sld [smem:$0x3FA8]  }
0x29: {  	s4 =	sld [smem:$0x3FAA]  }
0x2a: {  	p0 =	seq.s32 s5, $0x0;
	s5 =	sld [smem:$0x3FAB]  }
0x2b: {  	s6 =	sld [smem:$0x3FAC]  }
0x2c: {  	s7 =	sld [smem:$0x3FAD]  }
0x2d: {  	s3 =	simm.s32 $0x108;
	s8 =	sld [smem:$0x3FAE]  }
0x2e: {  	s3 =	simm.s32 @!p0 $0x1082;
	s9 =	sld [smem:$0x3FAF]  }
0x2f: {  	lr =	sadd.s32 s0, s3;
	s0 =	sld [smem:$0x3FA6]  }
0x30: {  	s3 =	sld [smem:$0x3FA9]  }
0x31: {  	[smem:$0x3FB2] =	sst s10  }
0x32: {  	s10 =	sld [smem:$0x3FB0];
	_ =	sdelay $0x3  }
0x33: {  	p0 =	seq.s32 s10, $0x1;
	s10 =	sld [smem:$0x3FB2];
	_ =	sdelay $0x3  }
0x34: {  	[smem:$0x3FB2] =	sst s10  }
0x35: {  	s10 =	sld [smem:$0x3FB1];
	_ =	sdelay $0x3  }
0x36: {  	p1 =	seq.s32 s10, $0x1;
	s10 =	sld [smem:$0x3FB2];
	_ =	sdelay $0x3  }
0x37: {  	[smem:$0x3FB2] =	sst s10  }
0x38: {  	s10 =	sld [smem:$0x3FB3]  }
0x39: {  	_ = 	snop;
	(pc) =	sbr.ind lr, $3  }
0x3a: {  	_ = 	snop  }
0x3b: {  	_ = 	snop  }
0x3c: {  	p2 =	seq.s32 s10, $0x1;
	s10 =	sld [smem:$0x3FB2]  }
0x3d: {  	_ =	shalt  }
0x3e: {  	_ =	shalt  }
0x3f: {  	_ =	shalt  }
0x40: {  	_ =	shalt  }
0x41: {  	_ =	shalt  }
0x42: {  	_ =	shalt  }
0x43: {  	_ =	shalt  }
0x44: {  	_ =	shalt  }
0x45: {  	_ =	shalt  }
0x46: {  	_ =	shalt  }
0x47: {  	_ =	shalt  }
0x48: {  	_ =	shalt  }
0x49: {  	_ =	shalt  }
0x4a: {  	_ =	shalt  }
0x4b: {  	_ =	shalt  }
0x4c: {  	_ =	shalt  }
0x4d: {  	_ =	shalt  }
0x4e: {  	_ =	shalt  }
0x4f: {  	_ =	shalt  }
0x50: {  	_ =	shalt  }
0x51: {  	_ =	shalt  }
0x52: {  	_ =	shalt  }
0x53: {  	_ =	shalt  }
0x54: {  	_ =	shalt  }
0x55: {  	_ =	shalt  }
0x56: {  	_ =	shalt  }
0x57: {  	_ =	shalt  }
0x58: {  	_ =	shalt  }
0x59: {  	_ =	shalt  }
0x5a: {  	_ =	shalt  }
0x5b: {  	_ =	shalt  }
0x5c: {  	_ =	shalt  }
0x5d: {  	_ =	shalt  }
0x5e: {  	_ =	shalt  }
0x5f: {  	_ =	shalt  }
0x60: {  	_ =	shalt  }
0x61: {  	_ =	shalt  }
0x62: {  	_ =	shalt  }
0x63: {  	_ =	shalt  }
0x64: {  	_ =	shalt  }
0x65: {  	_ =	shalt  }
0x66: {  	_ =	shalt  }
0x67: {  	_ =	shalt  }
0x68: {  	_ =	shalt  }
0x69: {  	_ =	shalt  }
0x6a: {  	_ =	shalt  }
0x6b: {  	_ =	shalt  }
0x6c: {  	_ =	shalt  }
0x6d: {  	_ =	shalt  }
0x6e: {  	_ =	shalt  }
0x6f: {  	_ =	shalt  }
0x70: {  	_ =	shalt  }
0x71: {  	_ =	shalt  }
0x72: {  	_ =	shalt  }
0x73: {  	_ =	shalt  }
0x74: {  	_ =	shalt  }
0x75: {  	_ =	shalt  }
0x76: {  	_ =	shalt  }
0x77: {  	_ =	shalt  }
0x78: {  	_ =	shalt  }
0x79: {  	_ =	shalt  }
0x7a: {  	_ =	shalt  }
0x7b: {  	_ =	shalt  }
0x7c: {  	_ =	shalt  }
0x7d: {  	_ =	shalt  }
0x7e: {  	_ =	shalt  }
0x7f: {  	_ =	shalt  }
0x80: {  	_ =	shalt  }
0x81: {  	_ =	shalt  }
0x82: {  	_ =	shalt  }
0x83: {  	_ =	shalt  }
0x84: {  	_ =	shalt  }
0x85: {  	_ =	shalt  }
0x86: {  	_ =	shalt  }
0x87: {  	_ =	shalt  }
.Lfunc_end0:
.L_simem_size_0:
called_computation.1_lowered:
.L_overlay_start_0:
0x88: {  	s2 =	sld [smem:$0x3FD9]  }
0x89: {  	s3 =	sld [smem:$0x3FFE];
	_ =	sdelay $0x1  }
0x8a: {  	s1 =	srdreg.scid  }
0x8b: {  	s0 =	sand.u32 $0x1, s1  }
0x8c: {  	s14 =	sshll.u32 s0, $0xA;
	s2 =	sadd.s32 s3, s2  }
0x8d: {  	s2 =	sadd.s32 s2, s14  }
0x8e: {  	[smem:$0x3FBE] =	sst s2  }
0x8f: {  	_ = 	snop  }
0x90: {  	s2 =	sld [smem:$0x3FD0];
	_ =	sdelay $0x2  }
0x91: {  	s15 =	simm.s32 $0xA;
	s4 =	simm.s32 $0x10  }
0x92: {  	[smem:s4], [sflag:s15] =	dma.local [hbm:s2], $0x1  }
0x93: {  	_ =	swait.eq [sflag:s15], $0x1  }
0x94: {  	[sflag:s15] =	ssyncset.done $0x0  }
0x95: {  	s16 =	sld [smem:$0x10];
	[sflag:s15] =	ssyncadd.s32 $0xFFFFFFFF  }
0x96: {  	s17 =	sld [smem:$0x11];
	(tm) =	ssettm $0x1  }
0x97: {  	s18 =	sld [smem:$0x3FFB];
	_ =	sdelay $0x3  }
0x98: {  	_ =	strace s18  }
0x99: {  	s4 =	sld [smem:$0x3FFC];
	_ =	sdelay $0x3  }
0x9a: {  	_ =	strace s4  }
0x9b: {  	s4 =	sld [smem:$0x3FFD];
	_ =	sdelay $0x3  }
0x9c: {  	_ =	strace s4  }
0x9d: {  	_ =	strace $0x8FFFFFFF  }
0x9e: {  	s19 =	sld [smem:$0x3FDB];
	_ =	sdelay $0x1  }
0x9f: {  	s5 =	simm.s32 $_scs_section_size  }
0xa0: {  	s6 =	simm.s32 $_size__tile_overlayer_lowered;
	s7 =	simm.s32 $_tile_overlayer_lowered  }
0xa1: {  	s22 =	simm.s32 $0x1BFF;
	s21 =	sshll.u32 s7, $0x1;
	s4 =	sadd.s32 s5, s19  }
0xa2: {  	s8 =	simm.s32 $0x0;
	s20 =	sshll.u32 s6, $0x1;
	s6 =	sadd.s32 s21, s4  }
0xa3: {  	[timem:s8], [sflag:s22] =	dma.local [hbm:s6], s20  }
0xa4: {  	_ =	swait.ge [sflag:s22], s20  }
0xa5: {  	s5 =	ssub.s32 $0x0, s20;
	[sflag:s22] =	ssyncset.done $0x0  }
0xa6: {  	[sflag:s22] =	ssyncadd.s32 s5;
	_ =	sdelay $0x1  }
0xa7: {  	s23 =	simm.s32 $0x1B8B  }
0xa8: {  	_ =	swait.ge [sflag:s23], $0x1  }
0xa9: {  	[sflag:s23] =	ssyncset.done $0x0  }
0xaa: {  	s25 =	simm.s32 $0x1B8E;
	s24 =	sld [smem:$0x3FFE];
	[sflag:s23] =	ssyncadd.s32 $0xFFFFFFFF  }
0xab: {  	s26 =	simm.s32 $execute0_lowered;
	[smem:$0x3FD2] =	sst s25  }
0xac: {  	s6 =	sshll.u32 s26, $0x1;
	_ =	strace $0x80000049;
	[dreg:$0x1] =	wrdreg $0xFFFFFFFF  }
0xad: {  	s28 =	simm.s32 $_size_execute0_lowered;
	s4 =	sadd.s32 s4, s6;
	[dreg:$0x0] =	wrdreg $0x0  }
0xae: {  	s6 =	sshll.u32 s28, $0x1;
	[dreg:$0x2] =	wrdreg s4  }
0xaf: {  	[dreg:$0x3] =	wrdreg s6  }
0xb0: {  	[dreg:$0x4] =	wrdreg $0xC0  }
0xb1: {  	_ =	task [dreg:s8], $0x5FFFF  }
0xb2: {  	[dreg:$0x1] =	wrdreg $0xFFFFFFFF  }
0xb3: {  	[dreg:$0x0] =	wrdreg $0x60  }
0xb4: {  	[dreg:$0x2] =	wrdreg s17  }
0xb5: {  	[dreg:$0x3] =	wrdreg s16  }
0xb6: {  	[dreg:$0x4] =	wrdreg s24  }
0xb7: {  	[dreg:$0x5] =	wrdreg $0xB0000  }
0xb8: {  	[dreg:$0x6] =	wrdreg $0x150000  }
0xb9: {  	[dreg:$0x7] =	wrdreg $0x9  }
0xba: {  	_ =	task.clear_ibuf [dreg:s8], $0x8FFFF;
	_ =	strace $0x90000049  }
0xbb: {  	s29 =	simm.s32 $0x9;
	_ =	strace $0x8000004B  }
0xbc: {  	_ =	swait.ge [sflag:s29], $0x1  }
0xbd: {  	[sflag:s29] =	ssyncadd.s32 $0xFFFFFFFF  }
0xbe: {  	_ =	strace $0x9000004B  }
0xbf: {  	_ =	sfence  }
0xc0: {  	s30 =	sld [smem:$0x0];
	_ =	sdelay $0x2  }
0xc1: {  	s31 =	sshll.u32 s1, $0xD;
	s1 =	sshrl.u32 s1, $0x2  }
0xc2: {  	s3 =	sand.u32 $0x4000, s31;
	s1 =	sadd.s32 s1, s30  }
0xc3: {  	s0 =	sor.u32 s3, s0;
	s1 =	sshll.u32 s1, $0x11  }
0xc4: {  	s0 =	sor.u32 s1, s0  }
0xc5: {  	s0 =	sadd.s32 $0x8F2B, s0  }
0xc6: {  	[sflag:s0] =	ssyncadd.remote.s32 $0x1  }
0xc7: {  	_ =	sfence.sel $0xFFFF  }
0xc8: {  	[dreg:$0x0] =	wrdreg $0xFFFFFFFF;
	(pc) =	sbr.abs _section_cstart, $3  }
0xc9: {  	[dreg:$0x1] =	wrdreg $0xFFFFFFFF  }
0xca: {  	_ =	task.clear_ibuf [dreg:s8], $0x2FFFF;
	_ =	strace $0x9FFFFFFF  }
0xcb: {  	(tm) =	ssettm $0x7FFFFFFF  }
tec
execute0_lowered:
.L_overlay_start_1:
0x0: {  	(tag) =	ssettag $0x1  }
0x1: {  	s0 =	rddreg [dreg:$0x0]  }
0x2: {  	s3 =	rddreg [dreg:$0x1]  }
0x3: {  	s6 =	rddreg [dreg:$0x2]  }
0x4: {  	s1 =	rddreg [dreg:$0x3]  }
0x5: {  	s2 =	rddreg [dreg:$0x4];
	s4 =	simm.s32 $0x0;
	s20 =	stileid.u32  }
0x6: {  	s5 =	srdreg.scid;
	s28 =	simm.s32 $0x5;
	s10 =	smul.u32 $0x138, s20  }
0x7: {  	s29 =	simm.s32 $0x6;
	s30 =	simm.s32 $0x7;
	s12 =	smul.u32 $0x27000, s20  }
0x8: {  	s31 =	simm.s32 $0x8;
	[smem:$0x7FF] =	sst s4;
	s14 =	smul.u32 $0x148, s20  }
0x9: {  	s7 =	sand.u32 $0x1, s5;
	s9 =	sadd.s32 $0x3600, s6;
	s18 =	smul.u32 $0x29000, s20  }
0xa: {  	s5 =	sadd.s32 $0xF600, s6;
	s13 =	sadd.s32 $0x10C00, s6;
	s8 =	smul.u32 $0x1388, s7  }
0xb: {  	p0 =	seq.s32 s20, $0xF;
	s11 =	ssub.s32 $0x2, s7;
	s21 =	smul.u32 $0x6000, s7  }
0xc: {  	_ =	strace $0x8000004A;
	s22 =	smul.u32 $0x2900, s7;
	s16 =	sshrl.u32 s11, $0x1  }
0xd: {  	s7 =	sshllo.u32 s7, $0x1;
	s19 =	sshrl.u32 s12, $0x2;
	s11 =	ssub.s32 s11, s16  }
0xe: {  	s17 =	sadd.s32 s10, s8;
	s15 =	sadd.s32 s19, s1;
	s8 =	sshrl.u32 s18, $0x2  }
0xf: {  	s16 =	sadd.s32 $0x92400, s1;
	s18 =	sadd.s32 s3, s21;
	s10 =	sadd.s32 s14, s22  }
0x10: {  	s19 =	sadd.s32 s9, s21;
	s21 =	simm.s32 $0x80;
	s22 =	simm.s32 $0x3000  }
0x11: {  	s6 =	sshll.u32 s17, $0x4;
	s8 =	sadd.s32 s8, s2;
	s17 =	smul.u32 $0x1480, s7  }
0x12: {  	s7 =	smul.u32 $0x3000, s7;
	s10 =	sshll.u32 s10, $0x4;
	s26 =	smax.u32 s11, $0x1  }
0x13: {  	s12 =	sshrl.u32 @!p0 s15, $0x3;
	s6 =	sadd.s32 s0, s6;
	s0 =	smul.u32 $0x300, s20  }
0x14: {  	s10 =	sadd.s32 s13, s10;
	[dreg:$0x8] =	wrdreg s26;
	s15 =	sshrl.u32 s8, $0x3  }
0x15: {  	s26 =	simm.s32 $0x7000;
	s23 =	sadd.s32 s14, s17;
	[dreg:$0x6] =	wrdreg s10  }
0x16: {  	s3 =	sadd.s32 s3, s7;
	s7 =	sadd.s32 s9, s7;
	s9 =	sshrl.u32 @p0 s16, $0x3  }
0x17: {  	s24 =	sshll.u32 s23, $0x4;
	[dreg:$0x9] =	wrdreg s9;
	s9 =	sshll.u32 @!p0 s20, $0x6  }
.Ltmp0:
0x18: {  	s16 =	sadd.s32 s0, s18;
	s17 =	sadd.s32 s0, s19;
	(pc) =	sbr.rel .LBB2_1-.Ltmp0, $4  }
0x19: {  	s18 =	simm.s32 $0x1800;
	s19 =	simm.s32 $0x3;
	s23 =	sadd.s32 s0, s3  }
0x1a: {  	s25 =	sadd.s32 s13, s24;
	s11 =	sor.u32 @!p0 $0x1C01, s9;
	s13 =	sshll.u32 s20, $0x6  }
0x1b: {  	s20 =	simm.s32 $0x2;
	s24 =	sadd.s32 s0, s7;
	s0 =	simm.s32 $0x0  }
0x1c: {  	[dreg:$0x7] =	wrdreg s25;
	s14 =	sor.u32 $0x1C03, s13;
	s25 =	simm.s32 $0x4  }
.LBB2_11:
0x1d: {  	_ =	swait.ge [sflag:s30], $0x4000  }
0x1e: {  	[sflag:s30] =	ssyncset.done $0x0  }
0x1f: {  	[sflag:s30] =	ssyncadd.s32 $0xFFFFC000  }
0x20: {  	[bflag:$0x0] =	sbarrier.arrive $0xFFFF  }
0x21: {  	s7 =	rddreg [dreg:$0x7]  }
0x22: {  	[hbm:s7], [sflag:s3] =	dma.local [spmem:s15], $0x1480  }
0x23: {  	_ =	swait.ge [sflag:s31], $0x1480  }
0x24: {  	s0 =	sadd.s32 $0x1, s0;
	s10 =	rddreg [dreg:$0x8]  }
0x25: {  	p1 =	sne.s32 s0, s10  }
.Ltmp1:
0x26: {  	_ = 	snop;
	(pc) =	sbr.rel @!p1 .LBB2_12-.Ltmp1, $3  }
0x27: {  	_ =	sdelay $0x1  }
0x28: {  	[sflag:s31] =	ssyncset.done $0x0  }
0x29: {  	[sflag:s31] =	ssyncadd.s32 $0xFFFFEB80  }
.LBB2_1:
0x2a: {  	s3 =	simm.s32 @p0 $0x1FC1;
	s7 =	rddreg [dreg:$0x9]  }
0x2b: {  	[spmem:s7], [sflag:s3] =	dma.local @p0 [hbm:s6], $0x1400  }
0x2c: {  	s3 =	simm.s32 @p0 $0x1  }
0x2d: {  	_ =	swait.ge @p0 [sflag:s3], $0x1400  }
0x2e: {  	[sflag:s3] =	ssyncset.done @p0 $0x0  }
0x2f: {  	[sflag:s3] =	ssyncadd.s32 @p0 $0xFFFFEC00;
	s3 =	simm.s32 @!p0 $0x1  }
0x30: {  	[spmem:s12], [sflag:s11] =	dma.local @!p0 [hbm:s6], $0x1380  }
0x31: {  	_ =	swait.ge @!p0 [sflag:s3], $0x1380  }
0x32: {  	[sflag:s3] =	ssyncset.done @!p0 $0x0  }
0x33: {  	[sflag:s3] =	ssyncadd.s32 @!p0 $0xFFFFEC80  }
0x34: {  	[spmem:s15], [sflag:s14] =	dma.local [hbm:s5], $0x1480  }
0x35: {  	[tilespmem:s4], [sflag:$0x2] =	stream.linear.gather [hbm4b:s16+s4], $0x1800, $0x38;
	[tilespmem:$0x1F400] =	vst v63  }
0x36: {  	_ = 	snop  }
0x37: {  	[tilespmem:s18], [sflag:$0x2] =	stream.linear.gather [hbm4b:s17+s4], $0x1800, $0x38;
	[tilespmem:$0x1F400] =	vst v63  }
0x38: {  	_ =	swait.ge [sflag:s19], $0x1480  }
0x39: {  	[sflag:s19] =	ssyncset.done $0x0  }
0x3a: {  	[sflag:s19] =	ssyncadd.s32 $0xFFFFEB80  }
0x3b: {  	_ =	swait.ge [sflag:s20], $0x1800  }
0x3c: {  	[sflag:s20] =	ssyncset.done $0x0  }
0x3d: {  	[sflag:s20] =	ssyncadd.s32 $0xFFFFE800  }
0x3e: {  	_ =	swait.ge [sflag:s20], $0x1800  }
0x3f: {  	[sflag:s20] =	ssyncset.done $0x0  }
0x40: {  	[sflag:s20] =	ssyncadd.s32 $0xFFFFE800  }
0x41: {  	[bflag:$0x0] =	sbarrier.arrive $0xFFFF  }
0x42: {  	[tilespmem:s22], [sflag:$0x4] =	stream.indirect.gather [spmem:s1], $0x80, s4, s21, $0xb8;
	[tilespmem:$0x1F400] =	vst v63  }
0x43: {  	_ =	swait.ge [sflag:s25], $0x4000  }
.Ltmp2:
0x44: {  	[sflag:s25] =	ssyncset.done $0x0;
	(pc) =	sbr.rel .LBB2_2-.Ltmp2, $4  }
0x45: {  	[sflag:s25] =	ssyncadd.s32 $0xFFFFC000  }
0x46: {  	[spmem:s2] =	stream.indirect.scatter.add.f32 [tilespmem:s22], [sflag:$0x6], $0x80, s18, s21, $0xb8;
	[tilespmem:$0x1F400] =	vst v63  }
0x47: {  	s8 =	simm.s32 $0xFFFFFFD1;
	s7 =	simm.s32 $0x1880;
	s3 =	simm.s32 $0x100  }
0x48: {  	[tilespmem:s26], [sflag:$0x5] =	stream.indirect.gather [spmem:s1], $0x80, s21, s21, $0xb8;
	[tilespmem:$0x1F400] =	vst v63  }
.LBB2_13:
0x49: {  	_ =	swait.ge [sflag:s25], $0x4000  }
0x4a: {  	[sflag:s25] =	ssyncset.done $0x0  }
0x4b: {  	[sflag:s25] =	ssyncadd.s32 $0xFFFFC000  }
0x4c: {  	[spmem:s2] =	stream.indirect.scatter.add.f32 [tilespmem:s22], [sflag:$0x6], $0x80, s7, s21, $0xb8;
	[tilespmem:$0x1F400] =	vst v63  }
0x4d: {  	_ =	swait.ge [sflag:s30], $0x4000  }
0x4e: {  	[sflag:s30] =	ssyncset.done $0x0  }
0x4f: {  	[sflag:s30] =	ssyncadd.s32 $0xFFFFC000  }
0x50: {  	[tilespmem:s26], [sflag:$0x5] =	stream.indirect.gather [spmem:s1], $0x80, s3, s21, $0xb8;
	[tilespmem:$0x1F400] =	vst v63  }
.LBB2_5:
0x51: {  	s8 =	sadd.s32 $0x1, s8  }
0x52: {  	p1 =	seq.s32 s8, $0x0  }
.Ltmp3:
0x53: {  	_ = 	snop;
	(pc) =	sbr.rel @p1 .LBB2_6-.Ltmp3, $2  }
0x54: {  	_ =	sdelay $0x2  }
0x55: {  	s3 =	sadd.s32 $0x80, s3;
	s7 =	sadd.s32 $0x80, s7  }
.LBB2_2:
0x56: {  	s9 =	sand.u32 $0x1, s8  }
0x57: {  	p1 =	seq.s32 s9, $0x0  }
.Ltmp4:
0x58: {  	_ = 	snop;
	(pc) =	sbr.rel @p1 .LBB2_13-.Ltmp4, $1  }
0x59: {  	_ =	sdelay $0x3  }
0x5a: {  	_ =	swait.ge [sflag:s28], $0x4000  }
0x5b: {  	p1 =	seq.s32 s8, $0xFFFFFFFF;
	[sflag:s28] =	ssyncset.done $0x0  }
.Ltmp5:
0x5c: {  	[sflag:s28] =	ssyncadd.s32 $0xFFFFC000;
	(pc) =	sbr.rel @p1 .LBB2_6-.Ltmp5, $4  }
0x5d: {  	[spmem:s2] =	stream.indirect.scatter.add.f32 [tilespmem:s26], [sflag:$0x7], $0x80, s7, s21, $0xb8;
	[tilespmem:$0x1F400] =	vst v63  }
0x5e: {  	_ =	swait.ge [sflag:s29], $0x4000  }
0x5f: {  	[sflag:s29] =	ssyncset.done $0x0  }
0x60: {  	[sflag:s29] =	ssyncadd.s32 $0xFFFFC000  }
.Ltmp6:
0x61: {  	(pc) =	sbr.rel .LBB2_5-.Ltmp6, $2  }
0x62: {  	_ =	sdelay $0x2  }
0x63: {  	[tilespmem:s22], [sflag:$0x4] =	stream.indirect.gather [spmem:s1], $0x80, s3, s21, $0xb8;
	[tilespmem:$0x1F400] =	vst v63  }
.LBB2_6:
0x64: {  	_ =	swait.ge [sflag:s30], $0x4000  }
0x65: {  	[sflag:s30] =	ssyncset.done $0x0  }
0x66: {  	[sflag:s30] =	ssyncadd.s32 $0xFFFFC000  }
0x67: {  	[bflag:$0x0] =	sbarrier.arrive $0xFFFF  }
0x68: {  	s3 =	sor.u32 $0x1C08, s13;
	s7 =	rddreg [dreg:$0x6]  }
0x69: {  	[hbm:s7], [sflag:s3] =	dma.local [spmem:s15], $0x1480  }
0x6a: {  	_ =	swait.ge [sflag:s31], $0x1480  }
0x6b: {  	[sflag:s31] =	ssyncset.done $0x0  }
0x6c: {  	[sflag:s31] =	ssyncadd.s32 $0xFFFFEB80  }
0x6d: {  	[spmem:s15], [sflag:s14] =	dma.local [hbm:s5], $0x1480  }
0x6e: {  	[tilespmem:s4], [sflag:$0x2] =	stream.linear.gather [hbm4b:s23+s4], $0x1800, $0x38;
	[tilespmem:$0x1F400] =	vst v63  }
0x6f: {  	_ = 	snop  }
0x70: {  	[tilespmem:s18], [sflag:$0x2] =	stream.linear.gather [hbm4b:s24+s4], $0x1800, $0x38;
	[tilespmem:$0x1F400] =	vst v63  }
0x71: {  	_ =	swait.ge [sflag:s19], $0x1480  }
0x72: {  	[sflag:s19] =	ssyncset.done $0x0  }
0x73: {  	[sflag:s19] =	ssyncadd.s32 $0xFFFFEB80  }
0x74: {  	_ =	swait.ge [sflag:s20], $0x1800  }
0x75: {  	[sflag:s20] =	ssyncset.done $0x0  }
0x76: {  	[sflag:s20] =	ssyncadd.s32 $0xFFFFE800  }
0x77: {  	_ =	swait.ge [sflag:s20], $0x1800  }
0x78: {  	[sflag:s20] =	ssyncset.done $0x0  }
0x79: {  	[sflag:s20] =	ssyncadd.s32 $0xFFFFE800  }
0x7a: {  	[bflag:$0x0] =	sbarrier.arrive $0xFFFF  }
0x7b: {  	[tilespmem:s22], [sflag:$0x4] =	stream.indirect.gather [spmem:s1], $0x80, s4, s21, $0xb8;
	[tilespmem:$0x1F400] =	vst v63  }
0x7c: {  	_ =	swait.ge [sflag:s25], $0x4000  }
.Ltmp7:
0x7d: {  	[sflag:s25] =	ssyncset.done $0x0;
	(pc) =	sbr.rel .LBB2_7-.Ltmp7, $4  }
0x7e: {  	[sflag:s25] =	ssyncadd.s32 $0xFFFFC000  }
0x7f: {  	[spmem:s2] =	stream.indirect.scatter.add.f32 [tilespmem:s22], [sflag:$0x6], $0x80, s18, s21, $0xb8;
	[tilespmem:$0x1F400] =	vst v63  }
0x80: {  	s8 =	simm.s32 $0x1880;
	s9 =	simm.s32 $0xFFFFFFD1;
	s7 =	simm.s32 $0x100  }
0x81: {  	[tilespmem:s26], [sflag:$0x5] =	stream.indirect.gather [spmem:s1], $0x80, s21, s21, $0xb8;
	[tilespmem:$0x1F400] =	vst v63  }
.LBB2_14:
0x82: {  	_ =	swait.ge [sflag:s25], $0x4000  }
0x83: {  	[sflag:s25] =	ssyncset.done $0x0  }
0x84: {  	[sflag:s25] =	ssyncadd.s32 $0xFFFFC000  }
0x85: {  	[spmem:s2] =	stream.indirect.scatter.add.f32 [tilespmem:s22], [sflag:$0x6], $0x80, s8, s21, $0xb8;
	[tilespmem:$0x1F400] =	vst v63  }
0x86: {  	_ =	swait.ge [sflag:s30], $0x4000  }
0x87: {  	[sflag:s30] =	ssyncset.done $0x0  }
0x88: {  	[sflag:s30] =	ssyncadd.s32 $0xFFFFC000  }
0x89: {  	[tilespmem:s26], [sflag:$0x5] =	stream.indirect.gather [spmem:s1], $0x80, s7, s21, $0xb8;
	[tilespmem:$0x1F400] =	vst v63  }
.LBB2_10:
0x8a: {  	s9 =	sadd.s32 $0x1, s9  }
0x8b: {  	p1 =	seq.s32 s9, $0x0  }
.Ltmp8:
0x8c: {  	_ = 	snop;
	(pc) =	sbr.rel @p1 .LBB2_11-.Ltmp8, $2  }
0x8d: {  	_ =	sdelay $0x2  }
0x8e: {  	s7 =	sadd.s32 $0x80, s7;
	s8 =	sadd.s32 $0x80, s8  }
.LBB2_7:
0x8f: {  	s10 =	sand.u32 $0x1, s9  }
0x90: {  	p1 =	seq.s32 s10, $0x0  }
.Ltmp9:
0x91: {  	_ = 	snop;
	(pc) =	sbr.rel @p1 .LBB2_14-.Ltmp9, $1  }
0x92: {  	_ =	sdelay $0x3  }
0x93: {  	_ =	swait.ge [sflag:s28], $0x4000  }
0x94: {  	p1 =	seq.s32 s9, $0xFFFFFFFF;
	[sflag:s28] =	ssyncset.done $0x0  }
.Ltmp10:
0x95: {  	[sflag:s28] =	ssyncadd.s32 $0xFFFFC000;
	(pc) =	sbr.rel @p1 .LBB2_11-.Ltmp10, $4  }
0x96: {  	[spmem:s2] =	stream.indirect.scatter.add.f32 [tilespmem:s26], [sflag:$0x7], $0x80, s8, s21, $0xb8;
	[tilespmem:$0x1F400] =	vst v63  }
0x97: {  	_ =	swait.ge [sflag:s29], $0x4000  }
0x98: {  	[sflag:s29] =	ssyncset.done $0x0  }
0x99: {  	[sflag:s29] =	ssyncadd.s32 $0xFFFFC000  }
.Ltmp11:
0x9a: {  	(pc) =	sbr.rel .LBB2_10-.Ltmp11, $2  }
0x9b: {  	_ =	sdelay $0x2  }
0x9c: {  	[tilespmem:s22], [sflag:$0x4] =	stream.indirect.gather [spmem:s1], $0x80, s7, s21, $0xb8;
	[tilespmem:$0x1F400] =	vst v63  }
.LBB2_12:
0x9d: {  	_ =	sfence.sel $0x180000  }
0x9e: {  	[bflag:$0x0] =	sbarrier.arrive $0xFFFF  }
0x9f: {  	_ =	strace $0x9000004A  }
0xa0: {  	s0 =	stileid.u32;
	[bflag:$0x2] =	sbarrier.arrive $0xFFFF  }
0xa1: {  	p0 =	sne.s32 s0, $0x0;
	s0 =	rddreg [dreg:$0x5]  }
0xa2: {  	s0 =	sadd.s32 @!p0 $0x100000, s0  }
0xa3: {  	[sflag:s0] =	ssyncadd.tile.s32 @!p0 $0x1;
	_ =	shalt  }
.Lfunc_end2:
_tile_overlayer_lowered:
.L_overlay_start_2:
0xa4: {  	(tag) =	ssettag $0x2  }
0xa5: {  	s0 =	rddreg [dreg:$0x0];
	s2 =	stileid.u32  }
0xa6: {  	s1 =	rddreg [dreg:$0x1];
	p0 =	sne.s32 s2, $0x0  }
0xa7: {  	s3 =	rddreg [dreg:$0x2];
	[bflag:$0x3] =	sbarrier.arrive $0xFFFF;
	s2 =	simm.s32 @!p0 $0x1C08  }
0xa8: {  	[timem:s3], [sflag:s2] =	dma.local @!p0 [hbm:s0], s1  }
0xa9: {  	s0 =	simm.s32 @!p0 $0x8  }
0xaa: {  	_ =	swait.ge @!p0 [sflag:s0], s1  }
0xab: {  	s1 =	ssub.s32 @!p0 $0x0, s1;
	[sflag:s0] =	ssyncset.done @!p0 $0x0  }
0xac: {  	[sflag:s0] =	ssyncadd.s32 @!p0 s1  }
0xad: {  	[bflag:$0x3] =	sbarrier.arrive $0xFFFF  }
0xae: {  	_ =	shalt  }

// kernel: kernel.18.cloned.1.call-start
scs
__scs_entry_jumppad:
0x0: {  	(pc) =	sbr.rel $0x88, $3  }
0x1: {  	(tag) =	ssettag $0x0;
	lr =	simm.s32 $0x1  }
0x2: {  	[smem:$0x3F97] =	sst lr;
	_ =	strace $0xD0000000  }
0x3: {  	_ = 	snop  }
0x4: {  	_ = 	snop  }
0x5: {  	_ = 	snop  }
0x6: {  	_ = 	snop  }
0x7: {  	_ = 	snop  }
__scs_overlays_trampoline_lowered:
0x8: {  	[smem:$0x3FA6] =	sst s0  }
0x9: {  	[smem:$0x3FA7] =	sst s1  }
0xa: {  	[smem:$0x3FA8] =	sst s2  }
0xb: {  	[smem:$0x3FA9] =	sst s3  }
0xc: {  	[smem:$0x3FAA] =	sst s4  }
0xd: {  	[smem:$0x3FAB] =	sst s5  }
0xe: {  	[smem:$0x3FAC] =	sst s6  }
0xf: {  	[smem:$0x3FAD] =	sst s7  }
0x10: {  	[smem:$0x3FAE] =	sst s8  }
0x11: {  	[smem:$0x3FAF] =	sst s9;
	s0 =	simm.s32 @!p0 $0x0  }
0x12: {  	s1 =	sld [smem:$0x3F95];
	s0 =	simm.s32 @p0 $0x1  }
0x13: {  	[smem:$0x3FB0] =	sst s0;
	s0 =	simm.s32 @!p1 $0x0  }
0x14: {  	s2 =	sld [smem:$0x3F94];
	s0 =	simm.s32 @p1 $0x1  }
0x15: {  	[smem:$0x3FB1] =	sst s0;
	s0 =	simm.s32 @!p2 $0x0  }
0x16: {  	s3 =	sld [smem:$0x3FDB];
	s0 =	simm.s32 @p2 $0x1  }
0x17: {  	s4 =	simm.s32 $0x1BF5;
	[smem:$0x3FB3] =	sst s0  }
0x18: {  	s0 =	sld [smem:$0x3F96];
	_ =	swait.ge [sflag:s4], $0x0  }
0x19: {  	s7 =	sld [smem:$0x3F97]  }
0x1a: {  	s8 =	sadd.s32 $0xFFFFE003, lr  }
0x1b: {  	s9 =	sadd.s32 $0xFFFFFEF7, lr;
	s5 =	simm.s32 $0xFFFFFFFF;
	p2 =	slt.u32 s8, $0xFFFFF086  }
0x1c: {  	p1 =	slt.u32 s9, $0xF7A;
	s5 =	simm.s32 @!p2 $0x0  }
0x1d: {  	s5 =	simm.s32 @p1 $0x1;
	p0 =	seq.s32 s7, s2  }
0x1e: {  	s7 =	smul.u32 @!p0 $0xF7A, s2;
	p2 =	seq.s32 @!p0 s5, $0x0  }
0x1f: {  	s9 =	smul.u32 $0xF7A, s1;
	s8 =	simm.s32 @!p0 $0x1BF5;
	p2 =	por !p2, p0  }
0x20: {  	[sflag:s8] =	ssyncset.s32 @!p0 $0xFFFFF086;
	s6 =	sadd.s32 @!p0 s3, s7;
	s7 =	simm.s32 @!p0 $0x108  }
0x21: {  	s3 =	sadd.s32 s3, s9;
	s6 =	sadd.s32 @!p0 $0x88, s6;
	s7 =	simm.s32 @p2 $0x1082  }
0x22: {  	[simem:s7], [sflag:s8] =	dma.local @!p0 [hbm:s6], $0xF7A  }
0x23: {  	s9 =	sor.u32 $0xD0000000, s2;
	s6 =	simm.s32 $0x108;
	_ =	swait.ge @!p0 [sflag:s8], $0x0  }
0x24: {  	s3 =	sadd.s32 $0x88, s3;
	s6 =	simm.s32 @!p1 $0x1082;
	[sflag:s4] =	ssyncset.s32 $0xFFFFF086  }
0x25: {  	[simem:s6], [sflag:s4] =	dma.local [hbm:s3], $0xF7A  }
0x26: {  	[smem:$0x3F97] =	sst s1;
	(tag) =	ssettag s2;
	_ =	strace s9  }
0x27: {  	s1 =	sld [smem:$0x3FA7]  }
0x28: {  	s2 =	sld [smem:$0x3FA8]  }
0x29: {  	s4 =	sld [smem:$0x3FAA]  }
0x2a: {  	p0 =	seq.s32 s5, $0x0;
	s5 =	sld [smem:$0x3FAB]  }
0x2b: {  	s6 =	sld [smem:$0x3FAC]  }
0x2c: {  	s7 =	sld [smem:$0x3FAD]  }
0x2d: {  	s3 =	simm.s32 $0x108;
	s8 =	sld [smem:$0x3FAE]  }
0x2e: {  	s3 =	simm.s32 @!p0 $0x1082;
	s9 =	sld [smem:$0x3FAF]  }
0x2f: {  	lr =	sadd.s32 s0, s3;
	s0 =	sld [smem:$0x3FA6]  }
0x30: {  	s3 =	sld [smem:$0x3FA9]  }
0x31: {  	[smem:$0x3FB2] =	sst s10  }
0x32: {  	s10 =	sld [smem:$0x3FB0];
	_ =	sdelay $0x3  }
0x33: {  	p0 =	seq.s32 s10, $0x1;
	s10 =	sld [smem:$0x3FB2];
	_ =	sdelay $0x3  }
0x34: {  	[smem:$0x3FB2] =	sst s10  }
0x35: {  	s10 =	sld [smem:$0x3FB1];
	_ =	sdelay $0x3  }
0x36: {  	p1 =	seq.s32 s10, $0x1;
	s10 =	sld [smem:$0x3FB2];
	_ =	sdelay $0x3  }
0x37: {  	[smem:$0x3FB2] =	sst s10  }
0x38: {  	s10 =	sld [smem:$0x3FB3]  }
0x39: {  	_ = 	snop;
	(pc) =	sbr.ind lr, $3  }
0x3a: {  	_ = 	snop  }
0x3b: {  	_ = 	snop  }
0x3c: {  	p2 =	seq.s32 s10, $0x1;
	s10 =	sld [smem:$0x3FB2]  }
0x3d: {  	_ =	shalt  }
0x3e: {  	_ =	shalt  }
0x3f: {  	_ =	shalt  }
0x40: {  	_ =	shalt  }
0x41: {  	_ =	shalt  }
0x42: {  	_ =	shalt  }
0x43: {  	_ =	shalt  }
0x44: {  	_ =	shalt  }
0x45: {  	_ =	shalt  }
0x46: {  	_ =	shalt  }
0x47: {  	_ =	shalt  }
0x48: {  	_ =	shalt  }
0x49: {  	_ =	shalt  }
0x4a: {  	_ =	shalt  }
0x4b: {  	_ =	shalt  }
0x4c: {  	_ =	shalt  }
0x4d: {  	_ =	shalt  }
0x4e: {  	_ =	shalt  }
0x4f: {  	_ =	shalt  }
0x50: {  	_ =	shalt  }
0x51: {  	_ =	shalt  }
0x52: {  	_ =	shalt  }
0x53: {  	_ =	shalt  }
0x54: {  	_ =	shalt  }
0x55: {  	_ =	shalt  }
0x56: {  	_ =	shalt  }
0x57: {  	_ =	shalt  }
0x58: {  	_ =	shalt  }
0x59: {  	_ =	shalt  }
0x5a: {  	_ =	shalt  }
0x5b: {  	_ =	shalt  }
0x5c: {  	_ =	shalt  }
0x5d: {  	_ =	shalt  }
0x5e: {  	_ =	shalt  }
0x5f: {  	_ =	shalt  }
0x60: {  	_ =	shalt  }
0x61: {  	_ =	shalt  }
0x62: {  	_ =	shalt  }
0x63: {  	_ =	shalt  }
0x64: {  	_ =	shalt  }
0x65: {  	_ =	shalt  }
0x66: {  	_ =	shalt  }
0x67: {  	_ =	shalt  }
0x68: {  	_ =	shalt  }
0x69: {  	_ =	shalt  }
0x6a: {  	_ =	shalt  }
0x6b: {  	_ =	shalt  }
0x6c: {  	_ =	shalt  }
0x6d: {  	_ =	shalt  }
0x6e: {  	_ =	shalt  }
0x6f: {  	_ =	shalt  }
0x70: {  	_ =	shalt  }
0x71: {  	_ =	shalt  }
0x72: {  	_ =	shalt  }
0x73: {  	_ =	shalt  }
0x74: {  	_ =	shalt  }
0x75: {  	_ =	shalt  }
0x76: {  	_ =	shalt  }
0x77: {  	_ =	shalt  }
0x78: {  	_ =	shalt  }
0x79: {  	_ =	shalt  }
0x7a: {  	_ =	shalt  }
0x7b: {  	_ =	shalt  }
0x7c: {  	_ =	shalt  }
0x7d: {  	_ =	shalt  }
0x7e: {  	_ =	shalt  }
0x7f: {  	_ =	shalt  }
0x80: {  	_ =	shalt  }
0x81: {  	_ =	shalt  }
0x82: {  	_ =	shalt  }
0x83: {  	_ =	shalt  }
0x84: {  	_ =	shalt  }
0x85: {  	_ =	shalt  }
0x86: {  	_ =	shalt  }
0x87: {  	_ =	shalt  }
.Lfunc_end0:
.L_simem_size_0:
called_computation.2_lowered:
.L_overlay_start_0:
0x88: {  	s2 =	sld [smem:$0x3FD9]  }
0x89: {  	s3 =	sld [smem:$0x3FFE];
	_ =	sdelay $0x1  }
0x8a: {  	s1 =	srdreg.scid  }
0x8b: {  	s0 =	sand.u32 $0x1, s1  }
0x8c: {  	s14 =	sshll.u32 s0, $0xA;
	s2 =	sadd.s32 s3, s2  }
0x8d: {  	s2 =	sadd.s32 s2, s14  }
0x8e: {  	[smem:$0x3FBE] =	sst s2  }
0x8f: {  	_ = 	snop  }
0x90: {  	s2 =	sld [smem:$0x3FD0];
	_ =	sdelay $0x2  }
0x91: {  	s15 =	simm.s32 $0xA;
	s4 =	simm.s32 $0x10  }
0x92: {  	[smem:s4], [sflag:s15] =	dma.local [hbm:s2], $0x1  }
0x93: {  	_ =	swait.eq [sflag:s15], $0x1  }
0x94: {  	[sflag:s15] =	ssyncset.done $0x0  }
0x95: {  	s16 =	sld [smem:$0x10];
	[sflag:s15] =	ssyncadd.s32 $0xFFFFFFFF  }
0x96: {  	s17 =	sld [smem:$0x12];
	(tm) =	ssettm $0x1  }
0x97: {  	s18 =	sld [smem:$0x3FFB];
	_ =	sdelay $0x3  }
0x98: {  	_ =	strace s18  }
0x99: {  	s4 =	sld [smem:$0x3FFC];
	_ =	sdelay $0x3  }
0x9a: {  	_ =	strace s4  }
0x9b: {  	s4 =	sld [smem:$0x3FFD];
	_ =	sdelay $0x3  }
0x9c: {  	_ =	strace s4  }
0x9d: {  	_ =	strace $0x8FFFFFFF  }
0x9e: {  	s19 =	sld [smem:$0x3FDB];
	_ =	sdelay $0x1  }
0x9f: {  	s5 =	simm.s32 $_scs_section_size  }
0xa0: {  	s6 =	simm.s32 $_size__tile_overlayer_lowered;
	s7 =	simm.s32 $_tile_overlayer_lowered  }
0xa1: {  	s22 =	simm.s32 $0x1BFF;
	s21 =	sshll.u32 s7, $0x1;
	s4 =	sadd.s32 s5, s19  }
0xa2: {  	s8 =	simm.s32 $0x0;
	s20 =	sshll.u32 s6, $0x1;
	s6 =	sadd.s32 s21, s4  }
0xa3: {  	[timem:s8], [sflag:s22] =	dma.local [hbm:s6], s20  }
0xa4: {  	_ =	swait.ge [sflag:s22], s20  }
0xa5: {  	s5 =	ssub.s32 $0x0, s20;
	[sflag:s22] =	ssyncset.done $0x0  }
0xa6: {  	[sflag:s22] =	ssyncadd.s32 s5;
	_ =	sdelay $0x1  }
0xa7: {  	s23 =	simm.s32 $0x1B8B  }
0xa8: {  	_ =	swait.ge [sflag:s23], $0x1  }
0xa9: {  	[sflag:s23] =	ssyncset.done $0x0  }
0xaa: {  	s25 =	simm.s32 $0x1B8E;
	s24 =	sld [smem:$0x3FFE];
	[sflag:s23] =	ssyncadd.s32 $0xFFFFFFFF  }
0xab: {  	s26 =	simm.s32 $execute0_lowered;
	[smem:$0x3FD2] =	sst s25  }
0xac: {  	s6 =	sshll.u32 s26, $0x1;
	_ =	strace $0x8000004C;
	[dreg:$0x1] =	wrdreg $0xFFFFFFFF  }
0xad: {  	s28 =	simm.s32 $_size_execute0_lowered;
	s4 =	sadd.s32 s4, s6;
	[dreg:$0x0] =	wrdreg $0x0  }
0xae: {  	s6 =	sshll.u32 s28, $0x1;
	[dreg:$0x2] =	wrdreg s4  }
0xaf: {  	[dreg:$0x3] =	wrdreg s6  }
0xb0: {  	[dreg:$0x4] =	wrdreg $0xC0  }
0xb1: {  	_ =	task [dreg:s8], $0x5FFFF  }
0xb2: {  	[dreg:$0x1] =	wrdreg $0xFFFFFFFF  }
0xb3: {  	[dreg:$0x0] =	wrdreg $0x60  }
0xb4: {  	[dreg:$0x2] =	wrdreg s17  }
0xb5: {  	[dreg:$0x3] =	wrdreg s16  }
0xb6: {  	[dreg:$0x4] =	wrdreg s24  }
0xb7: {  	[dreg:$0x5] =	wrdreg $0xB0000  }
0xb8: {  	[dreg:$0x6] =	wrdreg $0x150000  }
0xb9: {  	[dreg:$0x7] =	wrdreg $0x9  }
0xba: {  	_ =	task.clear_ibuf [dreg:s8], $0x8FFFF;
	_ =	strace $0x9000004C  }
0xbb: {  	s29 =	simm.s32 $0x9;
	_ =	strace $0x8000004E  }
0xbc: {  	_ =	swait.ge [sflag:s29], $0x1  }
0xbd: {  	[sflag:s29] =	ssyncadd.s32 $0xFFFFFFFF  }
0xbe: {  	_ =	strace $0x9000004E  }
0xbf: {  	_ =	sfence  }
0xc0: {  	s30 =	sld [smem:$0x0];
	_ =	sdelay $0x2  }
0xc1: {  	s31 =	sshll.u32 s1, $0xD;
	s1 =	sshrl.u32 s1, $0x2  }
0xc2: {  	s3 =	sand.u32 $0x4000, s31;
	s1 =	sadd.s32 s1, s30  }
0xc3: {  	s0 =	sor.u32 s3, s0;
	s1 =	sshll.u32 s1, $0x11  }
0xc4: {  	s0 =	sor.u32 s1, s0  }
0xc5: {  	s0 =	sadd.s32 $0x8F2B, s0  }
0xc6: {  	[sflag:s0] =	ssyncadd.remote.s32 $0x1  }
0xc7: {  	_ =	sfence.sel $0xFFFF  }
0xc8: {  	[dreg:$0x0] =	wrdreg $0xFFFFFFFF;
	(pc) =	sbr.abs _section_cstart, $3  }
0xc9: {  	[dreg:$0x1] =	wrdreg $0xFFFFFFFF  }
0xca: {  	_ =	task.clear_ibuf [dreg:s8], $0x2FFFF;
	_ =	strace $0x9FFFFFFF  }
0xcb: {  	(tm) =	ssettm $0x7FFFFFFF  }
tec
execute0_lowered:
.L_overlay_start_1:
0x0: {  	(tag) =	ssettag $0x1  }
0x1: {  	s0 =	rddreg [dreg:$0x0]  }
0x2: {  	s3 =	rddreg [dreg:$0x1]  }
0x3: {  	s6 =	rddreg [dreg:$0x2]  }
0x4: {  	s1 =	rddreg [dreg:$0x3]  }
0x5: {  	s2 =	rddreg [dreg:$0x4];
	s4 =	simm.s32 $0x0;
	s20 =	stileid.u32  }
0x6: {  	s5 =	srdreg.scid;
	s28 =	simm.s32 $0x5;
	s10 =	smul.u32 $0x138, s20  }
0x7: {  	s29 =	simm.s32 $0x6;
	s30 =	simm.s32 $0x7;
	s12 =	smul.u32 $0x27000, s20  }
0x8: {  	s31 =	simm.s32 $0x8;
	[smem:$0x7FF] =	sst s4;
	s14 =	smul.u32 $0x148, s20  }
0x9: {  	s7 =	sand.u32 $0x1, s5;
	s9 =	sadd.s32 $0x3600, s6;
	s18 =	smul.u32 $0x29000, s20  }
0xa: {  	s5 =	sadd.s32 $0xF600, s6;
	s13 =	sadd.s32 $0x10C00, s6;
	s8 =	smul.u32 $0x1388, s7  }
0xb: {  	p0 =	seq.s32 s20, $0xF;
	s11 =	ssub.s32 $0x2, s7;
	s21 =	smul.u32 $0x6000, s7  }
0xc: {  	_ =	strace $0x8000004D;
	s22 =	smul.u32 $0x2900, s7;
	s16 =	sshrl.u32 s11, $0x1  }
0xd: {  	s7 =	sshllo.u32 s7, $0x1;
	s19 =	sshrl.u32 s12, $0x2;
	s11 =	ssub.s32 s11, s16  }
0xe: {  	s17 =	sadd.s32 s10, s8;
	s15 =	sadd.s32 s19, s1;
	s8 =	sshrl.u32 s18, $0x2  }
0xf: {  	s16 =	sadd.s32 $0x92400, s1;
	s18 =	sadd.s32 s3, s21;
	s10 =	sadd.s32 s14, s22  }
0x10: {  	s19 =	sadd.s32 s9, s21;
	s21 =	simm.s32 $0x80;
	s22 =	simm.s32 $0x3000  }
0x11: {  	s6 =	sshll.u32 s17, $0x4;
	s8 =	sadd.s32 s8, s2;
	s17 =	smul.u32 $0x1480, s7  }
0x12: {  	s7 =	smul.u32 $0x3000, s7;
	s10 =	sshll.u32 s10, $0x4;
	s26 =	smax.u32 s11, $0x1  }
0x13: {  	s12 =	sshrl.u32 @!p0 s15, $0x3;
	s6 =	sadd.s32 s0, s6;
	s0 =	smul.u32 $0x300, s20  }
0x14: {  	s10 =	sadd.s32 s13, s10;
	[dreg:$0x8] =	wrdreg s26;
	s15 =	sshrl.u32 s8, $0x3  }
0x15: {  	s26 =	simm.s32 $0x7000;
	s23 =	sadd.s32 s14, s17;
	[dreg:$0x6] =	wrdreg s10  }
0x16: {  	s3 =	sadd.s32 s3, s7;
	s7 =	sadd.s32 s9, s7;
	s9 =	sshrl.u32 @p0 s16, $0x3  }
0x17: {  	s24 =	sshll.u32 s23, $0x4;
	[dreg:$0x9] =	wrdreg s9;
	s9 =	sshll.u32 @!p0 s20, $0x6  }
.Ltmp0:
0x18: {  	s16 =	sadd.s32 s0, s18;
	s17 =	sadd.s32 s0, s19;
	(pc) =	sbr.rel .LBB2_1-.Ltmp0, $4  }
0x19: {  	s18 =	simm.s32 $0x1800;
	s19 =	simm.s32 $0x3;
	s23 =	sadd.s32 s0, s3  }
0x1a: {  	s25 =	sadd.s32 s13, s24;
	s11 =	sor.u32 @!p0 $0x1C01, s9;
	s13 =	sshll.u32 s20, $0x6  }
0x1b: {  	s20 =	simm.s32 $0x2;
	s24 =	sadd.s32 s0, s7;
	s0 =	simm.s32 $0x0  }
0x1c: {  	[dreg:$0x7] =	wrdreg s25;
	s14 =	sor.u32 $0x1C03, s13;
	s25 =	simm.s32 $0x4  }
.LBB2_11:
0x1d: {  	_ =	swait.ge [sflag:s30], $0x4000  }
0x1e: {  	[sflag:s30] =	ssyncset.done $0x0  }
0x1f: {  	[sflag:s30] =	ssyncadd.s32 $0xFFFFC000  }
0x20: {  	[bflag:$0x0] =	sbarrier.arrive $0xFFFF  }
0x21: {  	s7 =	rddreg [dreg:$0x7]  }
0x22: {  	[hbm:s7], [sflag:s3] =	dma.local [spmem:s15], $0x1480  }
0x23: {  	_ =	swait.ge [sflag:s31], $0x1480  }
0x24: {  	s0 =	sadd.s32 $0x1, s0;
	s10 =	rddreg [dreg:$0x8]  }
0x25: {  	p1 =	sne.s32 s0, s10  }
.Ltmp1:
0x26: {  	_ = 	snop;
	(pc) =	sbr.rel @!p1 .LBB2_12-.Ltmp1, $3  }
0x27: {  	_ =	sdelay $0x1  }
0x28: {  	[sflag:s31] =	ssyncset.done $0x0  }
0x29: {  	[sflag:s31] =	ssyncadd.s32 $0xFFFFEB80  }
.LBB2_1:
0x2a: {  	s3 =	simm.s32 @p0 $0x1FC1;
	s7 =	rddreg [dreg:$0x9]  }
0x2b: {  	[spmem:s7], [sflag:s3] =	dma.local @p0 [hbm:s6], $0x1400  }
0x2c: {  	s3 =	simm.s32 @p0 $0x1  }
0x2d: {  	_ =	swait.ge @p0 [sflag:s3], $0x1400  }
0x2e: {  	[sflag:s3] =	ssyncset.done @p0 $0x0  }
0x2f: {  	[sflag:s3] =	ssyncadd.s32 @p0 $0xFFFFEC00;
	s3 =	simm.s32 @!p0 $0x1  }
0x30: {  	[spmem:s12], [sflag:s11] =	dma.local @!p0 [hbm:s6], $0x1380  }
0x31: {  	_ =	swait.ge @!p0 [sflag:s3], $0x1380  }
0x32: {  	[sflag:s3] =	ssyncset.done @!p0 $0x0  }
0x33: {  	[sflag:s3] =	ssyncadd.s32 @!p0 $0xFFFFEC80  }
0x34: {  	[spmem:s15], [sflag:s14] =	dma.local [hbm:s5], $0x1480  }
0x35: {  	[tilespmem:s4], [sflag:$0x2] =	stream.linear.gather [hbm4b:s16+s4], $0x1800, $0x38;
	[tilespmem:$0x1F400] =	vst v63  }
0x36: {  	_ = 	snop  }
0x37: {  	[tilespmem:s18], [sflag:$0x2] =	stream.linear.gather [hbm4b:s17+s4], $0x1800, $0x38;
	[tilespmem:$0x1F400] =	vst v63  }
0x38: {  	_ =	swait.ge [sflag:s19], $0x1480  }
0x39: {  	[sflag:s19] =	ssyncset.done $0x0  }
0x3a: {  	[sflag:s19] =	ssyncadd.s32 $0xFFFFEB80  }
0x3b: {  	_ =	swait.ge [sflag:s20], $0x1800  }
0x3c: {  	[sflag:s20] =	ssyncset.done $0x0  }
0x3d: {  	[sflag:s20] =	ssyncadd.s32 $0xFFFFE800  }
0x3e: {  	_ =	swait.ge [sflag:s20], $0x1800  }
0x3f: {  	[sflag:s20] =	ssyncset.done $0x0  }
0x40: {  	[sflag:s20] =	ssyncadd.s32 $0xFFFFE800  }
0x41: {  	[bflag:$0x0] =	sbarrier.arrive $0xFFFF  }
0x42: {  	[tilespmem:s22], [sflag:$0x4] =	stream.indirect.gather [spmem:s1], $0x80, s4, s21, $0xb8;
	[tilespmem:$0x1F400] =	vst v63  }
0x43: {  	_ =	swait.ge [sflag:s25], $0x4000  }
.Ltmp2:
0x44: {  	[sflag:s25] =	ssyncset.done $0x0;
	(pc) =	sbr.rel .LBB2_2-.Ltmp2, $4  }
0x45: {  	[sflag:s25] =	ssyncadd.s32 $0xFFFFC000  }
0x46: {  	[spmem:s2] =	stream.indirect.scatter.add.f32 [tilespmem:s22], [sflag:$0x6], $0x80, s18, s21, $0xb8;
	[tilespmem:$0x1F400] =	vst v63  }
0x47: {  	s8 =	simm.s32 $0xFFFFFFD1;
	s7 =	simm.s32 $0x1880;
	s3 =	simm.s32 $0x100  }
0x48: {  	[tilespmem:s26], [sflag:$0x5] =	stream.indirect.gather [spmem:s1], $0x80, s21, s21, $0xb8;
	[tilespmem:$0x1F400] =	vst v63  }
.LBB2_13:
0x49: {  	_ =	swait.ge [sflag:s25], $0x4000  }
0x4a: {  	[sflag:s25] =	ssyncset.done $0x0  }
0x4b: {  	[sflag:s25] =	ssyncadd.s32 $0xFFFFC000  }
0x4c: {  	[spmem:s2] =	stream.indirect.scatter.add.f32 [tilespmem:s22], [sflag:$0x6], $0x80, s7, s21, $0xb8;
	[tilespmem:$0x1F400] =	vst v63  }
0x4d: {  	_ =	swait.ge [sflag:s30], $0x4000  }
0x4e: {  	[sflag:s30] =	ssyncset.done $0x0  }
0x4f: {  	[sflag:s30] =	ssyncadd.s32 $0xFFFFC000  }
0x50: {  	[tilespmem:s26], [sflag:$0x5] =	stream.indirect.gather [spmem:s1], $0x80, s3, s21, $0xb8;
	[tilespmem:$0x1F400] =	vst v63  }
.LBB2_5:
0x51: {  	s8 =	sadd.s32 $0x1, s8  }
0x52: {  	p1 =	seq.s32 s8, $0x0  }
.Ltmp3:
0x53: {  	_ = 	snop;
	(pc) =	sbr.rel @p1 .LBB2_6-.Ltmp3, $2  }
0x54: {  	_ =	sdelay $0x2  }
0x55: {  	s3 =	sadd.s32 $0x80, s3;
	s7 =	sadd.s32 $0x80, s7  }
.LBB2_2:
0x56: {  	s9 =	sand.u32 $0x1, s8  }
0x57: {  	p1 =	seq.s32 s9, $0x0  }
.Ltmp4:
0x58: {  	_ = 	snop;
	(pc) =	sbr.rel @p1 .LBB2_13-.Ltmp4, $1  }
0x59: {  	_ =	sdelay $0x3  }
0x5a: {  	_ =	swait.ge [sflag:s28], $0x4000  }
0x5b: {  	p1 =	seq.s32 s8, $0xFFFFFFFF;
	[sflag:s28] =	ssyncset.done $0x0  }
.Ltmp5:
0x5c: {  	[sflag:s28] =	ssyncadd.s32 $0xFFFFC000;
	(pc) =	sbr.rel @p1 .LBB2_6-.Ltmp5, $4  }
0x5d: {  	[spmem:s2] =	stream.indirect.scatter.add.f32 [tilespmem:s26], [sflag:$0x7], $0x80, s7, s21, $0xb8;
	[tilespmem:$0x1F400] =	vst v63  }
0x5e: {  	_ =	swait.ge [sflag:s29], $0x4000  }
0x5f: {  	[sflag:s29] =	ssyncset.done $0x0  }
0x60: {  	[sflag:s29] =	ssyncadd.s32 $0xFFFFC000  }
.Ltmp6:
0x61: {  	(pc) =	sbr.rel .LBB2_5-.Ltmp6, $2  }
0x62: {  	_ =	sdelay $0x2  }
0x63: {  	[tilespmem:s22], [sflag:$0x4] =	stream.indirect.gather [spmem:s1], $0x80, s3, s21, $0xb8;
	[tilespmem:$0x1F400] =	vst v63  }
.LBB2_6:
0x64: {  	_ =	swait.ge [sflag:s30], $0x4000  }
0x65: {  	[sflag:s30] =	ssyncset.done $0x0  }
0x66: {  	[sflag:s30] =	ssyncadd.s32 $0xFFFFC000  }
0x67: {  	[bflag:$0x0] =	sbarrier.arrive $0xFFFF  }
0x68: {  	s3 =	sor.u32 $0x1C08, s13;
	s7 =	rddreg [dreg:$0x6]  }
0x69: {  	[hbm:s7], [sflag:s3] =	dma.local [spmem:s15], $0x1480  }
0x6a: {  	_ =	swait.ge [sflag:s31], $0x1480  }
0x6b: {  	[sflag:s31] =	ssyncset.done $0x0  }
0x6c: {  	[sflag:s31] =	ssyncadd.s32 $0xFFFFEB80  }
0x6d: {  	[spmem:s15], [sflag:s14] =	dma.local [hbm:s5], $0x1480  }
0x6e: {  	[tilespmem:s4], [sflag:$0x2] =	stream.linear.gather [hbm4b:s23+s4], $0x1800, $0x38;
	[tilespmem:$0x1F400] =	vst v63  }
0x6f: {  	_ = 	snop  }
0x70: {  	[tilespmem:s18], [sflag:$0x2] =	stream.linear.gather [hbm4b:s24+s4], $0x1800, $0x38;
	[tilespmem:$0x1F400] =	vst v63  }
0x71: {  	_ =	swait.ge [sflag:s19], $0x1480  }
0x72: {  	[sflag:s19] =	ssyncset.done $0x0  }
0x73: {  	[sflag:s19] =	ssyncadd.s32 $0xFFFFEB80  }
0x74: {  	_ =	swait.ge [sflag:s20], $0x1800  }
0x75: {  	[sflag:s20] =	ssyncset.done $0x0  }
0x76: {  	[sflag:s20] =	ssyncadd.s32 $0xFFFFE800  }
0x77: {  	_ =	swait.ge [sflag:s20], $0x1800  }
0x78: {  	[sflag:s20] =	ssyncset.done $0x0  }
0x79: {  	[sflag:s20] =	ssyncadd.s32 $0xFFFFE800  }
0x7a: {  	[bflag:$0x0] =	sbarrier.arrive $0xFFFF  }
0x7b: {  	[tilespmem:s22], [sflag:$0x4] =	stream.indirect.gather [spmem:s1], $0x80, s4, s21, $0xb8;
	[tilespmem:$0x1F400] =	vst v63  }
0x7c: {  	_ =	swait.ge [sflag:s25], $0x4000  }
.Ltmp7:
0x7d: {  	[sflag:s25] =	ssyncset.done $0x0;
	(pc) =	sbr.rel .LBB2_7-.Ltmp7, $4  }
0x7e: {  	[sflag:s25] =	ssyncadd.s32 $0xFFFFC000  }
0x7f: {  	[spmem:s2] =	stream.indirect.scatter.add.f32 [tilespmem:s22], [sflag:$0x6], $0x80, s18, s21, $0xb8;
	[tilespmem:$0x1F400] =	vst v63  }
0x80: {  	s8 =	simm.s32 $0x1880;
	s9 =	simm.s32 $0xFFFFFFD1;
	s7 =	simm.s32 $0x100  }
0x81: {  	[tilespmem:s26], [sflag:$0x5] =	stream.indirect.gather [spmem:s1], $0x80, s21, s21, $0xb8;
	[tilespmem:$0x1F400] =	vst v63  }
.LBB2_14:
0x82: {  	_ =	swait.ge [sflag:s25], $0x4000  }
0x83: {  	[sflag:s25] =	ssyncset.done $0x0  }
0x84: {  	[sflag:s25] =	ssyncadd.s32 $0xFFFFC000  }
0x85: {  	[spmem:s2] =	stream.indirect.scatter.add.f32 [tilespmem:s22], [sflag:$0x6], $0x80, s8, s21, $0xb8;
	[tilespmem:$0x1F400] =	vst v63  }
0x86: {  	_ =	swait.ge [sflag:s30], $0x4000  }
0x87: {  	[sflag:s30] =	ssyncset.done $0x0  }
0x88: {  	[sflag:s30] =	ssyncadd.s32 $0xFFFFC000  }
0x89: {  	[tilespmem:s26], [sflag:$0x5] =	stream.indirect.gather [spmem:s1], $0x80, s7, s21, $0xb8;
	[tilespmem:$0x1F400] =	vst v63  }
.LBB2_10:
0x8a: {  	s9 =	sadd.s32 $0x1, s9  }
0x8b: {  	p1 =	seq.s32 s9, $0x0  }
.Ltmp8:
0x8c: {  	_ = 	snop;
	(pc) =	sbr.rel @p1 .LBB2_11-.Ltmp8, $2  }
0x8d: {  	_ =	sdelay $0x2  }
0x8e: {  	s7 =	sadd.s32 $0x80, s7;
	s8 =	sadd.s32 $0x80, s8  }
.LBB2_7:
0x8f: {  	s10 =	sand.u32 $0x1, s9  }
0x90: {  	p1 =	seq.s32 s10, $0x0  }
.Ltmp9:
0x91: {  	_ = 	snop;
	(pc) =	sbr.rel @p1 .LBB2_14-.Ltmp9, $1  }
0x92: {  	_ =	sdelay $0x3  }
0x93: {  	_ =	swait.ge [sflag:s28], $0x4000  }
0x94: {  	p1 =	seq.s32 s9, $0xFFFFFFFF;
	[sflag:s28] =	ssyncset.done $0x0  }
.Ltmp10:
0x95: {  	[sflag:s28] =	ssyncadd.s32 $0xFFFFC000;
	(pc) =	sbr.rel @p1 .LBB2_11-.Ltmp10, $4  }
0x96: {  	[spmem:s2] =	stream.indirect.scatter.add.f32 [tilespmem:s26], [sflag:$0x7], $0x80, s8, s21, $0xb8;
	[tilespmem:$0x1F400] =	vst v63  }
0x97: {  	_ =	swait.ge [sflag:s29], $0x4000  }
0x98: {  	[sflag:s29] =	ssyncset.done $0x0  }
0x99: {  	[sflag:s29] =	ssyncadd.s32 $0xFFFFC000  }
.Ltmp11:
0x9a: {  	(pc) =	sbr.rel .LBB2_10-.Ltmp11, $2  }
0x9b: {  	_ =	sdelay $0x2  }
0x9c: {  	[tilespmem:s22], [sflag:$0x4] =	stream.indirect.gather [spmem:s1], $0x80, s7, s21, $0xb8;
	[tilespmem:$0x1F400] =	vst v63  }
.LBB2_12:
0x9d: {  	_ =	sfence.sel $0x180000  }
0x9e: {  	[bflag:$0x0] =	sbarrier.arrive $0xFFFF  }
0x9f: {  	_ =	strace $0x9000004D  }
0xa0: {  	s0 =	stileid.u32;
	[bflag:$0x2] =	sbarrier.arrive $0xFFFF  }
0xa1: {  	p0 =	sne.s32 s0, $0x0;
	s0 =	rddreg [dreg:$0x5]  }
0xa2: {  	s0 =	sadd.s32 @!p0 $0x100000, s0  }
0xa3: {  	[sflag:s0] =	ssyncadd.tile.s32 @!p0 $0x1;
	_ =	shalt  }
.Lfunc_end2:
_tile_overlayer_lowered:
.L_overlay_start_2:
0xa4: {  	(tag) =	ssettag $0x2  }
0xa5: {  	s0 =	rddreg [dreg:$0x0];
	s2 =	stileid.u32  }
0xa6: {  	s1 =	rddreg [dreg:$0x1];
	p0 =	sne.s32 s2, $0x0  }
0xa7: {  	s3 =	rddreg [dreg:$0x2];
	[bflag:$0x3] =	sbarrier.arrive $0xFFFF;
	s2 =	simm.s32 @!p0 $0x1C08  }
0xa8: {  	[timem:s3], [sflag:s2] =	dma.local @!p0 [hbm:s0], s1  }
0xa9: {  	s0 =	simm.s32 @!p0 $0x8  }
0xaa: {  	_ =	swait.ge @!p0 [sflag:s0], s1  }
0xab: {  	s1 =	ssub.s32 @!p0 $0x0, s1;
	[sflag:s0] =	ssyncset.done @!p0 $0x0  }
0xac: {  	[sflag:s0] =	ssyncadd.s32 @!p0 s1  }
0xad: {  	[bflag:$0x3] =	sbarrier.arrive $0xFFFF  }
0xae: {  	_ =	shalt  }

</sc_bundles>
